<compile_context>
chip_gen: v7x
topology: tpu7x:2x2x1
jax: 0.10.2.dev20260603
libtpu: 0.0.44.dev20260713+nightly
codegen_flags: <defaults>
</compile_context>

<pallas_src>
import functools

import jax
import jax.numpy as jnp
from jax import lax
from jax.experimental import pallas as pl
from jax.experimental.pallas import tpu as pltpu
from jax.experimental.pallas import tpu_sc as plsc

N_NODES = 10000
D = 128
NC = 2
NS = 16
NW = NC * NS
CH = 80
S = 126
E_PAD = NW * S * CH
N_PAD = N_NODES + 112
SUB = N_PAD // NS
L = 16

_f32 = jnp.float32


def _fill_2d(ref, nrows, ncols, value):
    v = jnp.full((L,), value, _f32)

    def row(r, carry):
        for c in range(ncols // L):
            ref[r, pl.ds(c * L, L)] = v
        return carry

    lax.fori_loop(0, nrows, row, 0)


def _fill_1d(ref, n, value):
    v = jnp.full((L,), value, _f32)

    def step(i, carry):
        ref[pl.ds(i * L, L)] = v
        return carry

    lax.fori_loop(0, n // L, step, 0)


def _copy_chunks(src_ref, dst_ref, base):
    for off in range(0, SUB, CH):
        sz = min(CH, SUB - off)
        pltpu.sync_copy(src_ref.at[pl.ds(0, sz)], dst_ref.at[pl.ds(base + off, sz)])


def _make_sc_agg(with_cnt):
    mesh = plsc.VectorSubcoreMesh(core_axis_name="c", subcore_axis_name="s",
                                  num_cores=NC, num_subcores=NS)
    out_type = [jax.ShapeDtypeStruct((NC, N_PAD, D), _f32)]
    if with_cnt:
        out_type.append(jax.ShapeDtypeStruct((NW, N_PAD), _f32))
    NI = 6
    NR = 3
    scratch = (
        [pltpu.VMEM((2, CH), jnp.int32) for _ in range(NI)]
        + [pltpu.VMEM((CH, D), _f32) for _ in range(NR)]
        + [pltpu.VMEM_SHARED((N_PAD, D), _f32)]
        + [pltpu.SemaphoreType.DMA for _ in range(NR)]
        + [pltpu.SemaphoreType.DMA,
           pltpu.SemaphoreType.DMA]
    )
    if with_cnt:
        scratch.append(pltpu.VMEM((N_PAD,), _f32))

    def body(*refs):
        f_hbm, edges, psum = refs[:3]
        refs = refs[3:]
        if with_cnt:
            pcnt, refs = refs[0], refs[1:]
            cnt_v = refs[-1]
            refs = refs[:-1]
        idx = refs[:NI]
        rows = refs[NI:NI + NR]
        acc_sh = refs[NI + NR]
        gsem = refs[NI + NR + 1:NI + NR + 1 + NR]
        isem, ssem = refs[NI + NR + 1 + NR:NI + NR + 3 + NR]
        c = lax.axis_index("c")
        s = lax.axis_index("s")
        w = c * NS + s

        _fill_2d(rows[0], CH, D, 0.0)
        _copy_chunks(rows[0], acc_sh, s * SUB)
        _fill_2d(rows[NR - 1], CH, D, 0.0)
        if with_cnt:
            _fill_1d(cnt_v, N_PAD, 0.0)
        plsc.subcore_barrier()

        ones16 = jnp.ones((L,), _f32)

        def step(j, a, ci, ia):
            ig = (ia + NR - 1) % NI
            inx = (ia + NR) % NI
            pltpu.make_async_copy(edges.at[w, 0], idx[ig], isem).wait()
            pltpu.make_async_copy(rows[ci], acc_sh.at[idx[0].at[1]], ssem).wait()
            pltpu.async_copy(f_hbm.at[idx[ig].at[0]], rows[ci], gsem[ci])
            pltpu.make_async_copy(f_hbm.at[idx[0].at[0]], rows[a], gsem[a]).wait()
            pltpu.async_copy(rows[a], acc_sh.at[idx[ia].at[1]], ssem, add=True)
            if with_cnt:
                for k in range(CH // L):
                    iv = idx[ia][1, pl.ds(k * L, L)]
                    plsc.addupdate_scatter(cnt_v, [iv], ones16)
            pltpu.async_copy(edges.at[w, j + NR], idx[inx], isem)

        for i in range(NR - 1):
            pltpu.async_copy(edges.at[w, i], idx[i], isem)
            pltpu.make_async_copy(edges.at[w, i], idx[i], isem).wait()
            pltpu.async_copy(f_hbm.at[idx[i].at[0]], rows[i], gsem[i])
        pltpu.async_copy(rows[NR - 1], acc_sh.at[idx[0].at[1]], ssem, add=True)
        pltpu.async_copy(edges.at[w, NR - 1], idx[NR - 1], isem)

        def unrolled(t, carry):
            j = t * NI
            for u in range(NI):
                step(j + u, u % NR, (u + NR - 1) % NR, u)
            return carry

        lax.fori_loop(0, S // NI, unrolled, 0)
        pltpu.make_async_copy(rows[0], acc_sh.at[idx[0].at[1]], ssem).wait()
        for i in range(NR - 1):
            pltpu.make_async_copy(f_hbm.at[idx[0].at[0]], rows[(S + i) % NR],
                                  gsem[(S + i) % NR]).wait()
        pltpu.make_async_copy(edges.at[w, 0], idx[0], isem).wait()
        plsc.subcore_barrier()

        pltpu.sync_copy(acc_sh.at[pl.ds(s * SUB, SUB)],
                        psum.at[c, pl.ds(s * SUB, SUB)])
        if with_cnt:
            pltpu.sync_copy(cnt_v, pcnt.at[w])

    return pl.kernel(
        body, out_type=out_type, mesh=mesh, scratch_types=scratch,
        compiler_params=pltpu.CompilerParams(needs_layout_passes=False))


@functools.cache
def _sc_agg(with_cnt):
    return _make_sc_agg(with_cnt)


def _dense_body(do_relu, p_ref, pc_ref, x_ref, wl_ref, wr_ref, b_ref, o_ref):
    acc = p_ref[0] + p_ref[1]
    cnt = lax.dot_general(pc_ref[...], jnp.ones((NW, 1), _f32),
                          (((0,), (0,)), ((), ())), preferred_element_type=_f32)
    agg = acc * (1.0 / jnp.maximum(cnt, 1.0))
    y = lax.dot_general(agg, wl_ref[...], (((1,), (1,)), ((), ())),
                        preferred_element_type=_f32)
    y = y + lax.dot_general(x_ref[...], wr_ref[...], (((1,), (1,)), ((), ())),
                            preferred_element_type=_f32)
    y = y + b_ref[...]
    if do_relu:
        y = jnp.maximum(y, 0.0)
    o_ref[...] = y


def _dense(p, pc, x, Wl, Wr, b, do_relu):
    R = 1024
    G = -(-N_NODES // R)
    return pl.pallas_call(
        functools.partial(_dense_body, do_relu),
        grid=(G,),
        in_specs=[
            pl.BlockSpec((NC, R, D), lambda i: (0, i, 0)),
            pl.BlockSpec((NW, R), lambda i: (0, i)),
            pl.BlockSpec((R, D), lambda i: (i, 0)),
            pl.BlockSpec((D, D), lambda i: (0, 0)),
            pl.BlockSpec((D, D), lambda i: (0, 0)),
            pl.BlockSpec((1, D), lambda i: (0, 0)),
        ],
        out_specs=pl.BlockSpec((R, D), lambda i: (i, 0)),
        out_shape=jax.ShapeDtypeStruct((N_NODES, D), _f32),
    )(p, pc, x, Wl, Wr, b)


def kernel(x, edge_index, Wl1, Wr1, b1, Wl2, Wr2, b2):
    src = edge_index[0].astype(jnp.int32)
    dst = edge_index[1].astype(jnp.int32)
    e = src.shape[0]
    pad = E_PAD - e
    pad_src = (jnp.arange(pad, dtype=jnp.int32) * 97) % N_NODES
    pad_dst = N_NODES + (jnp.arange(pad, dtype=jnp.int32) % 16)
    srcs = jnp.concatenate([src, pad_src]).reshape(NW, S, CH)
    dsts = jnp.concatenate([dst, pad_dst]).reshape(NW, S, CH)
    edges = jnp.pad(jnp.stack([srcs, dsts], axis=2),
                    ((0, 0), (0, 4), (0, 0), (0, 0)), mode="wrap")
    b1r = b1.reshape(1, D)
    b2r = b2.reshape(1, D)

    p1, c1 = _sc_agg(True)(x, edges)
    h = _dense(p1, c1, x, Wl1, Wr1, b1r, True)
    (p2,) = _sc_agg(False)(h, edges)
    out = _dense(p2, c1, h, Wl2, Wr2, b2r, False)
    return out

# --- scband reference (transcript-rebuilt; emitter-appended) ---
"""Pipeline reference for scband-model-51032801411125 (READ-ONLY COPY).

The authoritative reference and input builder live on the scoring server;
editing this copy changes nothing except your own understanding.
"""

import jax, jax.numpy as jnp
import numpy as np

N_NODES = 10000
N_EDGES = 320000
D_FEAT = 128
HIDDEN = 128


def _sage_conv(x, edge_index, W_l, W_r, b):
    # PyG SAGEConv with default mean aggregation:
    # out[i] = W_l @ mean_{j in N(i)} x[j] + W_r @ x[i] + b
    src = edge_index[0]
    dst = edge_index[1]
    msg = jnp.take(x, src, axis=0)                                   # gather (SparseCore)
    agg = jax.ops.segment_sum(msg, dst, num_segments=x.shape[0])      # scatter-add
    cnt = jax.ops.segment_sum(jnp.ones((msg.shape[0],), dtype=x.dtype), dst,
                              num_segments=x.shape[0])
    agg = agg / jnp.maximum(cnt, 1.0)[:, None]
    return agg @ W_l.T + x @ W_r.T + b


def setup_inputs(seed: int = 0) -> dict:
    key = jax.random.key(seed)
    k0, k1, k2, k3, k4, k5, k6, k7 = jax.random.split(key, 8)
    x = jax.random.normal(k0, (N_NODES, D_FEAT), dtype=jnp.float32)
    edge_index = jax.random.randint(k1, (2, N_EDGES), 0, N_NODES, dtype=jnp.int64)
    s1 = 1.0 / np.sqrt(D_FEAT)
    s2 = 1.0 / np.sqrt(HIDDEN)
    Wl1 = jax.random.uniform(k2, (HIDDEN, D_FEAT), minval=-s1, maxval=s1, dtype=jnp.float32)
    Wr1 = jax.random.uniform(k3, (HIDDEN, D_FEAT), minval=-s1, maxval=s1, dtype=jnp.float32)
    b1 = jnp.zeros((HIDDEN,), dtype=jnp.float32)
    Wl2 = jax.random.uniform(k4, (HIDDEN, HIDDEN), minval=-s2, maxval=s2, dtype=jnp.float32)
    Wr2 = jax.random.uniform(k5, (HIDDEN, HIDDEN), minval=-s2, maxval=s2, dtype=jnp.float32)
    b2 = jnp.zeros((HIDDEN,), dtype=jnp.float32)
    return {"x": x, "edge_index": edge_index, "Wl1": Wl1, "Wr1": Wr1, "b1": b1,
            "Wl2": Wl2, "Wr2": Wr2, "b2": b2}


def reference(x, edge_index, Wl1, Wr1, b1, Wl2, Wr2, b2):
    # GNNEncoder forward (to_hetero with a single node/edge type collapses to this):
    h = _sage_conv(x, edge_index, Wl1, Wr1, b1)
    h = jax.nn.relu(h)
    out = _sage_conv(h, edge_index, Wl2, Wr2, b2)
    return out

if __name__ == "__main__":
    import jax
    _d = setup_inputs()
    print(jax.jit(kernel)(*tuple(_d.values())))

</pallas_src>

<mosaic_0001>
#map = affine_map<(d0, d1) -> (0, 0)>
#map1 = affine_map<(d0, d1) -> (0, 0, 0, 0)>
#map2 = affine_map<(d0, d1) -> (0, 0, 0)>
module attributes {stable_mosaic.version = 14 : i64} {
  func.func @body(%arg0: i32, %arg1: i32, %arg2: memref<10000x128xf32, #tpu.memory_space<hbm>>, %arg3: memref<32x130x2x80xi32, #tpu.memory_space<hbm>>, %arg4: memref<2x10112x128xf32, #tpu.memory_space<hbm>>, %arg5: memref<2x80xi32, #tpu.memory_space<vmem>>, %arg6: memref<2x80xi32, #tpu.memory_space<vmem>>, %arg7: memref<2x80xi32, #tpu.memory_space<vmem>>, %arg8: memref<2x80xi32, #tpu.memory_space<vmem>>, %arg9: memref<2x80xi32, #tpu.memory_space<vmem>>, %arg10: memref<2x80xi32, #tpu.memory_space<vmem>>, %arg11: memref<80x128xf32, #tpu.memory_space<vmem>>, %arg12: memref<80x128xf32, #tpu.memory_space<vmem>>, %arg13: memref<80x128xf32, #tpu.memory_space<vmem>>, %arg14: memref<10112x128xf32, #tpu.memory_space<vmem_shared>>, %arg15: memref<!tpu.dma_semaphore, #tpu.memory_space<semaphore_mem>>, %arg16: memref<!tpu.dma_semaphore, #tpu.memory_space<semaphore_mem>>, %arg17: memref<!tpu.dma_semaphore, #tpu.memory_space<semaphore_mem>>, %arg18: memref<!tpu.dma_semaphore, #tpu.memory_space<semaphore_mem>>, %arg19: memref<!tpu.dma_semaphore, #tpu.memory_space<semaphore_mem>>) attributes {dimension_semantics = [#tpu.dimension_semantics<core_parallel>, #tpu.dimension_semantics<subcore_parallel>], iteration_bounds = array<i64: 2, 16>, scalar_prefetch = 0 : i64, scratch_operands = 15 : i64, tpu.core_type = #tpu.core_type<sc_vector_subcore>, window_params = [{transform_indices = #map}, {transform_indices = #map1}, {transform_indices = #map2}]} {
    %mul3A = arith.constant 16 : i32
    %mul3A_0 = arith.muli %arg0, %mul3A : i32
    %add3A = arith.addi %mul3A_0, %arg1 : i32
    %broadcast_in_dim3A = arith.constant 0.000000e+00 : f32
    %broadcast_in_dim3A_1 = vector.broadcast %broadcast_in_dim3A : f32 to vector<16xf32>
    %scan3A = arith.constant 0 : i32
    %scan3A_2 = arith.constant 0 : i32
    %scan3A_3 = arith.constant 80 : i32
    %scan3A_4 = arith.addi %scan3A_2, %scan3A_3 : i32
    %scan3A_5 = arith.constant 1 : i32
    scf.for %scan3A_140 = %scan3A_2 to %scan3A_4 step %scan3A_5  : i32 {
      %swap3A = arith.index_cast %scan3A_140 : i32 to index
      %swap3A_141 = arith.constant 0 : index
      %swap3A_142 = tpu.vector_load %arg11[%swap3A, %swap3A_141] {strides = array<i32>} : memref<80x128xf32, #tpu.memory_space<vmem>>, vector<16xf32>,
      tpu.vector_store %arg11[%swap3A, %swap3A_141], %broadcast_in_dim3A_1 {strides = array<i32>} : memref<80x128xf32, #tpu.memory_space<vmem>>, vector<16xf32>,
      %swap3A_143 = arith.index_cast %scan3A_140 : i32 to index
      %swap3A_144 = arith.constant 16 : index
      %swap3A_145 = tpu.vector_load %arg11[%swap3A_143, %swap3A_144] {strides = array<i32>} : memref<80x128xf32, #tpu.memory_space<vmem>>, vector<16xf32>,
      tpu.vector_store %arg11[%swap3A_143, %swap3A_144], %broadcast_in_dim3A_1 {strides = array<i32>} : memref<80x128xf32, #tpu.memory_space<vmem>>, vector<16xf32>,
      %swap3A_146 = arith.index_cast %scan3A_140 : i32 to index
      %swap3A_147 = arith.constant 32 : index
      %swap3A_148 = tpu.vector_load %arg11[%swap3A_146, %swap3A_147] {strides = array<i32>} : memref<80x128xf32, #tpu.memory_space<vmem>>, vector<16xf32>,
      tpu.vector_store %arg11[%swap3A_146, %swap3A_147], %broadcast_in_dim3A_1 {strides = array<i32>} : memref<80x128xf32, #tpu.memory_space<vmem>>, vector<16xf32>,
      %swap3A_149 = arith.index_cast %scan3A_140 : i32 to index
      %swap3A_150 = arith.constant 48 : index
      %swap3A_151 = tpu.vector_load %arg11[%swap3A_149, %swap3A_150] {strides = array<i32>} : memref<80x128xf32, #tpu.memory_space<vmem>>, vector<16xf32>,
      tpu.vector_store %arg11[%swap3A_149, %swap3A_150], %broadcast_in_dim3A_1 {strides = array<i32>} : memref<80x128xf32, #tpu.memory_space<vmem>>, vector<16xf32>,
      %swap3A_152 = arith.index_cast %scan3A_140 : i32 to index
      %swap3A_153 = arith.constant 64 : index
      %swap3A_154 = tpu.vector_load %arg11[%swap3A_152, %swap3A_153] {strides = array<i32>} : memref<80x128xf32, #tpu.memory_space<vmem>>, vector<16xf32>,
      tpu.vector_store %arg11[%swap3A_152, %swap3A_153], %broadcast_in_dim3A_1 {strides = array<i32>} : memref<80x128xf32, #tpu.memory_space<vmem>>, vector<16xf32>,
      %swap3A_155 = arith.index_cast %scan3A_140 : i32 to index
      %swap3A_156 = arith.constant 80 : index
      %swap3A_157 = tpu.vector_load %arg11[%swap3A_155, %swap3A_156] {strides = array<i32>} : memref<80x128xf32, #tpu.memory_space<vmem>>, vector<16xf32>,
      tpu.vector_store %arg11[%swap3A_155, %swap3A_156], %broadcast_in_dim3A_1 {strides = array<i32>} : memref<80x128xf32, #tpu.memory_space<vmem>>, vector<16xf32>,
      %swap3A_158 = arith.index_cast %scan3A_140 : i32 to index
      %swap3A_159 = arith.constant 96 : index
      %swap3A_160 = tpu.vector_load %arg11[%swap3A_158, %swap3A_159] {strides = array<i32>} : memref<80x128xf32, #tpu.memory_space<vmem>>, vector<16xf32>,
      tpu.vector_store %arg11[%swap3A_158, %swap3A_159], %broadcast_in_dim3A_1 {strides = array<i32>} : memref<80x128xf32, #tpu.memory_space<vmem>>, vector<16xf32>,
      %swap3A_161 = arith.index_cast %scan3A_140 : i32 to index
      %swap3A_162 = arith.constant 112 : index
      %swap3A_163 = tpu.vector_load %arg11[%swap3A_161, %swap3A_162] {strides = array<i32>} : memref<80x128xf32, #tpu.memory_space<vmem>>, vector<16xf32>,
      tpu.vector_store %arg11[%swap3A_161, %swap3A_162], %broadcast_in_dim3A_1 {strides = array<i32>} : memref<80x128xf32, #tpu.memory_space<vmem>>, vector<16xf32>,
    }
    %scan3A_6 = arith.constant 80 : i32
    %mul3A_7 = arith.constant 632 : i32
    %mul3A_8 = arith.muli %arg1, %mul3A_7 : i32
    %add3A_9 = arith.constant 0 : i32
    %add3A_10 = arith.addi %mul3A_8, %add3A_9 : i32
    "tpu.region"() ({
      %run_scoped3A = tpu.sem_alloc : memref<!tpu.dma_semaphore, #tpu.memory_space<semaphore_mem>>
      %dma_start3A_140 = arith.constant 0 : i32
      %dma_start3A_141 = arith.constant 0 : i32
      %dma_start3A_142 = tpu.memref_slice %arg11[%dma_start3A_140, %dma_start3A_141] : memref<80x128xf32, #tpu.memory_space<vmem>> -> memref<80x128xf32, #tpu.memory_space<vmem>>
      %dma_start3A_143 = arith.constant 0 : i32
      %dma_start3A_144 = tpu.memref_slice %arg14[%add3A_10, %dma_start3A_143] : memref<10112x128xf32, #tpu.memory_space<vmem_shared>> -> memref<80x128xf32, #tpu.memory_space<vmem_shared>>
      %dma_start3A_145 = arith.constant 0 : i32
      %dma_start3A_146 = tpu.memref_slice %arg14[%add3A_10, %dma_start3A_145] : memref<10112x128xf32, #tpu.memory_space<vmem_shared>> -> memref<80x128xf32, #tpu.memory_space<vmem_shared>>
      %dma_start3A_147 = arith.constant 0 : i32
      %dma_start3A_148 = arith.constant 0 : i32
      %dma_start3A_149 = tpu.memref_slice %arg11[%dma_start3A_147, %dma_start3A_148] : memref<80x128xf32, #tpu.memory_space<vmem>> -> memref<80x128xf32, #tpu.memory_space<vmem>>
      tpu.enqueue_dma source(%dma_start3A_149 : memref<80x128xf32, #tpu.memory_space<vmem>>) target(%dma_start3A_146 : memref<80x128xf32, #tpu.memory_space<vmem_shared>>) target_semaphore(%run_scoped3A : memref<!tpu.dma_semaphore, #tpu.memory_space<semaphore_mem>>)
      %dma_wait3A_150 = arith.constant 0 : i32
      %dma_wait3A_151 = arith.constant 0 : i32
      %dma_wait3A_152 = tpu.memref_slice %arg11[%dma_wait3A_150, %dma_wait3A_151] : memref<80x128xf32, #tpu.memory_space<vmem>> -> memref<80x128xf32, #tpu.memory_space<vmem>>
      %dma_wait3A_153 = arith.constant 0 : i32
      %dma_wait3A_154 = tpu.memref_slice %arg14[%add3A_10, %dma_wait3A_153] : memref<10112x128xf32, #tpu.memory_space<vmem_shared>> -> memref<80x128xf32, #tpu.memory_space<vmem_shared>>
      %dma_wait3A_155 = arith.constant 0 : i32
      %dma_wait3A_156 = tpu.memref_slice %arg14[%add3A_10, %dma_wait3A_155] : memref<10112x128xf32, #tpu.memory_space<vmem_shared>> -> memref<80x128xf32, #tpu.memory_space<vmem_shared>>
      %dma_wait3A_157 = arith.constant 0 : i32
      %dma_wait3A_158 = arith.constant 0 : i32
      %dma_wait3A_159 = tpu.memref_slice %arg11[%dma_wait3A_157, %dma_wait3A_158] : memref<80x128xf32, #tpu.memory_space<vmem>> -> memref<80x128xf32, #tpu.memory_space<vmem>>
      tpu.wait_dma2 semaphore(%run_scoped3A : memref<!tpu.dma_semaphore, #tpu.memory_space<semaphore_mem>>) src(%dma_wait3A_159 : memref<80x128xf32, #tpu.memory_space<vmem>>) dst(%dma_wait3A_156 : memref<80x128xf32, #tpu.memory_space<vmem_shared>>)
      tpu.yield
    }) : () -> ()
    %add3A_11 = arith.constant 80 : i32
    %add3A_12 = arith.addi %mul3A_8, %add3A_11 : i32
    "tpu.region"() ({
      %run_scoped3A = tpu.sem_alloc : memref<!tpu.dma_semaphore, #tpu.memory_space<semaphore_mem>>
      %dma_start3A_140 = arith.constant 0 : i32
      %dma_start3A_141 = arith.constant 0 : i32
      %dma_start3A_142 = tpu.memref_slice %arg11[%dma_start3A_140, %dma_start3A_141] : memref<80x128xf32, #tpu.memory_space<vmem>> -> memref<80x128xf32, #tpu.memory_space<vmem>>
      %dma_start3A_143 = arith.constant 0 : i32
      %dma_start3A_144 = tpu.memref_slice %arg14[%add3A_12, %dma_start3A_143] : memref<10112x128xf32, #tpu.memory_space<vmem_shared>> -> memref<80x128xf32, #tpu.memory_space<vmem_shared>>
      %dma_start3A_145 = arith.constant 0 : i32
      %dma_start3A_146 = tpu.memref_slice %arg14[%add3A_12, %dma_start3A_145] : memref<10112x128xf32, #tpu.memory_space<vmem_shared>> -> memref<80x128xf32, #tpu.memory_space<vmem_shared>>
      %dma_start3A_147 = arith.constant 0 : i32
      %dma_start3A_148 = arith.constant 0 : i32
      %dma_start3A_149 = tpu.memref_slice %arg11[%dma_start3A_147, %dma_start3A_148] : memref<80x128xf32, #tpu.memory_space<vmem>> -> memref<80x128xf32, #tpu.memory_space<vmem>>
      tpu.enqueue_dma source(%dma_start3A_149 : memref<80x128xf32, #tpu.memory_space<vmem>>) target(%dma_start3A_146 : memref<80x128xf32, #tpu.memory_space<vmem_shared>>) target_semaphore(%run_scoped3A : memref<!tpu.dma_semaphore, #tpu.memory_space<semaphore_mem>>)
      %dma_wait3A_150 = arith.constant 0 : i32
      %dma_wait3A_151 = arith.constant 0 : i32
      %dma_wait3A_152 = tpu.memref_slice %arg11[%dma_wait3A_150, %dma_wait3A_151] : memref<80x128xf32, #tpu.memory_space<vmem>> -> memref<80x128xf32, #tpu.memory_space<vmem>>
      %dma_wait3A_153 = arith.constant 0 : i32
      %dma_wait3A_154 = tpu.memref_slice %arg14[%add3A_12, %dma_wait3A_153] : memref<10112x128xf32, #tpu.memory_space<vmem_shared>> -> memref<80x128xf32, #tpu.memory_space<vmem_shared>>
      %dma_wait3A_155 = arith.constant 0 : i32
      %dma_wait3A_156 = tpu.memref_slice %arg14[%add3A_12, %dma_wait3A_155] : memref<10112x128xf32, #tpu.memory_space<vmem_shared>> -> memref<80x128xf32, #tpu.memory_space<vmem_shared>>
      %dma_wait3A_157 = arith.constant 0 : i32
      %dma_wait3A_158 = arith.constant 0 : i32
      %dma_wait3A_159 = tpu.memref_slice %arg11[%dma_wait3A_157, %dma_wait3A_158] : memref<80x128xf32, #tpu.memory_space<vmem>> -> memref<80x128xf32, #tpu.memory_space<vmem>>
      tpu.wait_dma2 semaphore(%run_scoped3A : memref<!tpu.dma_semaphore, #tpu.memory_space<semaphore_mem>>) src(%dma_wait3A_159 : memref<80x128xf32, #tpu.memory_space<vmem>>) dst(%dma_wait3A_156 : memref<80x128xf32, #tpu.memory_space<vmem_shared>>)
      tpu.yield
    }) : () -> ()
    %add3A_13 = arith.constant 160 : i32
    %add3A_14 = arith.addi %mul3A_8, %add3A_13 : i32
    "tpu.region"() ({
      %run_scoped3A = tpu.sem_alloc : memref<!tpu.dma_semaphore, #tpu.memory_space<semaphore_mem>>
      %dma_start3A_140 = arith.constant 0 : i32
      %dma_start3A_141 = arith.constant 0 : i32
      %dma_start3A_142 = tpu.memref_slice %arg11[%dma_start3A_140, %dma_start3A_141] : memref<80x128xf32, #tpu.memory_space<vmem>> -> memref<80x128xf32, #tpu.memory_space<vmem>>
      %dma_start3A_143 = arith.constant 0 : i32
      %dma_start3A_144 = tpu.memref_slice %arg14[%add3A_14, %dma_start3A_143] : memref<10112x128xf32, #tpu.memory_space<vmem_shared>> -> memref<80x128xf32, #tpu.memory_space<vmem_shared>>
      %dma_start3A_145 = arith.constant 0 : i32
      %dma_start3A_146 = tpu.memref_slice %arg14[%add3A_14, %dma_start3A_145] : memref<10112x128xf32, #tpu.memory_space<vmem_shared>> -> memref<80x128xf32, #tpu.memory_space<vmem_shared>>
      %dma_start3A_147 = arith.constant 0 : i32
      %dma_start3A_148 = arith.constant 0 : i32
      %dma_start3A_149 = tpu.memref_slice %arg11[%dma_start3A_147, %dma_start3A_148] : memref<80x128xf32, #tpu.memory_space<vmem>> -> memref<80x128xf32, #tpu.memory_space<vmem>>
      tpu.enqueue_dma source(%dma_start3A_149 : memref<80x128xf32, #tpu.memory_space<vmem>>) target(%dma_start3A_146 : memref<80x128xf32, #tpu.memory_space<vmem_shared>>) target_semaphore(%run_scoped3A : memref<!tpu.dma_semaphore, #tpu.memory_space<semaphore_mem>>)
      %dma_wait3A_150 = arith.constant 0 : i32
      %dma_wait3A_151 = arith.constant 0 : i32
      %dma_wait3A_152 = tpu.memref_slice %arg11[%dma_wait3A_150, %dma_wait3A_151] : memref<80x128xf32, #tpu.memory_space<vmem>> -> memref<80x128xf32, #tpu.memory_space<vmem>>
      %dma_wait3A_153 = arith.constant 0 : i32
      %dma_wait3A_154 = tpu.memref_slice %arg14[%add3A_14, %dma_wait3A_153] : memref<10112x128xf32, #tpu.memory_space<vmem_shared>> -> memref<80x128xf32, #tpu.memory_space<vmem_shared>>
      %dma_wait3A_155 = arith.constant 0 : i32
      %dma_wait3A_156 = tpu.memref_slice %arg14[%add3A_14, %dma_wait3A_155] : memref<10112x128xf32, #tpu.memory_space<vmem_shared>> -> memref<80x128xf32, #tpu.memory_space<vmem_shared>>
      %dma_wait3A_157 = arith.constant 0 : i32
      %dma_wait3A_158 = arith.constant 0 : i32
      %dma_wait3A_159 = tpu.memref_slice %arg11[%dma_wait3A_157, %dma_wait3A_158] : memref<80x128xf32, #tpu.memory_space<vmem>> -> memref<80x128xf32, #tpu.memory_space<vmem>>
      tpu.wait_dma2 semaphore(%run_scoped3A : memref<!tpu.dma_semaphore, #tpu.memory_space<semaphore_mem>>) src(%dma_wait3A_159 : memref<80x128xf32, #tpu.memory_space<vmem>>) dst(%dma_wait3A_156 : memref<80x128xf32, #tpu.memory_space<vmem_shared>>)
      tpu.yield
    }) : () -> ()
    %add3A_15 = arith.constant 240 : i32
    %add3A_16 = arith.addi %mul3A_8, %add3A_15 : i32
    "tpu.region"() ({
      %run_scoped3A = tpu.sem_alloc : memref<!tpu.dma_semaphore, #tpu.memory_space<semaphore_mem>>
      %dma_start3A_140 = arith.constant 0 : i32
      %dma_start3A_141 = arith.constant 0 : i32
      %dma_start3A_142 = tpu.memref_slice %arg11[%dma_start3A_140, %dma_start3A_141] : memref<80x128xf32, #tpu.memory_space<vmem>> -> memref<80x128xf32, #tpu.memory_space<vmem>>
      %dma_start3A_143 = arith.constant 0 : i32
      %dma_start3A_144 = tpu.memref_slice %arg14[%add3A_16, %dma_start3A_143] : memref<10112x128xf32, #tpu.memory_space<vmem_shared>> -> memref<80x128xf32, #tpu.memory_space<vmem_shared>>
      %dma_start3A_145 = arith.constant 0 : i32
      %dma_start3A_146 = tpu.memref_slice %arg14[%add3A_16, %dma_start3A_145] : memref<10112x128xf32, #tpu.memory_space<vmem_shared>> -> memref<80x128xf32, #tpu.memory_space<vmem_shared>>
      %dma_start3A_147 = arith.constant 0 : i32
      %dma_start3A_148 = arith.constant 0 : i32
      %dma_start3A_149 = tpu.memref_slice %arg11[%dma_start3A_147, %dma_start3A_148] : memref<80x128xf32, #tpu.memory_space<vmem>> -> memref<80x128xf32, #tpu.memory_space<vmem>>
      tpu.enqueue_dma source(%dma_start3A_149 : memref<80x128xf32, #tpu.memory_space<vmem>>) target(%dma_start3A_146 : memref<80x128xf32, #tpu.memory_space<vmem_shared>>) target_semaphore(%run_scoped3A : memref<!tpu.dma_semaphore, #tpu.memory_space<semaphore_mem>>)
      %dma_wait3A_150 = arith.constant 0 : i32
      %dma_wait3A_151 = arith.constant 0 : i32
      %dma_wait3A_152 = tpu.memref_slice %arg11[%dma_wait3A_150, %dma_wait3A_151] : memref<80x128xf32, #tpu.memory_space<vmem>> -> memref<80x128xf32, #tpu.memory_space<vmem>>
      %dma_wait3A_153 = arith.constant 0 : i32
      %dma_wait3A_154 = tpu.memref_slice %arg14[%add3A_16, %dma_wait3A_153] : memref<10112x128xf32, #tpu.memory_space<vmem_shared>> -> memref<80x128xf32, #tpu.memory_space<vmem_shared>>
      %dma_wait3A_155 = arith.constant 0 : i32
      %dma_wait3A_156 = tpu.memref_slice %arg14[%add3A_16, %dma_wait3A_155] : memref<10112x128xf32, #tpu.memory_space<vmem_shared>> -> memref<80x128xf32, #tpu.memory_space<vmem_shared>>
      %dma_wait3A_157 = arith.constant 0 : i32
      %dma_wait3A_158 = arith.constant 0 : i32
      %dma_wait3A_159 = tpu.memref_slice %arg11[%dma_wait3A_157, %dma_wait3A_158] : memref<80x128xf32, #tpu.memory_space<vmem>> -> memref<80x128xf32, #tpu.memory_space<vmem>>
      tpu.wait_dma2 semaphore(%run_scoped3A : memref<!tpu.dma_semaphore, #tpu.memory_space<semaphore_mem>>) src(%dma_wait3A_159 : memref<80x128xf32, #tpu.memory_space<vmem>>) dst(%dma_wait3A_156 : memref<80x128xf32, #tpu.memory_space<vmem_shared>>)
      tpu.yield
    }) : () -> ()
    %add3A_17 = arith.constant 320 : i32
    %add3A_18 = arith.addi %mul3A_8, %add3A_17 : i32
    "tpu.region"() ({
      %run_scoped3A = tpu.sem_alloc : memref<!tpu.dma_semaphore, #tpu.memory_space<semaphore_mem>>
      %dma_start3A_140 = arith.constant 0 : i32
      %dma_start3A_141 = arith.constant 0 : i32
      %dma_start3A_142 = tpu.memref_slice %arg11[%dma_start3A_140, %dma_start3A_141] : memref<80x128xf32, #tpu.memory_space<vmem>> -> memref<80x128xf32, #tpu.memory_space<vmem>>
      %dma_start3A_143 = arith.constant 0 : i32
      %dma_start3A_144 = tpu.memref_slice %arg14[%add3A_18, %dma_start3A_143] : memref<10112x128xf32, #tpu.memory_space<vmem_shared>> -> memref<80x128xf32, #tpu.memory_space<vmem_shared>>
      %dma_start3A_145 = arith.constant 0 : i32
      %dma_start3A_146 = tpu.memref_slice %arg14[%add3A_18, %dma_start3A_145] : memref<10112x128xf32, #tpu.memory_space<vmem_shared>> -> memref<80x128xf32, #tpu.memory_space<vmem_shared>>
      %dma_start3A_147 = arith.constant 0 : i32
      %dma_start3A_148 = arith.constant 0 : i32
      %dma_start3A_149 = tpu.memref_slice %arg11[%dma_start3A_147, %dma_start3A_148] : memref<80x128xf32, #tpu.memory_space<vmem>> -> memref<80x128xf32, #tpu.memory_space<vmem>>
      tpu.enqueue_dma source(%dma_start3A_149 : memref<80x128xf32, #tpu.memory_space<vmem>>) target(%dma_start3A_146 : memref<80x128xf32, #tpu.memory_space<vmem_shared>>) target_semaphore(%run_scoped3A : memref<!tpu.dma_semaphore, #tpu.memory_space<semaphore_mem>>)
      %dma_wait3A_150 = arith.constant 0 : i32
      %dma_wait3A_151 = arith.constant 0 : i32
      %dma_wait3A_152 = tpu.memref_slice %arg11[%dma_wait3A_150, %dma_wait3A_151] : memref<80x128xf32, #tpu.memory_space<vmem>> -> memref<80x128xf32, #tpu.memory_space<vmem>>
      %dma_wait3A_153 = arith.constant 0 : i32
      %dma_wait3A_154 = tpu.memref_slice %arg14[%add3A_18, %dma_wait3A_153] : memref<10112x128xf32, #tpu.memory_space<vmem_shared>> -> memref<80x128xf32, #tpu.memory_space<vmem_shared>>
      %dma_wait3A_155 = arith.constant 0 : i32
      %dma_wait3A_156 = tpu.memref_slice %arg14[%add3A_18, %dma_wait3A_155] : memref<10112x128xf32, #tpu.memory_space<vmem_shared>> -> memref<80x128xf32, #tpu.memory_space<vmem_shared>>
      %dma_wait3A_157 = arith.constant 0 : i32
      %dma_wait3A_158 = arith.constant 0 : i32
      %dma_wait3A_159 = tpu.memref_slice %arg11[%dma_wait3A_157, %dma_wait3A_158] : memref<80x128xf32, #tpu.memory_space<vmem>> -> memref<80x128xf32, #tpu.memory_space<vmem>>
      tpu.wait_dma2 semaphore(%run_scoped3A : memref<!tpu.dma_semaphore, #tpu.memory_space<semaphore_mem>>) src(%dma_wait3A_159 : memref<80x128xf32, #tpu.memory_space<vmem>>) dst(%dma_wait3A_156 : memref<80x128xf32, #tpu.memory_space<vmem_shared>>)
      tpu.yield
    }) : () -> ()
    %add3A_19 = arith.constant 400 : i32
    %add3A_20 = arith.addi %mul3A_8, %add3A_19 : i32
    "tpu.region"() ({
      %run_scoped3A = tpu.sem_alloc : memref<!tpu.dma_semaphore, #tpu.memory_space<semaphore_mem>>
      %dma_start3A_140 = arith.constant 0 : i32
      %dma_start3A_141 = arith.constant 0 : i32
      %dma_start3A_142 = tpu.memref_slice %arg11[%dma_start3A_140, %dma_start3A_141] : memref<80x128xf32, #tpu.memory_space<vmem>> -> memref<80x128xf32, #tpu.memory_space<vmem>>
      %dma_start3A_143 = arith.constant 0 : i32
      %dma_start3A_144 = tpu.memref_slice %arg14[%add3A_20, %dma_start3A_143] : memref<10112x128xf32, #tpu.memory_space<vmem_shared>> -> memref<80x128xf32, #tpu.memory_space<vmem_shared>>
      %dma_start3A_145 = arith.constant 0 : i32
      %dma_start3A_146 = tpu.memref_slice %arg14[%add3A_20, %dma_start3A_145] : memref<10112x128xf32, #tpu.memory_space<vmem_shared>> -> memref<80x128xf32, #tpu.memory_space<vmem_shared>>
      %dma_start3A_147 = arith.constant 0 : i32
      %dma_start3A_148 = arith.constant 0 : i32
      %dma_start3A_149 = tpu.memref_slice %arg11[%dma_start3A_147, %dma_start3A_148] : memref<80x128xf32, #tpu.memory_space<vmem>> -> memref<80x128xf32, #tpu.memory_space<vmem>>
      tpu.enqueue_dma source(%dma_start3A_149 : memref<80x128xf32, #tpu.memory_space<vmem>>) target(%dma_start3A_146 : memref<80x128xf32, #tpu.memory_space<vmem_shared>>) target_semaphore(%run_scoped3A : memref<!tpu.dma_semaphore, #tpu.memory_space<semaphore_mem>>)
      %dma_wait3A_150 = arith.constant 0 : i32
      %dma_wait3A_151 = arith.constant 0 : i32
      %dma_wait3A_152 = tpu.memref_slice %arg11[%dma_wait3A_150, %dma_wait3A_151] : memref<80x128xf32, #tpu.memory_space<vmem>> -> memref<80x128xf32, #tpu.memory_space<vmem>>
      %dma_wait3A_153 = arith.constant 0 : i32
      %dma_wait3A_154 = tpu.memref_slice %arg14[%add3A_20, %dma_wait3A_153] : memref<10112x128xf32, #tpu.memory_space<vmem_shared>> -> memref<80x128xf32, #tpu.memory_space<vmem_shared>>
      %dma_wait3A_155 = arith.constant 0 : i32
      %dma_wait3A_156 = tpu.memref_slice %arg14[%add3A_20, %dma_wait3A_155] : memref<10112x128xf32, #tpu.memory_space<vmem_shared>> -> memref<80x128xf32, #tpu.memory_space<vmem_shared>>
      %dma_wait3A_157 = arith.constant 0 : i32
      %dma_wait3A_158 = arith.constant 0 : i32
      %dma_wait3A_159 = tpu.memref_slice %arg11[%dma_wait3A_157, %dma_wait3A_158] : memref<80x128xf32, #tpu.memory_space<vmem>> -> memref<80x128xf32, #tpu.memory_space<vmem>>
      tpu.wait_dma2 semaphore(%run_scoped3A : memref<!tpu.dma_semaphore, #tpu.memory_space<semaphore_mem>>) src(%dma_wait3A_159 : memref<80x128xf32, #tpu.memory_space<vmem>>) dst(%dma_wait3A_156 : memref<80x128xf32, #tpu.memory_space<vmem_shared>>)
      tpu.yield
    }) : () -> ()
    %add3A_21 = arith.constant 480 : i32
    %add3A_22 = arith.addi %mul3A_8, %add3A_21 : i32
    "tpu.region"() ({
      %run_scoped3A = tpu.sem_alloc : memref<!tpu.dma_semaphore, #tpu.memory_space<semaphore_mem>>
      %dma_start3A_140 = arith.constant 0 : i32
      %dma_start3A_141 = arith.constant 0 : i32
      %dma_start3A_142 = tpu.memref_slice %arg11[%dma_start3A_140, %dma_start3A_141] : memref<80x128xf32, #tpu.memory_space<vmem>> -> memref<80x128xf32, #tpu.memory_space<vmem>>
      %dma_start3A_143 = arith.constant 0 : i32
      %dma_start3A_144 = tpu.memref_slice %arg14[%add3A_22, %dma_start3A_143] : memref<10112x128xf32, #tpu.memory_space<vmem_shared>> -> memref<80x128xf32, #tpu.memory_space<vmem_shared>>
      %dma_start3A_145 = arith.constant 0 : i32
      %dma_start3A_146 = tpu.memref_slice %arg14[%add3A_22, %dma_start3A_145] : memref<10112x128xf32, #tpu.memory_space<vmem_shared>> -> memref<80x128xf32, #tpu.memory_space<vmem_shared>>
      %dma_start3A_147 = arith.constant 0 : i32
      %dma_start3A_148 = arith.constant 0 : i32
      %dma_start3A_149 = tpu.memref_slice %arg11[%dma_start3A_147, %dma_start3A_148] : memref<80x128xf32, #tpu.memory_space<vmem>> -> memref<80x128xf32, #tpu.memory_space<vmem>>
      tpu.enqueue_dma source(%dma_start3A_149 : memref<80x128xf32, #tpu.memory_space<vmem>>) target(%dma_start3A_146 : memref<80x128xf32, #tpu.memory_space<vmem_shared>>) target_semaphore(%run_scoped3A : memref<!tpu.dma_semaphore, #tpu.memory_space<semaphore_mem>>)
      %dma_wait3A_150 = arith.constant 0 : i32
      %dma_wait3A_151 = arith.constant 0 : i32
      %dma_wait3A_152 = tpu.memref_slice %arg11[%dma_wait3A_150, %dma_wait3A_151] : memref<80x128xf32, #tpu.memory_space<vmem>> -> memref<80x128xf32, #tpu.memory_space<vmem>>
      %dma_wait3A_153 = arith.constant 0 : i32
      %dma_wait3A_154 = tpu.memref_slice %arg14[%add3A_22, %dma_wait3A_153] : memref<10112x128xf32, #tpu.memory_space<vmem_shared>> -> memref<80x128xf32, #tpu.memory_space<vmem_shared>>
      %dma_wait3A_155 = arith.constant 0 : i32
      %dma_wait3A_156 = tpu.memref_slice %arg14[%add3A_22, %dma_wait3A_155] : memref<10112x128xf32, #tpu.memory_space<vmem_shared>> -> memref<80x128xf32, #tpu.memory_space<vmem_shared>>
      %dma_wait3A_157 = arith.constant 0 : i32
      %dma_wait3A_158 = arith.constant 0 : i32
      %dma_wait3A_159 = tpu.memref_slice %arg11[%dma_wait3A_157, %dma_wait3A_158] : memref<80x128xf32, #tpu.memory_space<vmem>> -> memref<80x128xf32, #tpu.memory_space<vmem>>
      tpu.wait_dma2 semaphore(%run_scoped3A : memref<!tpu.dma_semaphore, #tpu.memory_space<semaphore_mem>>) src(%dma_wait3A_159 : memref<80x128xf32, #tpu.memory_space<vmem>>) dst(%dma_wait3A_156 : memref<80x128xf32, #tpu.memory_space<vmem_shared>>)
      tpu.yield
    }) : () -> ()
    %add3A_23 = arith.constant 560 : i32
    %add3A_24 = arith.addi %mul3A_8, %add3A_23 : i32
    "tpu.region"() ({
      %run_scoped3A = tpu.sem_alloc : memref<!tpu.dma_semaphore, #tpu.memory_space<semaphore_mem>>
      %dma_start3A_140 = arith.constant 0 : i32
      %dma_start3A_141 = arith.constant 0 : i32
      %dma_start3A_142 = tpu.memref_slice %arg11[%dma_start3A_140, %dma_start3A_141] : memref<80x128xf32, #tpu.memory_space<vmem>> -> memref<72x128xf32, #tpu.memory_space<vmem>>
      %dma_start3A_143 = arith.constant 0 : i32
      %dma_start3A_144 = tpu.memref_slice %arg14[%add3A_24, %dma_start3A_143] : memref<10112x128xf32, #tpu.memory_space<vmem_shared>> -> memref<72x128xf32, #tpu.memory_space<vmem_shared>>
      %dma_start3A_145 = arith.constant 0 : i32
      %dma_start3A_146 = tpu.memref_slice %arg14[%add3A_24, %dma_start3A_145] : memref<10112x128xf32, #tpu.memory_space<vmem_shared>> -> memref<72x128xf32, #tpu.memory_space<vmem_shared>>
      %dma_start3A_147 = arith.constant 0 : i32
      %dma_start3A_148 = arith.constant 0 : i32
      %dma_start3A_149 = tpu.memref_slice %arg11[%dma_start3A_147, %dma_start3A_148] : memref<80x128xf32, #tpu.memory_space<vmem>> -> memref<72x128xf32, #tpu.memory_space<vmem>>
      tpu.enqueue_dma source(%dma_start3A_149 : memref<72x128xf32, #tpu.memory_space<vmem>>) target(%dma_start3A_146 : memref<72x128xf32, #tpu.memory_space<vmem_shared>>) target_semaphore(%run_scoped3A : memref<!tpu.dma_semaphore, #tpu.memory_space<semaphore_mem>>)
      %dma_wait3A_150 = arith.constant 0 : i32
      %dma_wait3A_151 = arith.constant 0 : i32
      %dma_wait3A_152 = tpu.memref_slice %arg11[%dma_wait3A_150, %dma_wait3A_151] : memref<80x128xf32, #tpu.memory_space<vmem>> -> memref<72x128xf32, #tpu.memory_space<vmem>>
      %dma_wait3A_153 = arith.constant 0 : i32
      %dma_wait3A_154 = tpu.memref_slice %arg14[%add3A_24, %dma_wait3A_153] : memref<10112x128xf32, #tpu.memory_space<vmem_shared>> -> memref<72x128xf32, #tpu.memory_space<vmem_shared>>
      %dma_wait3A_155 = arith.constant 0 : i32
      %dma_wait3A_156 = tpu.memref_slice %arg14[%add3A_24, %dma_wait3A_155] : memref<10112x128xf32, #tpu.memory_space<vmem_shared>> -> memref<72x128xf32, #tpu.memory_space<vmem_shared>>
      %dma_wait3A_157 = arith.constant 0 : i32
      %dma_wait3A_158 = arith.constant 0 : i32
      %dma_wait3A_159 = tpu.memref_slice %arg11[%dma_wait3A_157, %dma_wait3A_158] : memref<80x128xf32, #tpu.memory_space<vmem>> -> memref<72x128xf32, #tpu.memory_space<vmem>>
      tpu.wait_dma2 semaphore(%run_scoped3A : memref<!tpu.dma_semaphore, #tpu.memory_space<semaphore_mem>>) src(%dma_wait3A_159 : memref<72x128xf32, #tpu.memory_space<vmem>>) dst(%dma_wait3A_156 : memref<72x128xf32, #tpu.memory_space<vmem_shared>>)
      tpu.yield
    }) : () -> ()
    %broadcast_in_dim3A_25 = arith.constant 0.000000e+00 : f32
    %broadcast_in_dim3A_26 = vector.broadcast %broadcast_in_dim3A_25 : f32 to vector<16xf32>
    %scan3A_27 = arith.constant 0 : i32
    %scan3A_28 = arith.constant 0 : i32
    %scan3A_29 = arith.constant 80 : i32
    %scan3A_30 = arith.addi %scan3A_28, %scan3A_29 : i32
    %scan3A_31 = arith.constant 1 : i32
    scf.for %scan3A_140 = %scan3A_28 to %scan3A_30 step %scan3A_31  : i32 {
      %swap3A = arith.index_cast %scan3A_140 : i32 to index
      %swap3A_141 = arith.constant 0 : index
      %swap3A_142 = tpu.vector_load %arg13[%swap3A, %swap3A_141] {strides = array<i32>} : memref<80x128xf32, #tpu.memory_space<vmem>>, vector<16xf32>,
      tpu.vector_store %arg13[%swap3A, %swap3A_141], %broadcast_in_dim3A_26 {strides = array<i32>} : memref<80x128xf32, #tpu.memory_space<vmem>>, vector<16xf32>,
      %swap3A_143 = arith.index_cast %scan3A_140 : i32 to index
      %swap3A_144 = arith.constant 16 : index
      %swap3A_145 = tpu.vector_load %arg13[%swap3A_143, %swap3A_144] {strides = array<i32>} : memref<80x128xf32, #tpu.memory_space<vmem>>, vector<16xf32>,
      tpu.vector_store %arg13[%swap3A_143, %swap3A_144], %broadcast_in_dim3A_26 {strides = array<i32>} : memref<80x128xf32, #tpu.memory_space<vmem>>, vector<16xf32>,
      %swap3A_146 = arith.index_cast %scan3A_140 : i32 to index
      %swap3A_147 = arith.constant 32 : index
      %swap3A_148 = tpu.vector_load %arg13[%swap3A_146, %swap3A_147] {strides = array<i32>} : memref<80x128xf32, #tpu.memory_space<vmem>>, vector<16xf32>,
      tpu.vector_store %arg13[%swap3A_146, %swap3A_147], %broadcast_in_dim3A_26 {strides = array<i32>} : memref<80x128xf32, #tpu.memory_space<vmem>>, vector<16xf32>,
      %swap3A_149 = arith.index_cast %scan3A_140 : i32 to index
      %swap3A_150 = arith.constant 48 : index
      %swap3A_151 = tpu.vector_load %arg13[%swap3A_149, %swap3A_150] {strides = array<i32>} : memref<80x128xf32, #tpu.memory_space<vmem>>, vector<16xf32>,
      tpu.vector_store %arg13[%swap3A_149, %swap3A_150], %broadcast_in_dim3A_26 {strides = array<i32>} : memref<80x128xf32, #tpu.memory_space<vmem>>, vector<16xf32>,
      %swap3A_152 = arith.index_cast %scan3A_140 : i32 to index
      %swap3A_153 = arith.constant 64 : index
      %swap3A_154 = tpu.vector_load %arg13[%swap3A_152, %swap3A_153] {strides = array<i32>} : memref<80x128xf32, #tpu.memory_space<vmem>>, vector<16xf32>,
      tpu.vector_store %arg13[%swap3A_152, %swap3A_153], %broadcast_in_dim3A_26 {strides = array<i32>} : memref<80x128xf32, #tpu.memory_space<vmem>>, vector<16xf32>,
      %swap3A_155 = arith.index_cast %scan3A_140 : i32 to index
      %swap3A_156 = arith.constant 80 : index
      %swap3A_157 = tpu.vector_load %arg13[%swap3A_155, %swap3A_156] {strides = array<i32>} : memref<80x128xf32, #tpu.memory_space<vmem>>, vector<16xf32>,
      tpu.vector_store %arg13[%swap3A_155, %swap3A_156], %broadcast_in_dim3A_26 {strides = array<i32>} : memref<80x128xf32, #tpu.memory_space<vmem>>, vector<16xf32>,
      %swap3A_158 = arith.index_cast %scan3A_140 : i32 to index
      %swap3A_159 = arith.constant 96 : index
      %swap3A_160 = tpu.vector_load %arg13[%swap3A_158, %swap3A_159] {strides = array<i32>} : memref<80x128xf32, #tpu.memory_space<vmem>>, vector<16xf32>,
      tpu.vector_store %arg13[%swap3A_158, %swap3A_159], %broadcast_in_dim3A_26 {strides = array<i32>} : memref<80x128xf32, #tpu.memory_space<vmem>>, vector<16xf32>,
      %swap3A_161 = arith.index_cast %scan3A_140 : i32 to index
      %swap3A_162 = arith.constant 112 : index
      %swap3A_163 = tpu.vector_load %arg13[%swap3A_161, %swap3A_162] {strides = array<i32>} : memref<80x128xf32, #tpu.memory_space<vmem>>, vector<16xf32>,
      tpu.vector_store %arg13[%swap3A_161, %swap3A_162], %broadcast_in_dim3A_26 {strides = array<i32>} : memref<80x128xf32, #tpu.memory_space<vmem>>, vector<16xf32>,
    }
    %scan3A_32 = arith.constant 80 : i32
    %barrier3A = arith.constant 0 : index
    tpu.barrier barrier_id(%barrier3A)
    %broadcast_in_dim3A_33 = arith.constant 1.000000e+00 : f32
    %broadcast_in_dim3A_34 = vector.broadcast %broadcast_in_dim3A_33 : f32 to vector<16xf32>
    %dma_start3A = arith.constant 0 : i32
    %dma_start3A_35 = arith.constant 0 : i32
    %dma_start3A_36 = arith.constant 0 : i32
    %dma_start3A_37 = tpu.memref_slice %arg3[%add3A, %dma_start3A, %dma_start3A_35, %dma_start3A_36] : memref<32x130x2x80xi32, #tpu.memory_space<hbm>> -> memref<1x1x2x80xi32, #tpu.memory_space<hbm>>
    %dma_start3A_38 = tpu.memref_squeeze %dma_start3A_37 : memref<1x1x2x80xi32, #tpu.memory_space<hbm>> -> memref<2x80xi32, #tpu.memory_space<hbm>>
    %dma_start3A_39 = arith.constant 0 : i32
    %dma_start3A_40 = arith.constant 0 : i32
    %dma_start3A_41 = tpu.memref_slice %arg3[%add3A, %dma_start3A, %dma_start3A_39, %dma_start3A_40] : memref<32x130x2x80xi32, #tpu.memory_space<hbm>> -> memref<1x1x2x80xi32, #tpu.memory_space<hbm>>
    %dma_start3A_42 = tpu.memref_squeeze %dma_start3A_41 : memref<1x1x2x80xi32, #tpu.memory_space<hbm>> -> memref<2x80xi32, #tpu.memory_space<hbm>>
    tpu.enqueue_dma source(%dma_start3A_42 : memref<2x80xi32, #tpu.memory_space<hbm>>) target(%arg5 : memref<2x80xi32, #tpu.memory_space<vmem>>) target_semaphore(%arg18 : memref<!tpu.dma_semaphore, #tpu.memory_space<semaphore_mem>>)
    %dma_wait3A = arith.constant 0 : i32
    %dma_wait3A_43 = arith.constant 0 : i32
    %dma_wait3A_44 = arith.constant 0 : i32
    %dma_wait3A_45 = tpu.memref_slice %arg3[%add3A, %dma_wait3A, %dma_wait3A_43, %dma_wait3A_44] : memref<32x130x2x80xi32, #tpu.memory_space<hbm>> -> memref<1x1x2x80xi32, #tpu.memory_space<hbm>>
    %dma_wait3A_46 = tpu.memref_squeeze %dma_wait3A_45 : memref<1x1x2x80xi32, #tpu.memory_space<hbm>> -> memref<2x80xi32, #tpu.memory_space<hbm>>
    %dma_wait3A_47 = arith.constant 0 : i32
    %dma_wait3A_48 = arith.constant 0 : i32
    %dma_wait3A_49 = tpu.memref_slice %arg3[%add3A, %dma_wait3A, %dma_wait3A_47, %dma_wait3A_48] : memref<32x130x2x80xi32, #tpu.memory_space<hbm>> -> memref<1x1x2x80xi32, #tpu.memory_space<hbm>>
    %dma_wait3A_50 = tpu.memref_squeeze %dma_wait3A_49 : memref<1x1x2x80xi32, #tpu.memory_space<hbm>> -> memref<2x80xi32, #tpu.memory_space<hbm>>
    tpu.wait_dma2 semaphore(%arg18 : memref<!tpu.dma_semaphore, #tpu.memory_space<semaphore_mem>>) src(%dma_wait3A_50 : memref<2x80xi32, #tpu.memory_space<hbm>>) dst(%arg5 : memref<2x80xi32, #tpu.memory_space<vmem>>)
    %dma_start3A_51 = arith.constant 0 : i32
    %dma_start3A_52 = arith.constant 0 : i32
    %dma_start3A_53 = tpu.memref_slice %arg5[%dma_start3A_51, %dma_start3A_52] : memref<2x80xi32, #tpu.memory_space<vmem>> -> memref<1x80xi32, #tpu.memory_space<vmem>>
    %dma_start3A_54 = tpu.memref_squeeze %dma_start3A_53 : memref<1x80xi32, #tpu.memory_space<vmem>> -> memref<80xi32, #tpu.memory_space<vmem>>
    %dma_start3A_55 = arith.constant 0 : i32
    %dma_start3A_56 = arith.constant 0 : i32
    %dma_start3A_57 = tpu.memref_slice %arg2[%dma_start3A_55, %dma_start3A_56] : memref<10000x128xf32, #tpu.memory_space<hbm>> -> memref<10000x128xf32, #tpu.memory_space<hbm>>
    tpu.enqueue_indirect_dma source(%dma_start3A_57 : memref<10000x128xf32, #tpu.memory_space<hbm>>) target(%arg11 : memref<80x128xf32, #tpu.memory_space<vmem>>) offsets(%dma_start3A_54 : memref<80xi32, #tpu.memory_space<vmem>>) semaphore(%arg15 : memref<!tpu.dma_semaphore, #tpu.memory_space<semaphore_mem>>)
    %dma_start3A_58 = arith.constant 1 : i32
    %dma_start3A_59 = arith.constant 0 : i32
    %dma_start3A_60 = arith.constant 0 : i32
    %dma_start3A_61 = tpu.memref_slice %arg3[%add3A, %dma_start3A_58, %dma_start3A_59, %dma_start3A_60] : memref<32x130x2x80xi32, #tpu.memory_space<hbm>> -> memref<1x1x2x80xi32, #tpu.memory_space<hbm>>
    %dma_start3A_62 = tpu.memref_squeeze %dma_start3A_61 : memref<1x1x2x80xi32, #tpu.memory_space<hbm>> -> memref<2x80xi32, #tpu.memory_space<hbm>>
    %dma_start3A_63 = arith.constant 0 : i32
    %dma_start3A_64 = arith.constant 0 : i32
    %dma_start3A_65 = tpu.memref_slice %arg3[%add3A, %dma_start3A_58, %dma_start3A_63, %dma_start3A_64] : memref<32x130x2x80xi32, #tpu.memory_space<hbm>> -> memref<1x1x2x80xi32, #tpu.memory_space<hbm>>
    %dma_start3A_66 = tpu.memref_squeeze %dma_start3A_65 : memref<1x1x2x80xi32, #tpu.memory_space<hbm>> -> memref<2x80xi32, #tpu.memory_space<hbm>>
    tpu.enqueue_dma source(%dma_start3A_66 : memref<2x80xi32, #tpu.memory_space<hbm>>) target(%arg6 : memref<2x80xi32, #tpu.memory_space<vmem>>) target_semaphore(%arg18 : memref<!tpu.dma_semaphore, #tpu.memory_space<semaphore_mem>>)
    %dma_wait3A_67 = arith.constant 1 : i32
    %dma_wait3A_68 = arith.constant 0 : i32
    %dma_wait3A_69 = arith.constant 0 : i32
    %dma_wait3A_70 = tpu.memref_slice %arg3[%add3A, %dma_wait3A_67, %dma_wait3A_68, %dma_wait3A_69] : memref<32x130x2x80xi32, #tpu.memory_space<hbm>> -> memref<1x1x2x80xi32, #tpu.memory_space<hbm>>
    %dma_wait3A_71 = tpu.memref_squeeze %dma_wait3A_70 : memref<1x1x2x80xi32, #tpu.memory_space<hbm>> -> memref<2x80xi32, #tpu.memory_space<hbm>>
    %dma_wait3A_72 = arith.constant 0 : i32
    %dma_wait3A_73 = arith.constant 0 : i32
    %dma_wait3A_74 = tpu.memref_slice %arg3[%add3A, %dma_wait3A_67, %dma_wait3A_72, %dma_wait3A_73] : memref<32x130x2x80xi32, #tpu.memory_space<hbm>> -> memref<1x1x2x80xi32, #tpu.memory_space<hbm>>
    %dma_wait3A_75 = tpu.memref_squeeze %dma_wait3A_74 : memref<1x1x2x80xi32, #tpu.memory_space<hbm>> -> memref<2x80xi32, #tpu.memory_space<hbm>>
    tpu.wait_dma2 semaphore(%arg18 : memref<!tpu.dma_semaphore, #tpu.memory_space<semaphore_mem>>) src(%dma_wait3A_75 : memref<2x80xi32, #tpu.memory_space<hbm>>) dst(%arg6 : memref<2x80xi32, #tpu.memory_space<vmem>>)
    %dma_start3A_76 = arith.constant 0 : i32
    %dma_start3A_77 = arith.constant 0 : i32
    %dma_start3A_78 = tpu.memref_slice %arg6[%dma_start3A_76, %dma_start3A_77] : memref<2x80xi32, #tpu.memory_space<vmem>> -> memref<1x80xi32, #tpu.memory_space<vmem>>
    %dma_start3A_79 = tpu.memref_squeeze %dma_start3A_78 : memref<1x80xi32, #tpu.memory_space<vmem>> -> memref<80xi32, #tpu.memory_space<vmem>>
    %dma_start3A_80 = arith.constant 0 : i32
    %dma_start3A_81 = arith.constant 0 : i32
    %dma_start3A_82 = tpu.memref_slice %arg2[%dma_start3A_80, %dma_start3A_81] : memref<10000x128xf32, #tpu.memory_space<hbm>> -> memref<10000x128xf32, #tpu.memory_space<hbm>>
    tpu.enqueue_indirect_dma source(%dma_start3A_82 : memref<10000x128xf32, #tpu.memory_space<hbm>>) target(%arg12 : memref<80x128xf32, #tpu.memory_space<vmem>>) offsets(%dma_start3A_79 : memref<80xi32, #tpu.memory_space<vmem>>) semaphore(%arg16 : memref<!tpu.dma_semaphore, #tpu.memory_space<semaphore_mem>>)
    %dma_start3A_83 = arith.constant 1 : i32
    %dma_start3A_84 = arith.constant 0 : i32
    %dma_start3A_85 = tpu.memref_slice %arg5[%dma_start3A_83, %dma_start3A_84] : memref<2x80xi32, #tpu.memory_space<vmem>> -> memref<1x80xi32, #tpu.memory_space<vmem>>
    %dma_start3A_86 = tpu.memref_squeeze %dma_start3A_85 : memref<1x80xi32, #tpu.memory_space<vmem>> -> memref<80xi32, #tpu.memory_space<vmem>>
    %dma_start3A_87 = arith.constant 0 : i32
    %dma_start3A_88 = arith.constant 0 : i32
    %dma_start3A_89 = tpu.memref_slice %arg14[%dma_start3A_87, %dma_start3A_88] : memref<10112x128xf32, #tpu.memory_space<vmem_shared>> -> memref<10112x128xf32, #tpu.memory_space<vmem_shared>>
    tpu.enqueue_indirect_dma source(%arg13 : memref<80x128xf32, #tpu.memory_space<vmem>>) target(%dma_start3A_89 : memref<10112x128xf32, #tpu.memory_space<vmem_shared>>) offsets(%dma_start3A_86 : memref<80xi32, #tpu.memory_space<vmem>>) semaphore(%arg19 : memref<!tpu.dma_semaphore, #tpu.memory_space<semaphore_mem>>) {add = true}
    %dma_start3A_90 = arith.constant 2 : i32
    %dma_start3A_91 = arith.constant 0 : i32
    %dma_start3A_92 = arith.constant 0 : i32
    %dma_start3A_93 = tpu.memref_slice %arg3[%add3A, %dma_start3A_90, %dma_start3A_91, %dma_start3A_92] : memref<32x130x2x80xi32, #tpu.memory_space<hbm>> -> memref<1x1x2x80xi32, #tpu.memory_space<hbm>>
    %dma_start3A_94 = tpu.memref_squeeze %dma_start3A_93 : memref<1x1x2x80xi32, #tpu.memory_space<hbm>> -> memref<2x80xi32, #tpu.memory_space<hbm>>
    %dma_start3A_95 = arith.constant 0 : i32
    %dma_start3A_96 = arith.constant 0 : i32
    %dma_start3A_97 = tpu.memref_slice %arg3[%add3A, %dma_start3A_90, %dma_start3A_95, %dma_start3A_96] : memref<32x130x2x80xi32, #tpu.memory_space<hbm>> -> memref<1x1x2x80xi32, #tpu.memory_space<hbm>>
    %dma_start3A_98 = tpu.memref_squeeze %dma_start3A_97 : memref<1x1x2x80xi32, #tpu.memory_space<hbm>> -> memref<2x80xi32, #tpu.memory_space<hbm>>
    tpu.enqueue_dma source(%dma_start3A_98 : memref<2x80xi32, #tpu.memory_space<hbm>>) target(%arg7 : memref<2x80xi32, #tpu.memory_space<vmem>>) target_semaphore(%arg18 : memref<!tpu.dma_semaphore, #tpu.memory_space<semaphore_mem>>)
    %scan3A_99 = arith.constant 0 : i32
    %scan3A_100 = arith.constant 0 : i32
    %scan3A_101 = arith.constant 21 : i32
    %scan3A_102 = arith.addi %scan3A_100, %scan3A_101 : i32
    %scan3A_103 = arith.constant 1 : i32
    scf.for %scan3A_140 = %scan3A_100 to %scan3A_102 step %scan3A_103  : i32 {
      %mul3A_141 = arith.constant 6 : i32
      %mul3A_142 = arith.muli %scan3A_140, %mul3A_141 : i32
      %add3A_143 = arith.constant 0 : i32
      %add3A_144 = arith.addi %mul3A_142, %add3A_143 : i32
      %dma_wait3A_145 = arith.constant 0 : i32
      %dma_wait3A_146 = arith.constant 0 : i32
      %dma_wait3A_147 = arith.constant 0 : i32
      %dma_wait3A_148 = tpu.memref_slice %arg3[%add3A, %dma_wait3A_145, %dma_wait3A_146, %dma_wait3A_147] : memref<32x130x2x80xi32, #tpu.memory_space<hbm>> -> memref<1x1x2x80xi32, #tpu.memory_space<hbm>>
      %dma_wait3A_149 = tpu.memref_squeeze %dma_wait3A_148 : memref<1x1x2x80xi32, #tpu.memory_space<hbm>> -> memref<2x80xi32, #tpu.memory_space<hbm>>
      %dma_wait3A_150 = arith.constant 0 : i32
      %dma_wait3A_151 = arith.constant 0 : i32
      %dma_wait3A_152 = tpu.memref_slice %arg3[%add3A, %dma_wait3A_145, %dma_wait3A_150, %dma_wait3A_151] : memref<32x130x2x80xi32, #tpu.memory_space<hbm>> -> memref<1x1x2x80xi32, #tpu.memory_space<hbm>>
      %dma_wait3A_153 = tpu.memref_squeeze %dma_wait3A_152 : memref<1x1x2x80xi32, #tpu.memory_space<hbm>> -> memref<2x80xi32, #tpu.memory_space<hbm>>
      tpu.wait_dma2 semaphore(%arg18 : memref<!tpu.dma_semaphore, #tpu.memory_space<semaphore_mem>>) src(%dma_wait3A_153 : memref<2x80xi32, #tpu.memory_space<hbm>>) dst(%arg7 : memref<2x80xi32, #tpu.memory_space<vmem>>)
      %dma_wait3A_154 = arith.constant 1 : i32
      %dma_wait3A_155 = arith.constant 0 : i32
      %dma_wait3A_156 = tpu.memref_slice %arg5[%dma_wait3A_154, %dma_wait3A_155] : memref<2x80xi32, #tpu.memory_space<vmem>> -> memref<1x80xi32, #tpu.memory_space<vmem>>
      %dma_wait3A_157 = tpu.memref_squeeze %dma_wait3A_156 : memref<1x80xi32, #tpu.memory_space<vmem>> -> memref<80xi32, #tpu.memory_space<vmem>>
      %dma_wait3A_158 = arith.constant 0 : i32
      %dma_wait3A_159 = arith.constant 0 : i32
      %dma_wait3A_160 = tpu.memref_slice %arg14[%dma_wait3A_158, %dma_wait3A_159] : memref<10112x128xf32, #tpu.memory_space<vmem_shared>> -> memref<10112x128xf32, #tpu.memory_space<vmem_shared>>
      tpu.wait_indirect_dma semaphore(%arg19 : memref<!tpu.dma_semaphore, #tpu.memory_space<semaphore_mem>>) src(%arg13 : memref<80x128xf32, #tpu.memory_space<vmem>>) dst(%dma_wait3A_160 : memref<10112x128xf32, #tpu.memory_space<vmem_shared>>)
      %dma_start3A_161 = arith.constant 0 : i32
      %dma_start3A_162 = arith.constant 0 : i32
      %dma_start3A_163 = tpu.memref_slice %arg7[%dma_start3A_161, %dma_start3A_162] : memref<2x80xi32, #tpu.memory_space<vmem>> -> memref<1x80xi32, #tpu.memory_space<vmem>>
      %dma_start3A_164 = tpu.memref_squeeze %dma_start3A_163 : memref<1x80xi32, #tpu.memory_space<vmem>> -> memref<80xi32, #tpu.memory_space<vmem>>
      %dma_start3A_165 = arith.constant 0 : i32
      %dma_start3A_166 = arith.constant 0 : i32
      %dma_start3A_167 = tpu.memref_slice %arg2[%dma_start3A_165, %dma_start3A_166] : memref<10000x128xf32, #tpu.memory_space<hbm>> -> memref<10000x128xf32, #tpu.memory_space<hbm>>
      tpu.enqueue_indirect_dma source(%dma_start3A_167 : memref<10000x128xf32, #tpu.memory_space<hbm>>) target(%arg13 : memref<80x128xf32, #tpu.memory_space<vmem>>) offsets(%dma_start3A_164 : memref<80xi32, #tpu.memory_space<vmem>>) semaphore(%arg17 : memref<!tpu.dma_semaphore, #tpu.memory_space<semaphore_mem>>)
      %dma_wait3A_168 = arith.constant 0 : i32
      %dma_wait3A_169 = arith.constant 0 : i32
      %dma_wait3A_170 = tpu.memref_slice %arg5[%dma_wait3A_168, %dma_wait3A_169] : memref<2x80xi32, #tpu.memory_space<vmem>> -> memref<1x80xi32, #tpu.memory_space<vmem>>
      %dma_wait3A_171 = tpu.memref_squeeze %dma_wait3A_170 : memref<1x80xi32, #tpu.memory_space<vmem>> -> memref<80xi32, #tpu.memory_space<vmem>>
      %dma_wait3A_172 = arith.constant 0 : i32
      %dma_wait3A_173 = arith.constant 0 : i32
      %dma_wait3A_174 = tpu.memref_slice %arg2[%dma_wait3A_172, %dma_wait3A_173] : memref<10000x128xf32, #tpu.memory_space<hbm>> -> memref<10000x128xf32, #tpu.memory_space<hbm>>
      tpu.wait_indirect_dma semaphore(%arg15 : memref<!tpu.dma_semaphore, #tpu.memory_space<semaphore_mem>>) src(%dma_wait3A_174 : memref<10000x128xf32, #tpu.memory_space<hbm>>) dst(%arg11 : memref<80x128xf32, #tpu.memory_space<vmem>>)
      %dma_start3A_175 = arith.constant 1 : i32
      %dma_start3A_176 = arith.constant 0 : i32
      %dma_start3A_177 = tpu.memref_slice %arg5[%dma_start3A_175, %dma_start3A_176] : memref<2x80xi32, #tpu.memory_space<vmem>> -> memref<1x80xi32, #tpu.memory_space<vmem>>
      %dma_start3A_178 = tpu.memref_squeeze %dma_start3A_177 : memref<1x80xi32, #tpu.memory_space<vmem>> -> memref<80xi32, #tpu.memory_space<vmem>>
      %dma_start3A_179 = arith.constant 0 : i32
      %dma_start3A_180 = arith.constant 0 : i32
      %dma_start3A_181 = tpu.memref_slice %arg14[%dma_start3A_179, %dma_start3A_180] : memref<10112x128xf32, #tpu.memory_space<vmem_shared>> -> memref<10112x128xf32, #tpu.memory_space<vmem_shared>>
      tpu.enqueue_indirect_dma source(%arg11 : memref<80x128xf32, #tpu.memory_space<vmem>>) target(%dma_start3A_181 : memref<10112x128xf32, #tpu.memory_space<vmem_shared>>) offsets(%dma_start3A_178 : memref<80xi32, #tpu.memory_space<vmem>>) semaphore(%arg19 : memref<!tpu.dma_semaphore, #tpu.memory_space<semaphore_mem>>) {add = true}
      %add3A_182 = arith.constant 3 : i32
      %add3A_183 = arith.addi %add3A_144, %add3A_182 : i32
      %dma_start3A_184 = arith.constant 0 : i32
      %dma_start3A_185 = arith.constant 0 : i32
      %dma_start3A_186 = tpu.memref_slice %arg3[%add3A, %add3A_183, %dma_start3A_184, %dma_start3A_185] : memref<32x130x2x80xi32, #tpu.memory_space<hbm>> -> memref<1x1x2x80xi32, #tpu.memory_space<hbm>>
      %dma_start3A_187 = tpu.memref_squeeze %dma_start3A_186 : memref<1x1x2x80xi32, #tpu.memory_space<hbm>> -> memref<2x80xi32, #tpu.memory_space<hbm>>
      %dma_start3A_188 = arith.constant 0 : i32
      %dma_start3A_189 = arith.constant 0 : i32
      %dma_start3A_190 = tpu.memref_slice %arg3[%add3A, %add3A_183, %dma_start3A_188, %dma_start3A_189] : memref<32x130x2x80xi32, #tpu.memory_space<hbm>> -> memref<1x1x2x80xi32, #tpu.memory_space<hbm>>
      %dma_start3A_191 = tpu.memref_squeeze %dma_start3A_190 : memref<1x1x2x80xi32, #tpu.memory_space<hbm>> -> memref<2x80xi32, #tpu.memory_space<hbm>>
      tpu.enqueue_dma source(%dma_start3A_191 : memref<2x80xi32, #tpu.memory_space<hbm>>) target(%arg8 : memref<2x80xi32, #tpu.memory_space<vmem>>) target_semaphore(%arg18 : memref<!tpu.dma_semaphore, #tpu.memory_space<semaphore_mem>>)
      %add3A_192 = arith.constant 1 : i32
      %add3A_193 = arith.addi %mul3A_142, %add3A_192 : i32
      %dma_wait3A_194 = arith.constant 0 : i32
      %dma_wait3A_195 = arith.constant 0 : i32
      %dma_wait3A_196 = arith.constant 0 : i32
      %dma_wait3A_197 = tpu.memref_slice %arg3[%add3A, %dma_wait3A_194, %dma_wait3A_195, %dma_wait3A_196] : memref<32x130x2x80xi32, #tpu.memory_space<hbm>> -> memref<1x1x2x80xi32, #tpu.memory_space<hbm>>
      %dma_wait3A_198 = tpu.memref_squeeze %dma_wait3A_197 : memref<1x1x2x80xi32, #tpu.memory_space<hbm>> -> memref<2x80xi32, #tpu.memory_space<hbm>>
      %dma_wait3A_199 = arith.constant 0 : i32
      %dma_wait3A_200 = arith.constant 0 : i32
      %dma_wait3A_201 = tpu.memref_slice %arg3[%add3A, %dma_wait3A_194, %dma_wait3A_199, %dma_wait3A_200] : memref<32x130x2x80xi32, #tpu.memory_space<hbm>> -> memref<1x1x2x80xi32, #tpu.memory_space<hbm>>
      %dma_wait3A_202 = tpu.memref_squeeze %dma_wait3A_201 : memref<1x1x2x80xi32, #tpu.memory_space<hbm>> -> memref<2x80xi32, #tpu.memory_space<hbm>>
      tpu.wait_dma2 semaphore(%arg18 : memref<!tpu.dma_semaphore, #tpu.memory_space<semaphore_mem>>) src(%dma_wait3A_202 : memref<2x80xi32, #tpu.memory_space<hbm>>) dst(%arg8 : memref<2x80xi32, #tpu.memory_space<vmem>>)
      %dma_wait3A_203 = arith.constant 1 : i32
      %dma_wait3A_204 = arith.constant 0 : i32
      %dma_wait3A_205 = tpu.memref_slice %arg5[%dma_wait3A_203, %dma_wait3A_204] : memref<2x80xi32, #tpu.memory_space<vmem>> -> memref<1x80xi32, #tpu.memory_space<vmem>>
      %dma_wait3A_206 = tpu.memref_squeeze %dma_wait3A_205 : memref<1x80xi32, #tpu.memory_space<vmem>> -> memref<80xi32, #tpu.memory_space<vmem>>
      %dma_wait3A_207 = arith.constant 0 : i32
      %dma_wait3A_208 = arith.constant 0 : i32
      %dma_wait3A_209 = tpu.memref_slice %arg14[%dma_wait3A_207, %dma_wait3A_208] : memref<10112x128xf32, #tpu.memory_space<vmem_shared>> -> memref<10112x128xf32, #tpu.memory_space<vmem_shared>>
      tpu.wait_indirect_dma semaphore(%arg19 : memref<!tpu.dma_semaphore, #tpu.memory_space<semaphore_mem>>) src(%arg11 : memref<80x128xf32, #tpu.memory_space<vmem>>) dst(%dma_wait3A_209 : memref<10112x128xf32, #tpu.memory_space<vmem_shared>>)
      %dma_start3A_210 = arith.constant 0 : i32
      %dma_start3A_211 = arith.constant 0 : i32
      %dma_start3A_212 = tpu.memref_slice %arg8[%dma_start3A_210, %dma_start3A_211] : memref<2x80xi32, #tpu.memory_space<vmem>> -> memref<1x80xi32, #tpu.memory_space<vmem>>
      %dma_start3A_213 = tpu.memref_squeeze %dma_start3A_212 : memref<1x80xi32, #tpu.memory_space<vmem>> -> memref<80xi32, #tpu.memory_space<vmem>>
      %dma_start3A_214 = arith.constant 0 : i32
      %dma_start3A_215 = arith.constant 0 : i32
      %dma_start3A_216 = tpu.memref_slice %arg2[%dma_start3A_214, %dma_start3A_215] : memref<10000x128xf32, #tpu.memory_space<hbm>> -> memref<10000x128xf32, #tpu.memory_space<hbm>>
      tpu.enqueue_indirect_dma source(%dma_start3A_216 : memref<10000x128xf32, #tpu.memory_space<hbm>>) target(%arg11 : memref<80x128xf32, #tpu.memory_space<vmem>>) offsets(%dma_start3A_213 : memref<80xi32, #tpu.memory_space<vmem>>) semaphore(%arg15 : memref<!tpu.dma_semaphore, #tpu.memory_space<semaphore_mem>>)
      %dma_wait3A_217 = arith.constant 0 : i32
      %dma_wait3A_218 = arith.constant 0 : i32
      %dma_wait3A_219 = tpu.memref_slice %arg5[%dma_wait3A_217, %dma_wait3A_218] : memref<2x80xi32, #tpu.memory_space<vmem>> -> memref<1x80xi32, #tpu.memory_space<vmem>>
      %dma_wait3A_220 = tpu.memref_squeeze %dma_wait3A_219 : memref<1x80xi32, #tpu.memory_space<vmem>> -> memref<80xi32, #tpu.memory_space<vmem>>
      %dma_wait3A_221 = arith.constant 0 : i32
      %dma_wait3A_222 = arith.constant 0 : i32
      %dma_wait3A_223 = tpu.memref_slice %arg2[%dma_wait3A_221, %dma_wait3A_222] : memref<10000x128xf32, #tpu.memory_space<hbm>> -> memref<10000x128xf32, #tpu.memory_space<hbm>>
      tpu.wait_indirect_dma semaphore(%arg16 : memref<!tpu.dma_semaphore, #tpu.memory_space<semaphore_mem>>) src(%dma_wait3A_223 : memref<10000x128xf32, #tpu.memory_space<hbm>>) dst(%arg12 : memref<80x128xf32, #tpu.memory_space<vmem>>)
      %dma_start3A_224 = arith.constant 1 : i32
      %dma_start3A_225 = arith.constant 0 : i32
      %dma_start3A_226 = tpu.memref_slice %arg6[%dma_start3A_224, %dma_start3A_225] : memref<2x80xi32, #tpu.memory_space<vmem>> -> memref<1x80xi32, #tpu.memory_space<vmem>>
      %dma_start3A_227 = tpu.memref_squeeze %dma_start3A_226 : memref<1x80xi32, #tpu.memory_space<vmem>> -> memref<80xi32, #tpu.memory_space<vmem>>
      %dma_start3A_228 = arith.constant 0 : i32
      %dma_start3A_229 = arith.constant 0 : i32
      %dma_start3A_230 = tpu.memref_slice %arg14[%dma_start3A_228, %dma_start3A_229] : memref<10112x128xf32, #tpu.memory_space<vmem_shared>> -> memref<10112x128xf32, #tpu.memory_space<vmem_shared>>
      tpu.enqueue_indirect_dma source(%arg12 : memref<80x128xf32, #tpu.memory_space<vmem>>) target(%dma_start3A_230 : memref<10112x128xf32, #tpu.memory_space<vmem_shared>>) offsets(%dma_start3A_227 : memref<80xi32, #tpu.memory_space<vmem>>) semaphore(%arg19 : memref<!tpu.dma_semaphore, #tpu.memory_space<semaphore_mem>>) {add = true}
      %add3A_231 = arith.constant 3 : i32
      %add3A_232 = arith.addi %add3A_193, %add3A_231 : i32
      %dma_start3A_233 = arith.constant 0 : i32
      %dma_start3A_234 = arith.constant 0 : i32
      %dma_start3A_235 = tpu.memref_slice %arg3[%add3A, %add3A_232, %dma_start3A_233, %dma_start3A_234] : memref<32x130x2x80xi32, #tpu.memory_space<hbm>> -> memref<1x1x2x80xi32, #tpu.memory_space<hbm>>
      %dma_start3A_236 = tpu.memref_squeeze %dma_start3A_235 : memref<1x1x2x80xi32, #tpu.memory_space<hbm>> -> memref<2x80xi32, #tpu.memory_space<hbm>>
      %dma_start3A_237 = arith.constant 0 : i32
      %dma_start3A_238 = arith.constant 0 : i32
      %dma_start3A_239 = tpu.memref_slice %arg3[%add3A, %add3A_232, %dma_start3A_237, %dma_start3A_238] : memref<32x130x2x80xi32, #tpu.memory_space<hbm>> -> memref<1x1x2x80xi32, #tpu.memory_space<hbm>>
      %dma_start3A_240 = tpu.memref_squeeze %dma_start3A_239 : memref<1x1x2x80xi32, #tpu.memory_space<hbm>> -> memref<2x80xi32, #tpu.memory_space<hbm>>
      tpu.enqueue_dma source(%dma_start3A_240 : memref<2x80xi32, #tpu.memory_space<hbm>>) target(%arg9 : memref<2x80xi32, #tpu.memory_space<vmem>>) target_semaphore(%arg18 : memref<!tpu.dma_semaphore, #tpu.memory_space<semaphore_mem>>)
      %add3A_241 = arith.constant 2 : i32
      %add3A_242 = arith.addi %mul3A_142, %add3A_241 : i32
      %dma_wait3A_243 = arith.constant 0 : i32
      %dma_wait3A_244 = arith.constant 0 : i32
      %dma_wait3A_245 = arith.constant 0 : i32
      %dma_wait3A_246 = tpu.memref_slice %arg3[%add3A, %dma_wait3A_243, %dma_wait3A_244, %dma_wait3A_245] : memref<32x130x2x80xi32, #tpu.memory_space<hbm>> -> memref<1x1x2x80xi32, #tpu.memory_space<hbm>>
      %dma_wait3A_247 = tpu.memref_squeeze %dma_wait3A_246 : memref<1x1x2x80xi32, #tpu.memory_space<hbm>> -> memref<2x80xi32, #tpu.memory_space<hbm>>
      %dma_wait3A_248 = arith.constant 0 : i32
      %dma_wait3A_249 = arith.constant 0 : i32
      %dma_wait3A_250 = tpu.memref_slice %arg3[%add3A, %dma_wait3A_243, %dma_wait3A_248, %dma_wait3A_249] : memref<32x130x2x80xi32, #tpu.memory_space<hbm>> -> memref<1x1x2x80xi32, #tpu.memory_space<hbm>>
      %dma_wait3A_251 = tpu.memref_squeeze %dma_wait3A_250 : memref<1x1x2x80xi32, #tpu.memory_space<hbm>> -> memref<2x80xi32, #tpu.memory_space<hbm>>
      tpu.wait_dma2 semaphore(%arg18 : memref<!tpu.dma_semaphore, #tpu.memory_space<semaphore_mem>>) src(%dma_wait3A_251 : memref<2x80xi32, #tpu.memory_space<hbm>>) dst(%arg9 : memref<2x80xi32, #tpu.memory_space<vmem>>)
      %dma_wait3A_252 = arith.constant 1 : i32
      %dma_wait3A_253 = arith.constant 0 : i32
      %dma_wait3A_254 = tpu.memref_slice %arg5[%dma_wait3A_252, %dma_wait3A_253] : memref<2x80xi32, #tpu.memory_space<vmem>> -> memref<1x80xi32, #tpu.memory_space<vmem>>
      %dma_wait3A_255 = tpu.memref_squeeze %dma_wait3A_254 : memref<1x80xi32, #tpu.memory_space<vmem>> -> memref<80xi32, #tpu.memory_space<vmem>>
      %dma_wait3A_256 = arith.constant 0 : i32
      %dma_wait3A_257 = arith.constant 0 : i32
      %dma_wait3A_258 = tpu.memref_slice %arg14[%dma_wait3A_256, %dma_wait3A_257] : memref<10112x128xf32, #tpu.memory_space<vmem_shared>> -> memref<10112x128xf32, #tpu.memory_space<vmem_shared>>
      tpu.wait_indirect_dma semaphore(%arg19 : memref<!tpu.dma_semaphore, #tpu.memory_space<semaphore_mem>>) src(%arg12 : memref<80x128xf32, #tpu.memory_space<vmem>>) dst(%dma_wait3A_258 : memref<10112x128xf32, #tpu.memory_space<vmem_shared>>)
      %dma_start3A_259 = arith.constant 0 : i32
      %dma_start3A_260 = arith.constant 0 : i32
      %dma_start3A_261 = tpu.memref_slice %arg9[%dma_start3A_259, %dma_start3A_260] : memref<2x80xi32, #tpu.memory_space<vmem>> -> memref<1x80xi32, #tpu.memory_space<vmem>>
      %dma_start3A_262 = tpu.memref_squeeze %dma_start3A_261 : memref<1x80xi32, #tpu.memory_space<vmem>> -> memref<80xi32, #tpu.memory_space<vmem>>
      %dma_start3A_263 = arith.constant 0 : i32
      %dma_start3A_264 = arith.constant 0 : i32
      %dma_start3A_265 = tpu.memref_slice %arg2[%dma_start3A_263, %dma_start3A_264] : memref<10000x128xf32, #tpu.memory_space<hbm>> -> memref<10000x128xf32, #tpu.memory_space<hbm>>
      tpu.enqueue_indirect_dma source(%dma_start3A_265 : memref<10000x128xf32, #tpu.memory_space<hbm>>) target(%arg12 : memref<80x128xf32, #tpu.memory_space<vmem>>) offsets(%dma_start3A_262 : memref<80xi32, #tpu.memory_space<vmem>>) semaphore(%arg16 : memref<!tpu.dma_semaphore, #tpu.memory_space<semaphore_mem>>)
      %dma_wait3A_266 = arith.constant 0 : i32
      %dma_wait3A_267 = arith.constant 0 : i32
      %dma_wait3A_268 = tpu.memref_slice %arg5[%dma_wait3A_266, %dma_wait3A_267] : memref<2x80xi32, #tpu.memory_space<vmem>> -> memref<1x80xi32, #tpu.memory_space<vmem>>
      %dma_wait3A_269 = tpu.memref_squeeze %dma_wait3A_268 : memref<1x80xi32, #tpu.memory_space<vmem>> -> memref<80xi32, #tpu.memory_space<vmem>>
      %dma_wait3A_270 = arith.constant 0 : i32
      %dma_wait3A_271 = arith.constant 0 : i32
      %dma_wait3A_272 = tpu.memref_slice %arg2[%dma_wait3A_270, %dma_wait3A_271] : memref<10000x128xf32, #tpu.memory_space<hbm>> -> memref<10000x128xf32, #tpu.memory_space<hbm>>
      tpu.wait_indirect_dma semaphore(%arg17 : memref<!tpu.dma_semaphore, #tpu.memory_space<semaphore_mem>>) src(%dma_wait3A_272 : memref<10000x128xf32, #tpu.memory_space<hbm>>) dst(%arg13 : memref<80x128xf32, #tpu.memory_space<vmem>>)
      %dma_start3A_273 = arith.constant 1 : i32
      %dma_start3A_274 = arith.constant 0 : i32
      %dma_start3A_275 = tpu.memref_slice %arg7[%dma_start3A_273, %dma_start3A_274] : memref<2x80xi32, #tpu.memory_space<vmem>> -> memref<1x80xi32, #tpu.memory_space<vmem>>
      %dma_start3A_276 = tpu.memref_squeeze %dma_start3A_275 : memref<1x80xi32, #tpu.memory_space<vmem>> -> memref<80xi32, #tpu.memory_space<vmem>>
      %dma_start3A_277 = arith.constant 0 : i32
      %dma_start3A_278 = arith.constant 0 : i32
      %dma_start3A_279 = tpu.memref_slice %arg14[%dma_start3A_277, %dma_start3A_278] : memref<10112x128xf32, #tpu.memory_space<vmem_shared>> -> memref<10112x128xf32, #tpu.memory_space<vmem_shared>>
      tpu.enqueue_indirect_dma source(%arg13 : memref<80x128xf32, #tpu.memory_space<vmem>>) target(%dma_start3A_279 : memref<10112x128xf32, #tpu.memory_space<vmem_shared>>) offsets(%dma_start3A_276 : memref<80xi32, #tpu.memory_space<vmem>>) semaphore(%arg19 : memref<!tpu.dma_semaphore, #tpu.memory_space<semaphore_mem>>) {add = true}
      %add3A_280 = arith.constant 3 : i32
      %add3A_281 = arith.addi %add3A_242, %add3A_280 : i32
      %dma_start3A_282 = arith.constant 0 : i32
      %dma_start3A_283 = arith.constant 0 : i32
      %dma_start3A_284 = tpu.memref_slice %arg3[%add3A, %add3A_281, %dma_start3A_282, %dma_start3A_283] : memref<32x130x2x80xi32, #tpu.memory_space<hbm>> -> memref<1x1x2x80xi32, #tpu.memory_space<hbm>>
      %dma_start3A_285 = tpu.memref_squeeze %dma_start3A_284 : memref<1x1x2x80xi32, #tpu.memory_space<hbm>> -> memref<2x80xi32, #tpu.memory_space<hbm>>
      %dma_start3A_286 = arith.constant 0 : i32
      %dma_start3A_287 = arith.constant 0 : i32
      %dma_start3A_288 = tpu.memref_slice %arg3[%add3A, %add3A_281, %dma_start3A_286, %dma_start3A_287] : memref<32x130x2x80xi32, #tpu.memory_space<hbm>> -> memref<1x1x2x80xi32, #tpu.memory_space<hbm>>
      %dma_start3A_289 = tpu.memref_squeeze %dma_start3A_288 : memref<1x1x2x80xi32, #tpu.memory_space<hbm>> -> memref<2x80xi32, #tpu.memory_space<hbm>>
      tpu.enqueue_dma source(%dma_start3A_289 : memref<2x80xi32, #tpu.memory_space<hbm>>) target(%arg10 : memref<2x80xi32, #tpu.memory_space<vmem>>) target_semaphore(%arg18 : memref<!tpu.dma_semaphore, #tpu.memory_space<semaphore_mem>>)
      %add3A_290 = arith.constant 3 : i32
      %add3A_291 = arith.addi %mul3A_142, %add3A_290 : i32
      %dma_wait3A_292 = arith.constant 0 : i32
      %dma_wait3A_293 = arith.constant 0 : i32
      %dma_wait3A_294 = arith.constant 0 : i32
      %dma_wait3A_295 = tpu.memref_slice %arg3[%add3A, %dma_wait3A_292, %dma_wait3A_293, %dma_wait3A_294] : memref<32x130x2x80xi32, #tpu.memory_space<hbm>> -> memref<1x1x2x80xi32, #tpu.memory_space<hbm>>
      %dma_wait3A_296 = tpu.memref_squeeze %dma_wait3A_295 : memref<1x1x2x80xi32, #tpu.memory_space<hbm>> -> memref<2x80xi32, #tpu.memory_space<hbm>>
      %dma_wait3A_297 = arith.constant 0 : i32
      %dma_wait3A_298 = arith.constant 0 : i32
      %dma_wait3A_299 = tpu.memref_slice %arg3[%add3A, %dma_wait3A_292, %dma_wait3A_297, %dma_wait3A_298] : memref<32x130x2x80xi32, #tpu.memory_space<hbm>> -> memref<1x1x2x80xi32, #tpu.memory_space<hbm>>
      %dma_wait3A_300 = tpu.memref_squeeze %dma_wait3A_299 : memref<1x1x2x80xi32, #tpu.memory_space<hbm>> -> memref<2x80xi32, #tpu.memory_space<hbm>>
      tpu.wait_dma2 semaphore(%arg18 : memref<!tpu.dma_semaphore, #tpu.memory_space<semaphore_mem>>) src(%dma_wait3A_300 : memref<2x80xi32, #tpu.memory_space<hbm>>) dst(%arg10 : memref<2x80xi32, #tpu.memory_space<vmem>>)
      %dma_wait3A_301 = arith.constant 1 : i32
      %dma_wait3A_302 = arith.constant 0 : i32
      %dma_wait3A_303 = tpu.memref_slice %arg5[%dma_wait3A_301, %dma_wait3A_302] : memref<2x80xi32, #tpu.memory_space<vmem>> -> memref<1x80xi32, #tpu.memory_space<vmem>>
      %dma_wait3A_304 = tpu.memref_squeeze %dma_wait3A_303 : memref<1x80xi32, #tpu.memory_space<vmem>> -> memref<80xi32, #tpu.memory_space<vmem>>
      %dma_wait3A_305 = arith.constant 0 : i32
      %dma_wait3A_306 = arith.constant 0 : i32
      %dma_wait3A_307 = tpu.memref_slice %arg14[%dma_wait3A_305, %dma_wait3A_306] : memref<10112x128xf32, #tpu.memory_space<vmem_shared>> -> memref<10112x128xf32, #tpu.memory_space<vmem_shared>>
      tpu.wait_indirect_dma semaphore(%arg19 : memref<!tpu.dma_semaphore, #tpu.memory_space<semaphore_mem>>) src(%arg13 : memref<80x128xf32, #tpu.memory_space<vmem>>) dst(%dma_wait3A_307 : memref<10112x128xf32, #tpu.memory_space<vmem_shared>>)
      %dma_start3A_308 = arith.constant 0 : i32
      %dma_start3A_309 = arith.constant 0 : i32
      %dma_start3A_310 = tpu.memref_slice %arg10[%dma_start3A_308, %dma_start3A_309] : memref<2x80xi32, #tpu.memory_space<vmem>> -> memref<1x80xi32, #tpu.memory_space<vmem>>
      %dma_start3A_311 = tpu.memref_squeeze %dma_start3A_310 : memref<1x80xi32, #tpu.memory_space<vmem>> -> memref<80xi32, #tpu.memory_space<vmem>>
      %dma_start3A_312 = arith.constant 0 : i32
      %dma_start3A_313 = arith.constant 0 : i32
      %dma_start3A_314 = tpu.memref_slice %arg2[%dma_start3A_312, %dma_start3A_313] : memref<10000x128xf32, #tpu.memory_space<hbm>> -> memref<10000x128xf32, #tpu.memory_space<hbm>>
      tpu.enqueue_indirect_dma source(%dma_start3A_314 : memref<10000x128xf32, #tpu.memory_space<hbm>>) target(%arg13 : memref<80x128xf32, #tpu.memory_space<vmem>>) offsets(%dma_start3A_311 : memref<80xi32, #tpu.memory_space<vmem>>) semaphore(%arg17 : memref<!tpu.dma_semaphore, #tpu.memory_space<semaphore_mem>>)
      %dma_wait3A_315 = arith.constant 0 : i32
      %dma_wait3A_316 = arith.constant 0 : i32
      %dma_wait3A_317 = tpu.memref_slice %arg5[%dma_wait3A_315, %dma_wait3A_316] : memref<2x80xi32, #tpu.memory_space<vmem>> -> memref<1x80xi32, #tpu.memory_space<vmem>>
      %dma_wait3A_318 = tpu.memref_squeeze %dma_wait3A_317 : memref<1x80xi32, #tpu.memory_space<vmem>> -> memref<80xi32, #tpu.memory_space<vmem>>
      %dma_wait3A_319 = arith.constant 0 : i32
      %dma_wait3A_320 = arith.constant 0 : i32
      %dma_wait3A_321 = tpu.memref_slice %arg2[%dma_wait3A_319, %dma_wait3A_320] : memref<10000x128xf32, #tpu.memory_space<hbm>> -> memref<10000x128xf32, #tpu.memory_space<hbm>>
      tpu.wait_indirect_dma semaphore(%arg15 : memref<!tpu.dma_semaphore, #tpu.memory_space<semaphore_mem>>) src(%dma_wait3A_321 : memref<10000x128xf32, #tpu.memory_space<hbm>>) dst(%arg11 : memref<80x128xf32, #tpu.memory_space<vmem>>)
      %dma_start3A_322 = arith.constant 1 : i32
      %dma_start3A_323 = arith.constant 0 : i32
      %dma_start3A_324 = tpu.memref_slice %arg8[%dma_start3A_322, %dma_start3A_323] : memref<2x80xi32, #tpu.memory_space<vmem>> -> memref<1x80xi32, #tpu.memory_space<vmem>>
      %dma_start3A_325 = tpu.memref_squeeze %dma_start3A_324 : memref<1x80xi32, #tpu.memory_space<vmem>> -> memref<80xi32, #tpu.memory_space<vmem>>
      %dma_start3A_326 = arith.constant 0 : i32
      %dma_start3A_327 = arith.constant 0 : i32
      %dma_start3A_328 = tpu.memref_slice %arg14[%dma_start3A_326, %dma_start3A_327] : memref<10112x128xf32, #tpu.memory_space<vmem_shared>> -> memref<10112x128xf32, #tpu.memory_space<vmem_shared>>
      tpu.enqueue_indirect_dma source(%arg11 : memref<80x128xf32, #tpu.memory_space<vmem>>) target(%dma_start3A_328 : memref<10112x128xf32, #tpu.memory_space<vmem_shared>>) offsets(%dma_start3A_325 : memref<80xi32, #tpu.memory_space<vmem>>) semaphore(%arg19 : memref<!tpu.dma_semaphore, #tpu.memory_space<semaphore_mem>>) {add = true}
      %add3A_329 = arith.constant 3 : i32
      %add3A_330 = arith.addi %add3A_291, %add3A_329 : i32
      %dma_start3A_331 = arith.constant 0 : i32
      %dma_start3A_332 = arith.constant 0 : i32
      %dma_start3A_333 = tpu.memref_slice %arg3[%add3A, %add3A_330, %dma_start3A_331, %dma_start3A_332] : memref<32x130x2x80xi32, #tpu.memory_space<hbm>> -> memref<1x1x2x80xi32, #tpu.memory_space<hbm>>
      %dma_start3A_334 = tpu.memref_squeeze %dma_start3A_333 : memref<1x1x2x80xi32, #tpu.memory_space<hbm>> -> memref<2x80xi32, #tpu.memory_space<hbm>>
      %dma_start3A_335 = arith.constant 0 : i32
      %dma_start3A_336 = arith.constant 0 : i32
      %dma_start3A_337 = tpu.memref_slice %arg3[%add3A, %add3A_330, %dma_start3A_335, %dma_start3A_336] : memref<32x130x2x80xi32, #tpu.memory_space<hbm>> -> memref<1x1x2x80xi32, #tpu.memory_space<hbm>>
      %dma_start3A_338 = tpu.memref_squeeze %dma_start3A_337 : memref<1x1x2x80xi32, #tpu.memory_space<hbm>> -> memref<2x80xi32, #tpu.memory_space<hbm>>
      tpu.enqueue_dma source(%dma_start3A_338 : memref<2x80xi32, #tpu.memory_space<hbm>>) target(%arg5 : memref<2x80xi32, #tpu.memory_space<vmem>>) target_semaphore(%arg18 : memref<!tpu.dma_semaphore, #tpu.memory_space<semaphore_mem>>)
      %add3A_339 = arith.constant 4 : i32
      %add3A_340 = arith.addi %mul3A_142, %add3A_339 : i32
      %dma_wait3A_341 = arith.constant 0 : i32
      %dma_wait3A_342 = arith.constant 0 : i32
      %dma_wait3A_343 = arith.constant 0 : i32
      %dma_wait3A_344 = tpu.memref_slice %arg3[%add3A, %dma_wait3A_341, %dma_wait3A_342, %dma_wait3A_343] : memref<32x130x2x80xi32, #tpu.memory_space<hbm>> -> memref<1x1x2x80xi32, #tpu.memory_space<hbm>>
      %dma_wait3A_345 = tpu.memref_squeeze %dma_wait3A_344 : memref<1x1x2x80xi32, #tpu.memory_space<hbm>> -> memref<2x80xi32, #tpu.memory_space<hbm>>
      %dma_wait3A_346 = arith.constant 0 : i32
      %dma_wait3A_347 = arith.constant 0 : i32
      %dma_wait3A_348 = tpu.memref_slice %arg3[%add3A, %dma_wait3A_341, %dma_wait3A_346, %dma_wait3A_347] : memref<32x130x2x80xi32, #tpu.memory_space<hbm>> -> memref<1x1x2x80xi32, #tpu.memory_space<hbm>>
      %dma_wait3A_349 = tpu.memref_squeeze %dma_wait3A_348 : memref<1x1x2x80xi32, #tpu.memory_space<hbm>> -> memref<2x80xi32, #tpu.memory_space<hbm>>
      tpu.wait_dma2 semaphore(%arg18 : memref<!tpu.dma_semaphore, #tpu.memory_space<semaphore_mem>>) src(%dma_wait3A_349 : memref<2x80xi32, #tpu.memory_space<hbm>>) dst(%arg5 : memref<2x80xi32, #tpu.memory_space<vmem>>)
      %dma_wait3A_350 = arith.constant 1 : i32
      %dma_wait3A_351 = arith.constant 0 : i32
      %dma_wait3A_352 = tpu.memref_slice %arg5[%dma_wait3A_350, %dma_wait3A_351] : memref<2x80xi32, #tpu.memory_space<vmem>> -> memref<1x80xi32, #tpu.memory_space<vmem>>
      %dma_wait3A_353 = tpu.memref_squeeze %dma_wait3A_352 : memref<1x80xi32, #tpu.memory_space<vmem>> -> memref<80xi32, #tpu.memory_space<vmem>>
      %dma_wait3A_354 = arith.constant 0 : i32
      %dma_wait3A_355 = arith.constant 0 : i32
      %dma_wait3A_356 = tpu.memref_slice %arg14[%dma_wait3A_354, %dma_wait3A_355] : memref<10112x128xf32, #tpu.memory_space<vmem_shared>> -> memref<10112x128xf32, #tpu.memory_space<vmem_shared>>
      tpu.wait_indirect_dma semaphore(%arg19 : memref<!tpu.dma_semaphore, #tpu.memory_space<semaphore_mem>>) src(%arg11 : memref<80x128xf32, #tpu.memory_space<vmem>>) dst(%dma_wait3A_356 : memref<10112x128xf32, #tpu.memory_space<vmem_shared>>)
      %dma_start3A_357 = arith.constant 0 : i32
      %dma_start3A_358 = arith.constant 0 : i32
      %dma_start3A_359 = tpu.memref_slice %arg5[%dma_start3A_357, %dma_start3A_358] : memref<2x80xi32, #tpu.memory_space<vmem>> -> memref<1x80xi32, #tpu.memory_space<vmem>>
      %dma_start3A_360 = tpu.memref_squeeze %dma_start3A_359 : memref<1x80xi32, #tpu.memory_space<vmem>> -> memref<80xi32, #tpu.memory_space<vmem>>
      %dma_start3A_361 = arith.constant 0 : i32
      %dma_start3A_362 = arith.constant 0 : i32
      %dma_start3A_363 = tpu.memref_slice %arg2[%dma_start3A_361, %dma_start3A_362] : memref<10000x128xf32, #tpu.memory_space<hbm>> -> memref<10000x128xf32, #tpu.memory_space<hbm>>
      tpu.enqueue_indirect_dma source(%dma_start3A_363 : memref<10000x128xf32, #tpu.memory_space<hbm>>) target(%arg11 : memref<80x128xf32, #tpu.memory_space<vmem>>) offsets(%dma_start3A_360 : memref<80xi32, #tpu.memory_space<vmem>>) semaphore(%arg15 : memref<!tpu.dma_semaphore, #tpu.memory_space<semaphore_mem>>)
      %dma_wait3A_364 = arith.constant 0 : i32
      %dma_wait3A_365 = arith.constant 0 : i32
      %dma_wait3A_366 = tpu.memref_slice %arg5[%dma_wait3A_364, %dma_wait3A_365] : memref<2x80xi32, #tpu.memory_space<vmem>> -> memref<1x80xi32, #tpu.memory_space<vmem>>
      %dma_wait3A_367 = tpu.memref_squeeze %dma_wait3A_366 : memref<1x80xi32, #tpu.memory_space<vmem>> -> memref<80xi32, #tpu.memory_space<vmem>>
      %dma_wait3A_368 = arith.constant 0 : i32
      %dma_wait3A_369 = arith.constant 0 : i32
      %dma_wait3A_370 = tpu.memref_slice %arg2[%dma_wait3A_368, %dma_wait3A_369] : memref<10000x128xf32, #tpu.memory_space<hbm>> -> memref<10000x128xf32, #tpu.memory_space<hbm>>
      tpu.wait_indirect_dma semaphore(%arg16 : memref<!tpu.dma_semaphore, #tpu.memory_space<semaphore_mem>>) src(%dma_wait3A_370 : memref<10000x128xf32, #tpu.memory_space<hbm>>) dst(%arg12 : memref<80x128xf32, #tpu.memory_space<vmem>>)
      %dma_start3A_371 = arith.constant 1 : i32
      %dma_start3A_372 = arith.constant 0 : i32
      %dma_start3A_373 = tpu.memref_slice %arg9[%dma_start3A_371, %dma_start3A_372] : memref<2x80xi32, #tpu.memory_space<vmem>> -> memref<1x80xi32, #tpu.memory_space<vmem>>
      %dma_start3A_374 = tpu.memref_squeeze %dma_start3A_373 : memref<1x80xi32, #tpu.memory_space<vmem>> -> memref<80xi32, #tpu.memory_space<vmem>>
      %dma_start3A_375 = arith.constant 0 : i32
      %dma_start3A_376 = arith.constant 0 : i32
      %dma_start3A_377 = tpu.memref_slice %arg14[%dma_start3A_375, %dma_start3A_376] : memref<10112x128xf32, #tpu.memory_space<vmem_shared>> -> memref<10112x128xf32, #tpu.memory_space<vmem_shared>>
      tpu.enqueue_indirect_dma source(%arg12 : memref<80x128xf32, #tpu.memory_space<vmem>>) target(%dma_start3A_377 : memref<10112x128xf32, #tpu.memory_space<vmem_shared>>) offsets(%dma_start3A_374 : memref<80xi32, #tpu.memory_space<vmem>>) semaphore(%arg19 : memref<!tpu.dma_semaphore, #tpu.memory_space<semaphore_mem>>) {add = true}
      %add3A_378 = arith.constant 3 : i32
      %add3A_379 = arith.addi %add3A_340, %add3A_378 : i32
      %dma_start3A_380 = arith.constant 0 : i32
      %dma_start3A_381 = arith.constant 0 : i32
      %dma_start3A_382 = tpu.memref_slice %arg3[%add3A, %add3A_379, %dma_start3A_380, %dma_start3A_381] : memref<32x130x2x80xi32, #tpu.memory_space<hbm>> -> memref<1x1x2x80xi32, #tpu.memory_space<hbm>>
      %dma_start3A_383 = tpu.memref_squeeze %dma_start3A_382 : memref<1x1x2x80xi32, #tpu.memory_space<hbm>> -> memref<2x80xi32, #tpu.memory_space<hbm>>
      %dma_start3A_384 = arith.constant 0 : i32
      %dma_start3A_385 = arith.constant 0 : i32
      %dma_start3A_386 = tpu.memref_slice %arg3[%add3A, %add3A_379, %dma_start3A_384, %dma_start3A_385] : memref<32x130x2x80xi32, #tpu.memory_space<hbm>> -> memref<1x1x2x80xi32, #tpu.memory_space<hbm>>
      %dma_start3A_387 = tpu.memref_squeeze %dma_start3A_386 : memref<1x1x2x80xi32, #tpu.memory_space<hbm>> -> memref<2x80xi32, #tpu.memory_space<hbm>>
      tpu.enqueue_dma source(%dma_start3A_387 : memref<2x80xi32, #tpu.memory_space<hbm>>) target(%arg6 : memref<2x80xi32, #tpu.memory_space<vmem>>) target_semaphore(%arg18 : memref<!tpu.dma_semaphore, #tpu.memory_space<semaphore_mem>>)
      %add3A_388 = arith.constant 5 : i32
      %add3A_389 = arith.addi %mul3A_142, %add3A_388 : i32
      %dma_wait3A_390 = arith.constant 0 : i32
      %dma_wait3A_391 = arith.constant 0 : i32
      %dma_wait3A_392 = arith.constant 0 : i32
      %dma_wait3A_393 = tpu.memref_slice %arg3[%add3A, %dma_wait3A_390, %dma_wait3A_391, %dma_wait3A_392] : memref<32x130x2x80xi32, #tpu.memory_space<hbm>> -> memref<1x1x2x80xi32, #tpu.memory_space<hbm>>
      %dma_wait3A_394 = tpu.memref_squeeze %dma_wait3A_393 : memref<1x1x2x80xi32, #tpu.memory_space<hbm>> -> memref<2x80xi32, #tpu.memory_space<hbm>>
      %dma_wait3A_395 = arith.constant 0 : i32
      %dma_wait3A_396 = arith.constant 0 : i32
      %dma_wait3A_397 = tpu.memref_slice %arg3[%add3A, %dma_wait3A_390, %dma_wait3A_395, %dma_wait3A_396] : memref<32x130x2x80xi32, #tpu.memory_space<hbm>> -> memref<1x1x2x80xi32, #tpu.memory_space<hbm>>
      %dma_wait3A_398 = tpu.memref_squeeze %dma_wait3A_397 : memref<1x1x2x80xi32, #tpu.memory_space<hbm>> -> memref<2x80xi32, #tpu.memory_space<hbm>>
      tpu.wait_dma2 semaphore(%arg18 : memref<!tpu.dma_semaphore, #tpu.memory_space<semaphore_mem>>) src(%dma_wait3A_398 : memref<2x80xi32, #tpu.memory_space<hbm>>) dst(%arg6 : memref<2x80xi32, #tpu.memory_space<vmem>>)
      %dma_wait3A_399 = arith.constant 1 : i32
      %dma_wait3A_400 = arith.constant 0 : i32
      %dma_wait3A_401 = tpu.memref_slice %arg5[%dma_wait3A_399, %dma_wait3A_400] : memref<2x80xi32, #tpu.memory_space<vmem>> -> memref<1x80xi32, #tpu.memory_space<vmem>>
      %dma_wait3A_402 = tpu.memref_squeeze %dma_wait3A_401 : memref<1x80xi32, #tpu.memory_space<vmem>> -> memref<80xi32, #tpu.memory_space<vmem>>
      %dma_wait3A_403 = arith.constant 0 : i32
      %dma_wait3A_404 = arith.constant 0 : i32
      %dma_wait3A_405 = tpu.memref_slice %arg14[%dma_wait3A_403, %dma_wait3A_404] : memref<10112x128xf32, #tpu.memory_space<vmem_shared>> -> memref<10112x128xf32, #tpu.memory_space<vmem_shared>>
      tpu.wait_indirect_dma semaphore(%arg19 : memref<!tpu.dma_semaphore, #tpu.memory_space<semaphore_mem>>) src(%arg12 : memref<80x128xf32, #tpu.memory_space<vmem>>) dst(%dma_wait3A_405 : memref<10112x128xf32, #tpu.memory_space<vmem_shared>>)
      %dma_start3A_406 = arith.constant 0 : i32
      %dma_start3A_407 = arith.constant 0 : i32
      %dma_start3A_408 = tpu.memref_slice %arg6[%dma_start3A_406, %dma_start3A_407] : memref<2x80xi32, #tpu.memory_space<vmem>> -> memref<1x80xi32, #tpu.memory_space<vmem>>
      %dma_start3A_409 = tpu.memref_squeeze %dma_start3A_408 : memref<1x80xi32, #tpu.memory_space<vmem>> -> memref<80xi32, #tpu.memory_space<vmem>>
      %dma_start3A_410 = arith.constant 0 : i32
      %dma_start3A_411 = arith.constant 0 : i32
      %dma_start3A_412 = tpu.memref_slice %arg2[%dma_start3A_410, %dma_start3A_411] : memref<10000x128xf32, #tpu.memory_space<hbm>> -> memref<10000x128xf32, #tpu.memory_space<hbm>>
      tpu.enqueue_indirect_dma source(%dma_start3A_412 : memref<10000x128xf32, #tpu.memory_space<hbm>>) target(%arg12 : memref<80x128xf32, #tpu.memory_space<vmem>>) offsets(%dma_start3A_409 : memref<80xi32, #tpu.memory_space<vmem>>) semaphore(%arg16 : memref<!tpu.dma_semaphore, #tpu.memory_space<semaphore_mem>>)
      %dma_wait3A_413 = arith.constant 0 : i32
      %dma_wait3A_414 = arith.constant 0 : i32
      %dma_wait3A_415 = tpu.memref_slice %arg5[%dma_wait3A_413, %dma_wait3A_414] : memref<2x80xi32, #tpu.memory_space<vmem>> -> memref<1x80xi32, #tpu.memory_space<vmem>>
      %dma_wait3A_416 = tpu.memref_squeeze %dma_wait3A_415 : memref<1x80xi32, #tpu.memory_space<vmem>> -> memref<80xi32, #tpu.memory_space<vmem>>
      %dma_wait3A_417 = arith.constant 0 : i32
      %dma_wait3A_418 = arith.constant 0 : i32
      %dma_wait3A_419 = tpu.memref_slice %arg2[%dma_wait3A_417, %dma_wait3A_418] : memref<10000x128xf32, #tpu.memory_space<hbm>> -> memref<10000x128xf32, #tpu.memory_space<hbm>>
      tpu.wait_indirect_dma semaphore(%arg17 : memref<!tpu.dma_semaphore, #tpu.memory_space<semaphore_mem>>) src(%dma_wait3A_419 : memref<10000x128xf32, #tpu.memory_space<hbm>>) dst(%arg13 : memref<80x128xf32, #tpu.memory_space<vmem>>)
      %dma_start3A_420 = arith.constant 1 : i32
      %dma_start3A_421 = arith.constant 0 : i32
      %dma_start3A_422 = tpu.memref_slice %arg10[%dma_start3A_420, %dma_start3A_421] : memref<2x80xi32, #tpu.memory_space<vmem>> -> memref<1x80xi32, #tpu.memory_space<vmem>>
      %dma_start3A_423 = tpu.memref_squeeze %dma_start3A_422 : memref<1x80xi32, #tpu.memory_space<vmem>> -> memref<80xi32, #tpu.memory_space<vmem>>
      %dma_start3A_424 = arith.constant 0 : i32
      %dma_start3A_425 = arith.constant 0 : i32
      %dma_start3A_426 = tpu.memref_slice %arg14[%dma_start3A_424, %dma_start3A_425] : memref<10112x128xf32, #tpu.memory_space<vmem_shared>> -> memref<10112x128xf32, #tpu.memory_space<vmem_shared>>
      tpu.enqueue_indirect_dma source(%arg13 : memref<80x128xf32, #tpu.memory_space<vmem>>) target(%dma_start3A_426 : memref<10112x128xf32, #tpu.memory_space<vmem_shared>>) offsets(%dma_start3A_423 : memref<80xi32, #tpu.memory_space<vmem>>) semaphore(%arg19 : memref<!tpu.dma_semaphore, #tpu.memory_space<semaphore_mem>>) {add = true}
      %add3A_427 = arith.constant 3 : i32
      %add3A_428 = arith.addi %add3A_389, %add3A_427 : i32
      %dma_start3A_429 = arith.constant 0 : i32
      %dma_start3A_430 = arith.constant 0 : i32
      %dma_start3A_431 = tpu.memref_slice %arg3[%add3A, %add3A_428, %dma_start3A_429, %dma_start3A_430] : memref<32x130x2x80xi32, #tpu.memory_space<hbm>> -> memref<1x1x2x80xi32, #tpu.memory_space<hbm>>
      %dma_start3A_432 = tpu.memref_squeeze %dma_start3A_431 : memref<1x1x2x80xi32, #tpu.memory_space<hbm>> -> memref<2x80xi32, #tpu.memory_space<hbm>>
      %dma_start3A_433 = arith.constant 0 : i32
      %dma_start3A_434 = arith.constant 0 : i32
      %dma_start3A_435 = tpu.memref_slice %arg3[%add3A, %add3A_428, %dma_start3A_433, %dma_start3A_434] : memref<32x130x2x80xi32, #tpu.memory_space<hbm>> -> memref<1x1x2x80xi32, #tpu.memory_space<hbm>>
      %dma_start3A_436 = tpu.memref_squeeze %dma_start3A_435 : memref<1x1x2x80xi32, #tpu.memory_space<hbm>> -> memref<2x80xi32, #tpu.memory_space<hbm>>
      tpu.enqueue_dma source(%dma_start3A_436 : memref<2x80xi32, #tpu.memory_space<hbm>>) target(%arg7 : memref<2x80xi32, #tpu.memory_space<vmem>>) target_semaphore(%arg18 : memref<!tpu.dma_semaphore, #tpu.memory_space<semaphore_mem>>)
    }
    %scan3A_104 = arith.constant 21 : i32
    %dma_wait3A_105 = arith.constant 1 : i32
    %dma_wait3A_106 = arith.constant 0 : i32
    %dma_wait3A_107 = tpu.memref_slice %arg5[%dma_wait3A_105, %dma_wait3A_106] : memref<2x80xi32, #tpu.memory_space<vmem>> -> memref<1x80xi32, #tpu.memory_space<vmem>>
    %dma_wait3A_108 = tpu.memref_squeeze %dma_wait3A_107 : memref<1x80xi32, #tpu.memory_space<vmem>> -> memref<80xi32, #tpu.memory_space<vmem>>
    %dma_wait3A_109 = arith.constant 0 : i32
    %dma_wait3A_110 = arith.constant 0 : i32
    %dma_wait3A_111 = tpu.memref_slice %arg14[%dma_wait3A_109, %dma_wait3A_110] : memref<10112x128xf32, #tpu.memory_space<vmem_shared>> -> memref<10112x128xf32, #tpu.memory_space<vmem_shared>>
    tpu.wait_indirect_dma semaphore(%arg19 : memref<!tpu.dma_semaphore, #tpu.memory_space<semaphore_mem>>) src(%arg11 : memref<80x128xf32, #tpu.memory_space<vmem>>) dst(%dma_wait3A_111 : memref<10112x128xf32, #tpu.memory_space<vmem_shared>>)
    %dma_wait3A_112 = arith.constant 0 : i32
    %dma_wait3A_113 = arith.constant 0 : i32
    %dma_wait3A_114 = tpu.memref_slice %arg5[%dma_wait3A_112, %dma_wait3A_113] : memref<2x80xi32, #tpu.memory_space<vmem>> -> memref<1x80xi32, #tpu.memory_space<vmem>>
    %dma_wait3A_115 = tpu.memref_squeeze %dma_wait3A_114 : memref<1x80xi32, #tpu.memory_space<vmem>> -> memref<80xi32, #tpu.memory_space<vmem>>
    %dma_wait3A_116 = arith.constant 0 : i32
    %dma_wait3A_117 = arith.constant 0 : i32
    %dma_wait3A_118 = tpu.memref_slice %arg2[%dma_wait3A_116, %dma_wait3A_117] : memref<10000x128xf32, #tpu.memory_space<hbm>> -> memref<10000x128xf32, #tpu.memory_space<hbm>>
    tpu.wait_indirect_dma semaphore(%arg15 : memref<!tpu.dma_semaphore, #tpu.memory_space<semaphore_mem>>) src(%dma_wait3A_118 : memref<10000x128xf32, #tpu.memory_space<hbm>>) dst(%arg11 : memref<80x128xf32, #tpu.memory_space<vmem>>)
    %dma_wait3A_119 = arith.constant 0 : i32
    %dma_wait3A_120 = arith.constant 0 : i32
    %dma_wait3A_121 = tpu.memref_slice %arg5[%dma_wait3A_119, %dma_wait3A_120] : memref<2x80xi32, #tpu.memory_space<vmem>> -> memref<1x80xi32, #tpu.memory_space<vmem>>
    %dma_wait3A_122 = tpu.memref_squeeze %dma_wait3A_121 : memref<1x80xi32, #tpu.memory_space<vmem>> -> memref<80xi32, #tpu.memory_space<vmem>>
    %dma_wait3A_123 = arith.constant 0 : i32
    %dma_wait3A_124 = arith.constant 0 : i32
    %dma_wait3A_125 = tpu.memref_slice %arg2[%dma_wait3A_123, %dma_wait3A_124] : memref<10000x128xf32, #tpu.memory_space<hbm>> -> memref<10000x128xf32, #tpu.memory_space<hbm>>
    tpu.wait_indirect_dma semaphore(%arg16 : memref<!tpu.dma_semaphore, #tpu.memory_space<semaphore_mem>>) src(%dma_wait3A_125 : memref<10000x128xf32, #tpu.memory_space<hbm>>) dst(%arg12 : memref<80x128xf32, #tpu.memory_space<vmem>>)
    %dma_wait3A_126 = arith.constant 0 : i32
    %dma_wait3A_127 = arith.constant 0 : i32
    %dma_wait3A_128 = arith.constant 0 : i32
    %dma_wait3A_129 = tpu.memref_slice %arg3[%add3A, %dma_wait3A_126, %dma_wait3A_127, %dma_wait3A_128] : memref<32x130x2x80xi32, #tpu.memory_space<hbm>> -> memref<1x1x2x80xi32, #tpu.memory_space<hbm>>
    %dma_wait3A_130 = tpu.memref_squeeze %dma_wait3A_129 : memref<1x1x2x80xi32, #tpu.memory_space<hbm>> -> memref<2x80xi32, #tpu.memory_space<hbm>>
    %dma_wait3A_131 = arith.constant 0 : i32
    %dma_wait3A_132 = arith.constant 0 : i32
    %dma_wait3A_133 = tpu.memref_slice %arg3[%add3A, %dma_wait3A_126, %dma_wait3A_131, %dma_wait3A_132] : memref<32x130x2x80xi32, #tpu.memory_space<hbm>> -> memref<1x1x2x80xi32, #tpu.memory_space<hbm>>
    %dma_wait3A_134 = tpu.memref_squeeze %dma_wait3A_133 : memref<1x1x2x80xi32, #tpu.memory_space<hbm>> -> memref<2x80xi32, #tpu.memory_space<hbm>>
    tpu.wait_dma2 semaphore(%arg18 : memref<!tpu.dma_semaphore, #tpu.memory_space<semaphore_mem>>) src(%dma_wait3A_134 : memref<2x80xi32, #tpu.memory_space<hbm>>) dst(%arg5 : memref<2x80xi32, #tpu.memory_space<vmem>>)
    %barrier3A_135 = arith.constant 0 : index
    tpu.barrier barrier_id(%barrier3A_135)
    %mul3A_136 = arith.constant 632 : i32
    %mul3A_137 = arith.muli %arg1, %mul3A_136 : i32
    %mul3A_138 = arith.constant 632 : i32
    %mul3A_139 = arith.muli %arg1, %mul3A_138 : i32
    "tpu.region"() ({
      %run_scoped3A = tpu.sem_alloc : memref<!tpu.dma_semaphore, #tpu.memory_space<semaphore_mem>>
      %dma_start3A_140 = arith.constant 0 : i32
      %dma_start3A_141 = tpu.memref_slice %arg4[%arg0, %mul3A_139, %dma_start3A_140] : memref<2x10112x128xf32, #tpu.memory_space<hbm>> -> memref<1x632x128xf32, #tpu.memory_space<hbm>>
      %dma_start3A_142 = tpu.memref_squeeze %dma_start3A_141 : memref<1x632x128xf32, #tpu.memory_space<hbm>> -> memref<632x128xf32, #tpu.memory_space<hbm>>
      %dma_start3A_143 = arith.constant 0 : i32
      %dma_start3A_144 = tpu.memref_slice %arg14[%mul3A_137, %dma_start3A_143] : memref<10112x128xf32, #tpu.memory_space<vmem_shared>> -> memref<632x128xf32, #tpu.memory_space<vmem_shared>>
      tpu.enqueue_dma source(%dma_start3A_144 : memref<632x128xf32, #tpu.memory_space<vmem_shared>>) target(%dma_start3A_142 : memref<632x128xf32, #tpu.memory_space<hbm>>) target_semaphore(%run_scoped3A : memref<!tpu.dma_semaphore, #tpu.memory_space<semaphore_mem>>)
      %dma_wait3A_145 = arith.constant 0 : i32
      %dma_wait3A_146 = tpu.memref_slice %arg4[%arg0, %mul3A_139, %dma_wait3A_145] : memref<2x10112x128xf32, #tpu.memory_space<hbm>> -> memref<1x632x128xf32, #tpu.memory_space<hbm>>
      %dma_wait3A_147 = tpu.memref_squeeze %dma_wait3A_146 : memref<1x632x128xf32, #tpu.memory_space<hbm>> -> memref<632x128xf32, #tpu.memory_space<hbm>>
      %dma_wait3A_148 = arith.constant 0 : i32
      %dma_wait3A_149 = tpu.memref_slice %arg14[%mul3A_137, %dma_wait3A_148] : memref<10112x128xf32, #tpu.memory_space<vmem_shared>> -> memref<632x128xf32, #tpu.memory_space<vmem_shared>>
      tpu.wait_dma2 semaphore(%run_scoped3A : memref<!tpu.dma_semaphore, #tpu.memory_space<semaphore_mem>>) src(%dma_wait3A_149 : memref<632x128xf32, #tpu.memory_space<vmem_shared>>) dst(%dma_wait3A_147 : memref<632x128xf32, #tpu.memory_space<hbm>>)
      tpu.yield
    }) : () -> ()
    return
  }
}

#map = affine_map<(d0, d1) -> (0, 0)>
#map1 = affine_map<(d0, d1) -> (0, 0, 0, 0)>
#map2 = affine_map<(d0, d1) -> (0, 0, 0)>
module attributes {stable_mosaic.version = 14 : i64} {
  func.func @body(%arg0: i32, %arg1: i32, %arg2: memref<10000x128xf32, #tpu.memory_space<hbm>>, %arg3: memref<32x130x2x80xi32, #tpu.memory_space<hbm>>, %arg4: memref<2x10112x128xf32, #tpu.memory_space<hbm>>, %arg5: memref<32x10112xf32, #tpu.memory_space<hbm>>, %arg6: memref<2x80xi32, #tpu.memory_space<vmem>>, %arg7: memref<2x80xi32, #tpu.memory_space<vmem>>, %arg8: memref<2x80xi32, #tpu.memory_space<vmem>>, %arg9: memref<2x80xi32, #tpu.memory_space<vmem>>, %arg10: memref<2x80xi32, #tpu.memory_space<vmem>>, %arg11: memref<2x80xi32, #tpu.memory_space<vmem>>, %arg12: memref<80x128xf32, #tpu.memory_space<vmem>>, %arg13: memref<80x128xf32, #tpu.memory_space<vmem>>, %arg14: memref<80x128xf32, #tpu.memory_space<vmem>>, %arg15: memref<10112x128xf32, #tpu.memory_space<vmem_shared>>, %arg16: memref<!tpu.dma_semaphore, #tpu.memory_space<semaphore_mem>>, %arg17: memref<!tpu.dma_semaphore, #tpu.memory_space<semaphore_mem>>, %arg18: memref<!tpu.dma_semaphore, #tpu.memory_space<semaphore_mem>>, %arg19: memref<!tpu.dma_semaphore, #tpu.memory_space<semaphore_mem>>, %arg20: memref<!tpu.dma_semaphore, #tpu.memory_space<semaphore_mem>>, %arg21: memref<10112xf32, #tpu.memory_space<vmem>>) attributes {dimension_semantics = [#tpu.dimension_semantics<core_parallel>, #tpu.dimension_semantics<subcore_parallel>], iteration_bounds = array<i64: 2, 16>, scalar_prefetch = 0 : i64, scratch_operands = 16 : i64, tpu.core_type = #tpu.core_type<sc_vector_subcore>, window_params = [{transform_indices = #map}, {transform_indices = #map1}, {transform_indices = #map2}, {transform_indices = #map}]} {
    %mul3A = arith.constant 16 : i32
    %mul3A_0 = arith.muli %arg0, %mul3A : i32
    %add3A = arith.addi %mul3A_0, %arg1 : i32
    %broadcast_in_dim3A = arith.constant 0.000000e+00 : f32
    %broadcast_in_dim3A_1 = vector.broadcast %broadcast_in_dim3A : f32 to vector<16xf32>
    %scan3A = arith.constant 0 : i32
    %scan3A_2 = arith.constant 0 : i32
    %scan3A_3 = arith.constant 80 : i32
    %scan3A_4 = arith.addi %scan3A_2, %scan3A_3 : i32
    %scan3A_5 = arith.constant 1 : i32
    scf.for %scan3A_148 = %scan3A_2 to %scan3A_4 step %scan3A_5  : i32 {
      %swap3A = arith.index_cast %scan3A_148 : i32 to index
      %swap3A_149 = arith.constant 0 : index
      %swap3A_150 = tpu.vector_load %arg12[%swap3A, %swap3A_149] {strides = array<i32>} : memref<80x128xf32, #tpu.memory_space<vmem>>, vector<16xf32>,
      tpu.vector_store %arg12[%swap3A, %swap3A_149], %broadcast_in_dim3A_1 {strides = array<i32>} : memref<80x128xf32, #tpu.memory_space<vmem>>, vector<16xf32>,
      %swap3A_151 = arith.index_cast %scan3A_148 : i32 to index
      %swap3A_152 = arith.constant 16 : index
      %swap3A_153 = tpu.vector_load %arg12[%swap3A_151, %swap3A_152] {strides = array<i32>} : memref<80x128xf32, #tpu.memory_space<vmem>>, vector<16xf32>,
      tpu.vector_store %arg12[%swap3A_151, %swap3A_152], %broadcast_in_dim3A_1 {strides = array<i32>} : memref<80x128xf32, #tpu.memory_space<vmem>>, vector<16xf32>,
      %swap3A_154 = arith.index_cast %scan3A_148 : i32 to index
      %swap3A_155 = arith.constant 32 : index
      %swap3A_156 = tpu.vector_load %arg12[%swap3A_154, %swap3A_155] {strides = array<i32>} : memref<80x128xf32, #tpu.memory_space<vmem>>, vector<16xf32>,
      tpu.vector_store %arg12[%swap3A_154, %swap3A_155], %broadcast_in_dim3A_1 {strides = array<i32>} : memref<80x128xf32, #tpu.memory_space<vmem>>, vector<16xf32>,
      %swap3A_157 = arith.index_cast %scan3A_148 : i32 to index
      %swap3A_158 = arith.constant 48 : index
      %swap3A_159 = tpu.vector_load %arg12[%swap3A_157, %swap3A_158] {strides = array<i32>} : memref<80x128xf32, #tpu.memory_space<vmem>>, vector<16xf32>,
      tpu.vector_store %arg12[%swap3A_157, %swap3A_158], %broadcast_in_dim3A_1 {strides = array<i32>} : memref<80x128xf32, #tpu.memory_space<vmem>>, vector<16xf32>,
      %swap3A_160 = arith.index_cast %scan3A_148 : i32 to index
      %swap3A_161 = arith.constant 64 : index
      %swap3A_162 = tpu.vector_load %arg12[%swap3A_160, %swap3A_161] {strides = array<i32>} : memref<80x128xf32, #tpu.memory_space<vmem>>, vector<16xf32>,
      tpu.vector_store %arg12[%swap3A_160, %swap3A_161], %broadcast_in_dim3A_1 {strides = array<i32>} : memref<80x128xf32, #tpu.memory_space<vmem>>, vector<16xf32>,
      %swap3A_163 = arith.index_cast %scan3A_148 : i32 to index
      %swap3A_164 = arith.constant 80 : index
      %swap3A_165 = tpu.vector_load %arg12[%swap3A_163, %swap3A_164] {strides = array<i32>} : memref<80x128xf32, #tpu.memory_space<vmem>>, vector<16xf32>,
      tpu.vector_store %arg12[%swap3A_163, %swap3A_164], %broadcast_in_dim3A_1 {strides = array<i32>} : memref<80x128xf32, #tpu.memory_space<vmem>>, vector<16xf32>,
      %swap3A_166 = arith.index_cast %scan3A_148 : i32 to index
      %swap3A_167 = arith.constant 96 : index
      %swap3A_168 = tpu.vector_load %arg12[%swap3A_166, %swap3A_167] {strides = array<i32>} : memref<80x128xf32, #tpu.memory_space<vmem>>, vector<16xf32>,
      tpu.vector_store %arg12[%swap3A_166, %swap3A_167], %broadcast_in_dim3A_1 {strides = array<i32>} : memref<80x128xf32, #tpu.memory_space<vmem>>, vector<16xf32>,
      %swap3A_169 = arith.index_cast %scan3A_148 : i32 to index
      %swap3A_170 = arith.constant 112 : index
      %swap3A_171 = tpu.vector_load %arg12[%swap3A_169, %swap3A_170] {strides = array<i32>} : memref<80x128xf32, #tpu.memory_space<vmem>>, vector<16xf32>,
      tpu.vector_store %arg12[%swap3A_169, %swap3A_170], %broadcast_in_dim3A_1 {strides = array<i32>} : memref<80x128xf32, #tpu.memory_space<vmem>>, vector<16xf32>,
    }
    %scan3A_6 = arith.constant 80 : i32
    %mul3A_7 = arith.constant 632 : i32
    %mul3A_8 = arith.muli %arg1, %mul3A_7 : i32
    %add3A_9 = arith.constant 0 : i32
    %add3A_10 = arith.addi %mul3A_8, %add3A_9 : i32
    "tpu.region"() ({
      %run_scoped3A = tpu.sem_alloc : memref<!tpu.dma_semaphore, #tpu.memory_space<semaphore_mem>>
      %dma_start3A_148 = arith.constant 0 : i32
      %dma_start3A_149 = arith.constant 0 : i32
      %dma_start3A_150 = tpu.memref_slice %arg12[%dma_start3A_148, %dma_start3A_149] : memref<80x128xf32, #tpu.memory_space<vmem>> -> memref<80x128xf32, #tpu.memory_space<vmem>>
      %dma_start3A_151 = arith.constant 0 : i32
      %dma_start3A_152 = tpu.memref_slice %arg15[%add3A_10, %dma_start3A_151] : memref<10112x128xf32, #tpu.memory_space<vmem_shared>> -> memref<80x128xf32, #tpu.memory_space<vmem_shared>>
      %dma_start3A_153 = arith.constant 0 : i32
      %dma_start3A_154 = tpu.memref_slice %arg15[%add3A_10, %dma_start3A_153] : memref<10112x128xf32, #tpu.memory_space<vmem_shared>> -> memref<80x128xf32, #tpu.memory_space<vmem_shared>>
      %dma_start3A_155 = arith.constant 0 : i32
      %dma_start3A_156 = arith.constant 0 : i32
      %dma_start3A_157 = tpu.memref_slice %arg12[%dma_start3A_155, %dma_start3A_156] : memref<80x128xf32, #tpu.memory_space<vmem>> -> memref<80x128xf32, #tpu.memory_space<vmem>>
      tpu.enqueue_dma source(%dma_start3A_157 : memref<80x128xf32, #tpu.memory_space<vmem>>) target(%dma_start3A_154 : memref<80x128xf32, #tpu.memory_space<vmem_shared>>) target_semaphore(%run_scoped3A : memref<!tpu.dma_semaphore, #tpu.memory_space<semaphore_mem>>)
      %dma_wait3A_158 = arith.constant 0 : i32
      %dma_wait3A_159 = arith.constant 0 : i32
      %dma_wait3A_160 = tpu.memref_slice %arg12[%dma_wait3A_158, %dma_wait3A_159] : memref<80x128xf32, #tpu.memory_space<vmem>> -> memref<80x128xf32, #tpu.memory_space<vmem>>
      %dma_wait3A_161 = arith.constant 0 : i32
      %dma_wait3A_162 = tpu.memref_slice %arg15[%add3A_10, %dma_wait3A_161] : memref<10112x128xf32, #tpu.memory_space<vmem_shared>> -> memref<80x128xf32, #tpu.memory_space<vmem_shared>>
      %dma_wait3A_163 = arith.constant 0 : i32
      %dma_wait3A_164 = tpu.memref_slice %arg15[%add3A_10, %dma_wait3A_163] : memref<10112x128xf32, #tpu.memory_space<vmem_shared>> -> memref<80x128xf32, #tpu.memory_space<vmem_shared>>
      %dma_wait3A_165 = arith.constant 0 : i32
      %dma_wait3A_166 = arith.constant 0 : i32
      %dma_wait3A_167 = tpu.memref_slice %arg12[%dma_wait3A_165, %dma_wait3A_166] : memref<80x128xf32, #tpu.memory_space<vmem>> -> memref<80x128xf32, #tpu.memory_space<vmem>>
      tpu.wait_dma2 semaphore(%run_scoped3A : memref<!tpu.dma_semaphore, #tpu.memory_space<semaphore_mem>>) src(%dma_wait3A_167 : memref<80x128xf32, #tpu.memory_space<vmem>>) dst(%dma_wait3A_164 : memref<80x128xf32, #tpu.memory_space<vmem_shared>>)
      tpu.yield
    }) : () -> ()
    %add3A_11 = arith.constant 80 : i32
    %add3A_12 = arith.addi %mul3A_8, %add3A_11 : i32
    "tpu.region"() ({
      %run_scoped3A = tpu.sem_alloc : memref<!tpu.dma_semaphore, #tpu.memory_space<semaphore_mem>>
      %dma_start3A_148 = arith.constant 0 : i32
      %dma_start3A_149 = arith.constant 0 : i32
      %dma_start3A_150 = tpu.memref_slice %arg12[%dma_start3A_148, %dma_start3A_149] : memref<80x128xf32, #tpu.memory_space<vmem>> -> memref<80x128xf32, #tpu.memory_space<vmem>>
      %dma_start3A_151 = arith.constant 0 : i32
      %dma_start3A_152 = tpu.memref_slice %arg15[%add3A_12, %dma_start3A_151] : memref<10112x128xf32, #tpu.memory_space<vmem_shared>> -> memref<80x128xf32, #tpu.memory_space<vmem_shared>>
      %dma_start3A_153 = arith.constant 0 : i32
      %dma_start3A_154 = tpu.memref_slice %arg15[%add3A_12, %dma_start3A_153] : memref<10112x128xf32, #tpu.memory_space<vmem_shared>> -> memref<80x128xf32, #tpu.memory_space<vmem_shared>>
      %dma_start3A_155 = arith.constant 0 : i32
      %dma_start3A_156 = arith.constant 0 : i32
      %dma_start3A_157 = tpu.memref_slice %arg12[%dma_start3A_155, %dma_start3A_156] : memref<80x128xf32, #tpu.memory_space<vmem>> -> memref<80x128xf32, #tpu.memory_space<vmem>>
      tpu.enqueue_dma source(%dma_start3A_157 : memref<80x128xf32, #tpu.memory_space<vmem>>) target(%dma_start3A_154 : memref<80x128xf32, #tpu.memory_space<vmem_shared>>) target_semaphore(%run_scoped3A : memref<!tpu.dma_semaphore, #tpu.memory_space<semaphore_mem>>)
      %dma_wait3A_158 = arith.constant 0 : i32
      %dma_wait3A_159 = arith.constant 0 : i32
      %dma_wait3A_160 = tpu.memref_slice %arg12[%dma_wait3A_158, %dma_wait3A_159] : memref<80x128xf32, #tpu.memory_space<vmem>> -> memref<80x128xf32, #tpu.memory_space<vmem>>
      %dma_wait3A_161 = arith.constant 0 : i32
      %dma_wait3A_162 = tpu.memref_slice %arg15[%add3A_12, %dma_wait3A_161] : memref<10112x128xf32, #tpu.memory_space<vmem_shared>> -> memref<80x128xf32, #tpu.memory_space<vmem_shared>>
      %dma_wait3A_163 = arith.constant 0 : i32
      %dma_wait3A_164 = tpu.memref_slice %arg15[%add3A_12, %dma_wait3A_163] : memref<10112x128xf32, #tpu.memory_space<vmem_shared>> -> memref<80x128xf32, #tpu.memory_space<vmem_shared>>
      %dma_wait3A_165 = arith.constant 0 : i32
      %dma_wait3A_166 = arith.constant 0 : i32
      %dma_wait3A_167 = tpu.memref_slice %arg12[%dma_wait3A_165, %dma_wait3A_166] : memref<80x128xf32, #tpu.memory_space<vmem>> -> memref<80x128xf32, #tpu.memory_space<vmem>>
      tpu.wait_dma2 semaphore(%run_scoped3A : memref<!tpu.dma_semaphore, #tpu.memory_space<semaphore_mem>>) src(%dma_wait3A_167 : memref<80x128xf32, #tpu.memory_space<vmem>>) dst(%dma_wait3A_164 : memref<80x128xf32, #tpu.memory_space<vmem_shared>>)
      tpu.yield
    }) : () -> ()
    %add3A_13 = arith.constant 160 : i32
    %add3A_14 = arith.addi %mul3A_8, %add3A_13 : i32
    "tpu.region"() ({
      %run_scoped3A = tpu.sem_alloc : memref<!tpu.dma_semaphore, #tpu.memory_space<semaphore_mem>>
      %dma_start3A_148 = arith.constant 0 : i32
      %dma_start3A_149 = arith.constant 0 : i32
      %dma_start3A_150 = tpu.memref_slice %arg12[%dma_start3A_148, %dma_start3A_149] : memref<80x128xf32, #tpu.memory_space<vmem>> -> memref<80x128xf32, #tpu.memory_space<vmem>>
      %dma_start3A_151 = arith.constant 0 : i32
      %dma_start3A_152 = tpu.memref_slice %arg15[%add3A_14, %dma_start3A_151] : memref<10112x128xf32, #tpu.memory_space<vmem_shared>> -> memref<80x128xf32, #tpu.memory_space<vmem_shared>>
      %dma_start3A_153 = arith.constant 0 : i32
      %dma_start3A_154 = tpu.memref_slice %arg15[%add3A_14, %dma_start3A_153] : memref<10112x128xf32, #tpu.memory_space<vmem_shared>> -> memref<80x128xf32, #tpu.memory_space<vmem_shared>>
      %dma_start3A_155 = arith.constant 0 : i32
      %dma_start3A_156 = arith.constant 0 : i32
      %dma_start3A_157 = tpu.memref_slice %arg12[%dma_start3A_155, %dma_start3A_156] : memref<80x128xf32, #tpu.memory_space<vmem>> -> memref<80x128xf32, #tpu.memory_space<vmem>>
      tpu.enqueue_dma source(%dma_start3A_157 : memref<80x128xf32, #tpu.memory_space<vmem>>) target(%dma_start3A_154 : memref<80x128xf32, #tpu.memory_space<vmem_shared>>) target_semaphore(%run_scoped3A : memref<!tpu.dma_semaphore, #tpu.memory_space<semaphore_mem>>)
      %dma_wait3A_158 = arith.constant 0 : i32
      %dma_wait3A_159 = arith.constant 0 : i32
      %dma_wait3A_160 = tpu.memref_slice %arg12[%dma_wait3A_158, %dma_wait3A_159] : memref<80x128xf32, #tpu.memory_space<vmem>> -> memref<80x128xf32, #tpu.memory_space<vmem>>
      %dma_wait3A_161 = arith.constant 0 : i32
      %dma_wait3A_162 = tpu.memref_slice %arg15[%add3A_14, %dma_wait3A_161] : memref<10112x128xf32, #tpu.memory_space<vmem_shared>> -> memref<80x128xf32, #tpu.memory_space<vmem_shared>>
      %dma_wait3A_163 = arith.constant 0 : i32
      %dma_wait3A_164 = tpu.memref_slice %arg15[%add3A_14, %dma_wait3A_163] : memref<10112x128xf32, #tpu.memory_space<vmem_shared>> -> memref<80x128xf32, #tpu.memory_space<vmem_shared>>
      %dma_wait3A_165 = arith.constant 0 : i32
      %dma_wait3A_166 = arith.constant 0 : i32
      %dma_wait3A_167 = tpu.memref_slice %arg12[%dma_wait3A_165, %dma_wait3A_166] : memref<80x128xf32, #tpu.memory_space<vmem>> -> memref<80x128xf32, #tpu.memory_space<vmem>>
      tpu.wait_dma2 semaphore(%run_scoped3A : memref<!tpu.dma_semaphore, #tpu.memory_space<semaphore_mem>>) src(%dma_wait3A_167 : memref<80x128xf32, #tpu.memory_space<vmem>>) dst(%dma_wait3A_164 : memref<80x128xf32, #tpu.memory_space<vmem_shared>>)
      tpu.yield
    }) : () -> ()
    %add3A_15 = arith.constant 240 : i32
    %add3A_16 = arith.addi %mul3A_8, %add3A_15 : i32
    "tpu.region"() ({
      %run_scoped3A = tpu.sem_alloc : memref<!tpu.dma_semaphore, #tpu.memory_space<semaphore_mem>>
      %dma_start3A_148 = arith.constant 0 : i32
      %dma_start3A_149 = arith.constant 0 : i32
      %dma_start3A_150 = tpu.memref_slice %arg12[%dma_start3A_148, %dma_start3A_149] : memref<80x128xf32, #tpu.memory_space<vmem>> -> memref<80x128xf32, #tpu.memory_space<vmem>>
      %dma_start3A_151 = arith.constant 0 : i32
      %dma_start3A_152 = tpu.memref_slice %arg15[%add3A_16, %dma_start3A_151] : memref<10112x128xf32, #tpu.memory_space<vmem_shared>> -> memref<80x128xf32, #tpu.memory_space<vmem_shared>>
      %dma_start3A_153 = arith.constant 0 : i32
      %dma_start3A_154 = tpu.memref_slice %arg15[%add3A_16, %dma_start3A_153] : memref<10112x128xf32, #tpu.memory_space<vmem_shared>> -> memref<80x128xf32, #tpu.memory_space<vmem_shared>>
      %dma_start3A_155 = arith.constant 0 : i32
      %dma_start3A_156 = arith.constant 0 : i32
      %dma_start3A_157 = tpu.memref_slice %arg12[%dma_start3A_155, %dma_start3A_156] : memref<80x128xf32, #tpu.memory_space<vmem>> -> memref<80x128xf32, #tpu.memory_space<vmem>>
      tpu.enqueue_dma source(%dma_start3A_157 : memref<80x128xf32, #tpu.memory_space<vmem>>) target(%dma_start3A_154 : memref<80x128xf32, #tpu.memory_space<vmem_shared>>) target_semaphore(%run_scoped3A : memref<!tpu.dma_semaphore, #tpu.memory_space<semaphore_mem>>)
      %dma_wait3A_158 = arith.constant 0 : i32
      %dma_wait3A_159 = arith.constant 0 : i32
      %dma_wait3A_160 = tpu.memref_slice %arg12[%dma_wait3A_158, %dma_wait3A_159] : memref<80x128xf32, #tpu.memory_space<vmem>> -> memref<80x128xf32, #tpu.memory_space<vmem>>
      %dma_wait3A_161 = arith.constant 0 : i32
      %dma_wait3A_162 = tpu.memref_slice %arg15[%add3A_16, %dma_wait3A_161] : memref<10112x128xf32, #tpu.memory_space<vmem_shared>> -> memref<80x128xf32, #tpu.memory_space<vmem_shared>>
      %dma_wait3A_163 = arith.constant 0 : i32
      %dma_wait3A_164 = tpu.memref_slice %arg15[%add3A_16, %dma_wait3A_163] : memref<10112x128xf32, #tpu.memory_space<vmem_shared>> -> memref<80x128xf32, #tpu.memory_space<vmem_shared>>
      %dma_wait3A_165 = arith.constant 0 : i32
      %dma_wait3A_166 = arith.constant 0 : i32
      %dma_wait3A_167 = tpu.memref_slice %arg12[%dma_wait3A_165, %dma_wait3A_166] : memref<80x128xf32, #tpu.memory_space<vmem>> -> memref<80x128xf32, #tpu.memory_space<vmem>>
      tpu.wait_dma2 semaphore(%run_scoped3A : memref<!tpu.dma_semaphore, #tpu.memory_space<semaphore_mem>>) src(%dma_wait3A_167 : memref<80x128xf32, #tpu.memory_space<vmem>>) dst(%dma_wait3A_164 : memref<80x128xf32, #tpu.memory_space<vmem_shared>>)
      tpu.yield
    }) : () -> ()
    %add3A_17 = arith.constant 320 : i32
    %add3A_18 = arith.addi %mul3A_8, %add3A_17 : i32
    "tpu.region"() ({
      %run_scoped3A = tpu.sem_alloc : memref<!tpu.dma_semaphore, #tpu.memory_space<semaphore_mem>>
      %dma_start3A_148 = arith.constant 0 : i32
      %dma_start3A_149 = arith.constant 0 : i32
      %dma_start3A_150 = tpu.memref_slice %arg12[%dma_start3A_148, %dma_start3A_149] : memref<80x128xf32, #tpu.memory_space<vmem>> -> memref<80x128xf32, #tpu.memory_space<vmem>>
      %dma_start3A_151 = arith.constant 0 : i32
      %dma_start3A_152 = tpu.memref_slice %arg15[%add3A_18, %dma_start3A_151] : memref<10112x128xf32, #tpu.memory_space<vmem_shared>> -> memref<80x128xf32, #tpu.memory_space<vmem_shared>>
      %dma_start3A_153 = arith.constant 0 : i32
      %dma_start3A_154 = tpu.memref_slice %arg15[%add3A_18, %dma_start3A_153] : memref<10112x128xf32, #tpu.memory_space<vmem_shared>> -> memref<80x128xf32, #tpu.memory_space<vmem_shared>>
      %dma_start3A_155 = arith.constant 0 : i32
      %dma_start3A_156 = arith.constant 0 : i32
      %dma_start3A_157 = tpu.memref_slice %arg12[%dma_start3A_155, %dma_start3A_156] : memref<80x128xf32, #tpu.memory_space<vmem>> -> memref<80x128xf32, #tpu.memory_space<vmem>>
      tpu.enqueue_dma source(%dma_start3A_157 : memref<80x128xf32, #tpu.memory_space<vmem>>) target(%dma_start3A_154 : memref<80x128xf32, #tpu.memory_space<vmem_shared>>) target_semaphore(%run_scoped3A : memref<!tpu.dma_semaphore, #tpu.memory_space<semaphore_mem>>)
      %dma_wait3A_158 = arith.constant 0 : i32
      %dma_wait3A_159 = arith.constant 0 : i32
      %dma_wait3A_160 = tpu.memref_slice %arg12[%dma_wait3A_158, %dma_wait3A_159] : memref<80x128xf32, #tpu.memory_space<vmem>> -> memref<80x128xf32, #tpu.memory_space<vmem>>
      %dma_wait3A_161 = arith.constant 0 : i32
      %dma_wait3A_162 = tpu.memref_slice %arg15[%add3A_18, %dma_wait3A_161] : memref<10112x128xf32, #tpu.memory_space<vmem_shared>> -> memref<80x128xf32, #tpu.memory_space<vmem_shared>>
      %dma_wait3A_163 = arith.constant 0 : i32
      %dma_wait3A_164 = tpu.memref_slice %arg15[%add3A_18, %dma_wait3A_163] : memref<10112x128xf32, #tpu.memory_space<vmem_shared>> -> memref<80x128xf32, #tpu.memory_space<vmem_shared>>
      %dma_wait3A_165 = arith.constant 0 : i32
      %dma_wait3A_166 = arith.constant 0 : i32
      %dma_wait3A_167 = tpu.memref_slice %arg12[%dma_wait3A_165, %dma_wait3A_166] : memref<80x128xf32, #tpu.memory_space<vmem>> -> memref<80x128xf32, #tpu.memory_space<vmem>>
      tpu.wait_dma2 semaphore(%run_scoped3A : memref<!tpu.dma_semaphore, #tpu.memory_space<semaphore_mem>>) src(%dma_wait3A_167 : memref<80x128xf32, #tpu.memory_space<vmem>>) dst(%dma_wait3A_164 : memref<80x128xf32, #tpu.memory_space<vmem_shared>>)
      tpu.yield
    }) : () -> ()
    %add3A_19 = arith.constant 400 : i32
    %add3A_20 = arith.addi %mul3A_8, %add3A_19 : i32
    "tpu.region"() ({
      %run_scoped3A = tpu.sem_alloc : memref<!tpu.dma_semaphore, #tpu.memory_space<semaphore_mem>>
      %dma_start3A_148 = arith.constant 0 : i32
      %dma_start3A_149 = arith.constant 0 : i32
      %dma_start3A_150 = tpu.memref_slice %arg12[%dma_start3A_148, %dma_start3A_149] : memref<80x128xf32, #tpu.memory_space<vmem>> -> memref<80x128xf32, #tpu.memory_space<vmem>>
      %dma_start3A_151 = arith.constant 0 : i32
      %dma_start3A_152 = tpu.memref_slice %arg15[%add3A_20, %dma_start3A_151] : memref<10112x128xf32, #tpu.memory_space<vmem_shared>> -> memref<80x128xf32, #tpu.memory_space<vmem_shared>>
      %dma_start3A_153 = arith.constant 0 : i32
      %dma_start3A_154 = tpu.memref_slice %arg15[%add3A_20, %dma_start3A_153] : memref<10112x128xf32, #tpu.memory_space<vmem_shared>> -> memref<80x128xf32, #tpu.memory_space<vmem_shared>>
      %dma_start3A_155 = arith.constant 0 : i32
      %dma_start3A_156 = arith.constant 0 : i32
      %dma_start3A_157 = tpu.memref_slice %arg12[%dma_start3A_155, %dma_start3A_156] : memref<80x128xf32, #tpu.memory_space<vmem>> -> memref<80x128xf32, #tpu.memory_space<vmem>>
      tpu.enqueue_dma source(%dma_start3A_157 : memref<80x128xf32, #tpu.memory_space<vmem>>) target(%dma_start3A_154 : memref<80x128xf32, #tpu.memory_space<vmem_shared>>) target_semaphore(%run_scoped3A : memref<!tpu.dma_semaphore, #tpu.memory_space<semaphore_mem>>)
      %dma_wait3A_158 = arith.constant 0 : i32
      %dma_wait3A_159 = arith.constant 0 : i32
      %dma_wait3A_160 = tpu.memref_slice %arg12[%dma_wait3A_158, %dma_wait3A_159] : memref<80x128xf32, #tpu.memory_space<vmem>> -> memref<80x128xf32, #tpu.memory_space<vmem>>
      %dma_wait3A_161 = arith.constant 0 : i32
      %dma_wait3A_162 = tpu.memref_slice %arg15[%add3A_20, %dma_wait3A_161] : memref<10112x128xf32, #tpu.memory_space<vmem_shared>> -> memref<80x128xf32, #tpu.memory_space<vmem_shared>>
      %dma_wait3A_163 = arith.constant 0 : i32
      %dma_wait3A_164 = tpu.memref_slice %arg15[%add3A_20, %dma_wait3A_163] : memref<10112x128xf32, #tpu.memory_space<vmem_shared>> -> memref<80x128xf32, #tpu.memory_space<vmem_shared>>
      %dma_wait3A_165 = arith.constant 0 : i32
      %dma_wait3A_166 = arith.constant 0 : i32
      %dma_wait3A_167 = tpu.memref_slice %arg12[%dma_wait3A_165, %dma_wait3A_166] : memref<80x128xf32, #tpu.memory_space<vmem>> -> memref<80x128xf32, #tpu.memory_space<vmem>>
      tpu.wait_dma2 semaphore(%run_scoped3A : memref<!tpu.dma_semaphore, #tpu.memory_space<semaphore_mem>>) src(%dma_wait3A_167 : memref<80x128xf32, #tpu.memory_space<vmem>>) dst(%dma_wait3A_164 : memref<80x128xf32, #tpu.memory_space<vmem_shared>>)
      tpu.yield
    }) : () -> ()
    %add3A_21 = arith.constant 480 : i32
    %add3A_22 = arith.addi %mul3A_8, %add3A_21 : i32
    "tpu.region"() ({
      %run_scoped3A = tpu.sem_alloc : memref<!tpu.dma_semaphore, #tpu.memory_space<semaphore_mem>>
      %dma_start3A_148 = arith.constant 0 : i32
      %dma_start3A_149 = arith.constant 0 : i32
      %dma_start3A_150 = tpu.memref_slice %arg12[%dma_start3A_148, %dma_start3A_149] : memref<80x128xf32, #tpu.memory_space<vmem>> -> memref<80x128xf32, #tpu.memory_space<vmem>>
      %dma_start3A_151 = arith.constant 0 : i32
      %dma_start3A_152 = tpu.memref_slice %arg15[%add3A_22, %dma_start3A_151] : memref<10112x128xf32, #tpu.memory_space<vmem_shared>> -> memref<80x128xf32, #tpu.memory_space<vmem_shared>>
      %dma_start3A_153 = arith.constant 0 : i32
      %dma_start3A_154 = tpu.memref_slice %arg15[%add3A_22, %dma_start3A_153] : memref<10112x128xf32, #tpu.memory_space<vmem_shared>> -> memref<80x128xf32, #tpu.memory_space<vmem_shared>>
      %dma_start3A_155 = arith.constant 0 : i32
      %dma_start3A_156 = arith.constant 0 : i32
      %dma_start3A_157 = tpu.memref_slice %arg12[%dma_start3A_155, %dma_start3A_156] : memref<80x128xf32, #tpu.memory_space<vmem>> -> memref<80x128xf32, #tpu.memory_space<vmem>>
      tpu.enqueue_dma source(%dma_start3A_157 : memref<80x128xf32, #tpu.memory_space<vmem>>) target(%dma_start3A_154 : memref<80x128xf32, #tpu.memory_space<vmem_shared>>) target_semaphore(%run_scoped3A : memref<!tpu.dma_semaphore, #tpu.memory_space<semaphore_mem>>)
      %dma_wait3A_158 = arith.constant 0 : i32
      %dma_wait3A_159 = arith.constant 0 : i32
      %dma_wait3A_160 = tpu.memref_slice %arg12[%dma_wait3A_158, %dma_wait3A_159] : memref<80x128xf32, #tpu.memory_space<vmem>> -> memref<80x128xf32, #tpu.memory_space<vmem>>
      %dma_wait3A_161 = arith.constant 0 : i32
      %dma_wait3A_162 = tpu.memref_slice %arg15[%add3A_22, %dma_wait3A_161] : memref<10112x128xf32, #tpu.memory_space<vmem_shared>> -> memref<80x128xf32, #tpu.memory_space<vmem_shared>>
      %dma_wait3A_163 = arith.constant 0 : i32
      %dma_wait3A_164 = tpu.memref_slice %arg15[%add3A_22, %dma_wait3A_163] : memref<10112x128xf32, #tpu.memory_space<vmem_shared>> -> memref<80x128xf32, #tpu.memory_space<vmem_shared>>
      %dma_wait3A_165 = arith.constant 0 : i32
      %dma_wait3A_166 = arith.constant 0 : i32
      %dma_wait3A_167 = tpu.memref_slice %arg12[%dma_wait3A_165, %dma_wait3A_166] : memref<80x128xf32, #tpu.memory_space<vmem>> -> memref<80x128xf32, #tpu.memory_space<vmem>>
      tpu.wait_dma2 semaphore(%run_scoped3A : memref<!tpu.dma_semaphore, #tpu.memory_space<semaphore_mem>>) src(%dma_wait3A_167 : memref<80x128xf32, #tpu.memory_space<vmem>>) dst(%dma_wait3A_164 : memref<80x128xf32, #tpu.memory_space<vmem_shared>>)
      tpu.yield
    }) : () -> ()
    %add3A_23 = arith.constant 560 : i32
    %add3A_24 = arith.addi %mul3A_8, %add3A_23 : i32
    "tpu.region"() ({
      %run_scoped3A = tpu.sem_alloc : memref<!tpu.dma_semaphore, #tpu.memory_space<semaphore_mem>>
      %dma_start3A_148 = arith.constant 0 : i32
      %dma_start3A_149 = arith.constant 0 : i32
      %dma_start3A_150 = tpu.memref_slice %arg12[%dma_start3A_148, %dma_start3A_149] : memref<80x128xf32, #tpu.memory_space<vmem>> -> memref<72x128xf32, #tpu.memory_space<vmem>>
      %dma_start3A_151 = arith.constant 0 : i32
      %dma_start3A_152 = tpu.memref_slice %arg15[%add3A_24, %dma_start3A_151] : memref<10112x128xf32, #tpu.memory_space<vmem_shared>> -> memref<72x128xf32, #tpu.memory_space<vmem_shared>>
      %dma_start3A_153 = arith.constant 0 : i32
      %dma_start3A_154 = tpu.memref_slice %arg15[%add3A_24, %dma_start3A_153] : memref<10112x128xf32, #tpu.memory_space<vmem_shared>> -> memref<72x128xf32, #tpu.memory_space<vmem_shared>>
      %dma_start3A_155 = arith.constant 0 : i32
      %dma_start3A_156 = arith.constant 0 : i32
      %dma_start3A_157 = tpu.memref_slice %arg12[%dma_start3A_155, %dma_start3A_156] : memref<80x128xf32, #tpu.memory_space<vmem>> -> memref<72x128xf32, #tpu.memory_space<vmem>>
      tpu.enqueue_dma source(%dma_start3A_157 : memref<72x128xf32, #tpu.memory_space<vmem>>) target(%dma_start3A_154 : memref<72x128xf32, #tpu.memory_space<vmem_shared>>) target_semaphore(%run_scoped3A : memref<!tpu.dma_semaphore, #tpu.memory_space<semaphore_mem>>)
      %dma_wait3A_158 = arith.constant 0 : i32
      %dma_wait3A_159 = arith.constant 0 : i32
      %dma_wait3A_160 = tpu.memref_slice %arg12[%dma_wait3A_158, %dma_wait3A_159] : memref<80x128xf32, #tpu.memory_space<vmem>> -> memref<72x128xf32, #tpu.memory_space<vmem>>
      %dma_wait3A_161 = arith.constant 0 : i32
      %dma_wait3A_162 = tpu.memref_slice %arg15[%add3A_24, %dma_wait3A_161] : memref<10112x128xf32, #tpu.memory_space<vmem_shared>> -> memref<72x128xf32, #tpu.memory_space<vmem_shared>>
      %dma_wait3A_163 = arith.constant 0 : i32
      %dma_wait3A_164 = tpu.memref_slice %arg15[%add3A_24, %dma_wait3A_163] : memref<10112x128xf32, #tpu.memory_space<vmem_shared>> -> memref<72x128xf32, #tpu.memory_space<vmem_shared>>
      %dma_wait3A_165 = arith.constant 0 : i32
      %dma_wait3A_166 = arith.constant 0 : i32
      %dma_wait3A_167 = tpu.memref_slice %arg12[%dma_wait3A_165, %dma_wait3A_166] : memref<80x128xf32, #tpu.memory_space<vmem>> -> memref<72x128xf32, #tpu.memory_space<vmem>>
      tpu.wait_dma2 semaphore(%run_scoped3A : memref<!tpu.dma_semaphore, #tpu.memory_space<semaphore_mem>>) src(%dma_wait3A_167 : memref<72x128xf32, #tpu.memory_space<vmem>>) dst(%dma_wait3A_164 : memref<72x128xf32, #tpu.memory_space<vmem_shared>>)
      tpu.yield
    }) : () -> ()
    %broadcast_in_dim3A_25 = arith.constant 0.000000e+00 : f32
    %broadcast_in_dim3A_26 = vector.broadcast %broadcast_in_dim3A_25 : f32 to vector<16xf32>
    %scan3A_27 = arith.constant 0 : i32
    %scan3A_28 = arith.constant 0 : i32
    %scan3A_29 = arith.constant 80 : i32
    %scan3A_30 = arith.addi %scan3A_28, %scan3A_29 : i32
    %scan3A_31 = arith.constant 1 : i32
    scf.for %scan3A_148 = %scan3A_28 to %scan3A_30 step %scan3A_31  : i32 {
      %swap3A = arith.index_cast %scan3A_148 : i32 to index
      %swap3A_149 = arith.constant 0 : index
      %swap3A_150 = tpu.vector_load %arg14[%swap3A, %swap3A_149] {strides = array<i32>} : memref<80x128xf32, #tpu.memory_space<vmem>>, vector<16xf32>,
      tpu.vector_store %arg14[%swap3A, %swap3A_149], %broadcast_in_dim3A_26 {strides = array<i32>} : memref<80x128xf32, #tpu.memory_space<vmem>>, vector<16xf32>,
      %swap3A_151 = arith.index_cast %scan3A_148 : i32 to index
      %swap3A_152 = arith.constant 16 : index
      %swap3A_153 = tpu.vector_load %arg14[%swap3A_151, %swap3A_152] {strides = array<i32>} : memref<80x128xf32, #tpu.memory_space<vmem>>, vector<16xf32>,
      tpu.vector_store %arg14[%swap3A_151, %swap3A_152], %broadcast_in_dim3A_26 {strides = array<i32>} : memref<80x128xf32, #tpu.memory_space<vmem>>, vector<16xf32>,
      %swap3A_154 = arith.index_cast %scan3A_148 : i32 to index
      %swap3A_155 = arith.constant 32 : index
      %swap3A_156 = tpu.vector_load %arg14[%swap3A_154, %swap3A_155] {strides = array<i32>} : memref<80x128xf32, #tpu.memory_space<vmem>>, vector<16xf32>,
      tpu.vector_store %arg14[%swap3A_154, %swap3A_155], %broadcast_in_dim3A_26 {strides = array<i32>} : memref<80x128xf32, #tpu.memory_space<vmem>>, vector<16xf32>,
      %swap3A_157 = arith.index_cast %scan3A_148 : i32 to index
      %swap3A_158 = arith.constant 48 : index
      %swap3A_159 = tpu.vector_load %arg14[%swap3A_157, %swap3A_158] {strides = array<i32>} : memref<80x128xf32, #tpu.memory_space<vmem>>, vector<16xf32>,
      tpu.vector_store %arg14[%swap3A_157, %swap3A_158], %broadcast_in_dim3A_26 {strides = array<i32>} : memref<80x128xf32, #tpu.memory_space<vmem>>, vector<16xf32>,
      %swap3A_160 = arith.index_cast %scan3A_148 : i32 to index
      %swap3A_161 = arith.constant 64 : index
      %swap3A_162 = tpu.vector_load %arg14[%swap3A_160, %swap3A_161] {strides = array<i32>} : memref<80x128xf32, #tpu.memory_space<vmem>>, vector<16xf32>,
      tpu.vector_store %arg14[%swap3A_160, %swap3A_161], %broadcast_in_dim3A_26 {strides = array<i32>} : memref<80x128xf32, #tpu.memory_space<vmem>>, vector<16xf32>,
      %swap3A_163 = arith.index_cast %scan3A_148 : i32 to index
      %swap3A_164 = arith.constant 80 : index
      %swap3A_165 = tpu.vector_load %arg14[%swap3A_163, %swap3A_164] {strides = array<i32>} : memref<80x128xf32, #tpu.memory_space<vmem>>, vector<16xf32>,
      tpu.vector_store %arg14[%swap3A_163, %swap3A_164], %broadcast_in_dim3A_26 {strides = array<i32>} : memref<80x128xf32, #tpu.memory_space<vmem>>, vector<16xf32>,
      %swap3A_166 = arith.index_cast %scan3A_148 : i32 to index
      %swap3A_167 = arith.constant 96 : index
      %swap3A_168 = tpu.vector_load %arg14[%swap3A_166, %swap3A_167] {strides = array<i32>} : memref<80x128xf32, #tpu.memory_space<vmem>>, vector<16xf32>,
      tpu.vector_store %arg14[%swap3A_166, %swap3A_167], %broadcast_in_dim3A_26 {strides = array<i32>} : memref<80x128xf32, #tpu.memory_space<vmem>>, vector<16xf32>,
      %swap3A_169 = arith.index_cast %scan3A_148 : i32 to index
      %swap3A_170 = arith.constant 112 : index
      %swap3A_171 = tpu.vector_load %arg14[%swap3A_169, %swap3A_170] {strides = array<i32>} : memref<80x128xf32, #tpu.memory_space<vmem>>, vector<16xf32>,
      tpu.vector_store %arg14[%swap3A_169, %swap3A_170], %broadcast_in_dim3A_26 {strides = array<i32>} : memref<80x128xf32, #tpu.memory_space<vmem>>, vector<16xf32>,
    }
    %scan3A_32 = arith.constant 80 : i32
    %broadcast_in_dim3A_33 = arith.constant 0.000000e+00 : f32
    %broadcast_in_dim3A_34 = vector.broadcast %broadcast_in_dim3A_33 : f32 to vector<16xf32>
    %scan3A_35 = arith.constant 0 : i32
    %scan3A_36 = arith.constant 0 : i32
    %scan3A_37 = arith.constant 632 : i32
    %scan3A_38 = arith.addi %scan3A_36, %scan3A_37 : i32
    %scan3A_39 = arith.constant 1 : i32
    scf.for %scan3A_148 = %scan3A_36 to %scan3A_38 step %scan3A_39  : i32 {
      %mul3A_149 = arith.constant 16 : i32
      %mul3A_150 = arith.muli %scan3A_148, %mul3A_149 : i32
      %swap3A = arith.index_cast %mul3A_150 : i32 to index
      %swap3A_151 = tpu.vector_load %arg21[%swap3A] {strides = array<i32>} : memref<10112xf32, #tpu.memory_space<vmem>>, vector<16xf32>,
      tpu.vector_store %arg21[%swap3A], %broadcast_in_dim3A_34 {strides = array<i32>} : memref<10112xf32, #tpu.memory_space<vmem>>, vector<16xf32>,
    }
    %scan3A_40 = arith.constant 632 : i32
    %barrier3A = arith.constant 0 : index
    tpu.barrier barrier_id(%barrier3A)
    %broadcast_in_dim3A_41 = arith.constant 1.000000e+00 : f32
    %broadcast_in_dim3A_42 = vector.broadcast %broadcast_in_dim3A_41 : f32 to vector<16xf32>
    %dma_start3A = arith.constant 0 : i32
    %dma_start3A_43 = arith.constant 0 : i32
    %dma_start3A_44 = arith.constant 0 : i32
    %dma_start3A_45 = tpu.memref_slice %arg3[%add3A, %dma_start3A, %dma_start3A_43, %dma_start3A_44] : memref<32x130x2x80xi32, #tpu.memory_space<hbm>> -> memref<1x1x2x80xi32, #tpu.memory_space<hbm>>
    %dma_start3A_46 = tpu.memref_squeeze %dma_start3A_45 : memref<1x1x2x80xi32, #tpu.memory_space<hbm>> -> memref<2x80xi32, #tpu.memory_space<hbm>>
    %dma_start3A_47 = arith.constant 0 : i32
    %dma_start3A_48 = arith.constant 0 : i32
    %dma_start3A_49 = tpu.memref_slice %arg3[%add3A, %dma_start3A, %dma_start3A_47, %dma_start3A_48] : memref<32x130x2x80xi32, #tpu.memory_space<hbm>> -> memref<1x1x2x80xi32, #tpu.memory_space<hbm>>
    %dma_start3A_50 = tpu.memref_squeeze %dma_start3A_49 : memref<1x1x2x80xi32, #tpu.memory_space<hbm>> -> memref<2x80xi32, #tpu.memory_space<hbm>>
    tpu.enqueue_dma source(%dma_start3A_50 : memref<2x80xi32, #tpu.memory_space<hbm>>) target(%arg6 : memref<2x80xi32, #tpu.memory_space<vmem>>) target_semaphore(%arg19 : memref<!tpu.dma_semaphore, #tpu.memory_space<semaphore_mem>>)
    %dma_wait3A = arith.constant 0 : i32
    %dma_wait3A_51 = arith.constant 0 : i32
    %dma_wait3A_52 = arith.constant 0 : i32
    %dma_wait3A_53 = tpu.memref_slice %arg3[%add3A, %dma_wait3A, %dma_wait3A_51, %dma_wait3A_52] : memref<32x130x2x80xi32, #tpu.memory_space<hbm>> -> memref<1x1x2x80xi32, #tpu.memory_space<hbm>>
    %dma_wait3A_54 = tpu.memref_squeeze %dma_wait3A_53 : memref<1x1x2x80xi32, #tpu.memory_space<hbm>> -> memref<2x80xi32, #tpu.memory_space<hbm>>
    %dma_wait3A_55 = arith.constant 0 : i32
    %dma_wait3A_56 = arith.constant 0 : i32
    %dma_wait3A_57 = tpu.memref_slice %arg3[%add3A, %dma_wait3A, %dma_wait3A_55, %dma_wait3A_56] : memref<32x130x2x80xi32, #tpu.memory_space<hbm>> -> memref<1x1x2x80xi32, #tpu.memory_space<hbm>>
    %dma_wait3A_58 = tpu.memref_squeeze %dma_wait3A_57 : memref<1x1x2x80xi32, #tpu.memory_space<hbm>> -> memref<2x80xi32, #tpu.memory_space<hbm>>
    tpu.wait_dma2 semaphore(%arg19 : memref<!tpu.dma_semaphore, #tpu.memory_space<semaphore_mem>>) src(%dma_wait3A_58 : memref<2x80xi32, #tpu.memory_space<hbm>>) dst(%arg6 : memref<2x80xi32, #tpu.memory_space<vmem>>)
    %dma_start3A_59 = arith.constant 0 : i32
    %dma_start3A_60 = arith.constant 0 : i32
    %dma_start3A_61 = tpu.memref_slice %arg6[%dma_start3A_59, %dma_start3A_60] : memref<2x80xi32, #tpu.memory_space<vmem>> -> memref<1x80xi32, #tpu.memory_space<vmem>>
    %dma_start3A_62 = tpu.memref_squeeze %dma_start3A_61 : memref<1x80xi32, #tpu.memory_space<vmem>> -> memref<80xi32, #tpu.memory_space<vmem>>
    %dma_start3A_63 = arith.constant 0 : i32
    %dma_start3A_64 = arith.constant 0 : i32
    %dma_start3A_65 = tpu.memref_slice %arg2[%dma_start3A_63, %dma_start3A_64] : memref<10000x128xf32, #tpu.memory_space<hbm>> -> memref<10000x128xf32, #tpu.memory_space<hbm>>
    tpu.enqueue_indirect_dma source(%dma_start3A_65 : memref<10000x128xf32, #tpu.memory_space<hbm>>) target(%arg12 : memref<80x128xf32, #tpu.memory_space<vmem>>) offsets(%dma_start3A_62 : memref<80xi32, #tpu.memory_space<vmem>>) semaphore(%arg16 : memref<!tpu.dma_semaphore, #tpu.memory_space<semaphore_mem>>)
    %dma_start3A_66 = arith.constant 1 : i32
    %dma_start3A_67 = arith.constant 0 : i32
    %dma_start3A_68 = arith.constant 0 : i32
    %dma_start3A_69 = tpu.memref_slice %arg3[%add3A, %dma_start3A_66, %dma_start3A_67, %dma_start3A_68] : memref<32x130x2x80xi32, #tpu.memory_space<hbm>> -> memref<1x1x2x80xi32, #tpu.memory_space<hbm>>
    %dma_start3A_70 = tpu.memref_squeeze %dma_start3A_69 : memref<1x1x2x80xi32, #tpu.memory_space<hbm>> -> memref<2x80xi32, #tpu.memory_space<hbm>>
    %dma_start3A_71 = arith.constant 0 : i32
    %dma_start3A_72 = arith.constant 0 : i32
    %dma_start3A_73 = tpu.memref_slice %arg3[%add3A, %dma_start3A_66, %dma_start3A_71, %dma_start3A_72] : memref<32x130x2x80xi32, #tpu.memory_space<hbm>> -> memref<1x1x2x80xi32, #tpu.memory_space<hbm>>
    %dma_start3A_74 = tpu.memref_squeeze %dma_start3A_73 : memref<1x1x2x80xi32, #tpu.memory_space<hbm>> -> memref<2x80xi32, #tpu.memory_space<hbm>>
    tpu.enqueue_dma source(%dma_start3A_74 : memref<2x80xi32, #tpu.memory_space<hbm>>) target(%arg7 : memref<2x80xi32, #tpu.memory_space<vmem>>) target_semaphore(%arg19 : memref<!tpu.dma_semaphore, #tpu.memory_space<semaphore_mem>>)
    %dma_wait3A_75 = arith.constant 1 : i32
    %dma_wait3A_76 = arith.constant 0 : i32
    %dma_wait3A_77 = arith.constant 0 : i32
    %dma_wait3A_78 = tpu.memref_slice %arg3[%add3A, %dma_wait3A_75, %dma_wait3A_76, %dma_wait3A_77] : memref<32x130x2x80xi32, #tpu.memory_space<hbm>> -> memref<1x1x2x80xi32, #tpu.memory_space<hbm>>
    %dma_wait3A_79 = tpu.memref_squeeze %dma_wait3A_78 : memref<1x1x2x80xi32, #tpu.memory_space<hbm>> -> memref<2x80xi32, #tpu.memory_space<hbm>>
    %dma_wait3A_80 = arith.constant 0 : i32
    %dma_wait3A_81 = arith.constant 0 : i32
    %dma_wait3A_82 = tpu.memref_slice %arg3[%add3A, %dma_wait3A_75, %dma_wait3A_80, %dma_wait3A_81] : memref<32x130x2x80xi32, #tpu.memory_space<hbm>> -> memref<1x1x2x80xi32, #tpu.memory_space<hbm>>
    %dma_wait3A_83 = tpu.memref_squeeze %dma_wait3A_82 : memref<1x1x2x80xi32, #tpu.memory_space<hbm>> -> memref<2x80xi32, #tpu.memory_space<hbm>>
    tpu.wait_dma2 semaphore(%arg19 : memref<!tpu.dma_semaphore, #tpu.memory_space<semaphore_mem>>) src(%dma_wait3A_83 : memref<2x80xi32, #tpu.memory_space<hbm>>) dst(%arg7 : memref<2x80xi32, #tpu.memory_space<vmem>>)
    %dma_start3A_84 = arith.constant 0 : i32
    %dma_start3A_85 = arith.constant 0 : i32
    %dma_start3A_86 = tpu.memref_slice %arg7[%dma_start3A_84, %dma_start3A_85] : memref<2x80xi32, #tpu.memory_space<vmem>> -> memref<1x80xi32, #tpu.memory_space<vmem>>
    %dma_start3A_87 = tpu.memref_squeeze %dma_start3A_86 : memref<1x80xi32, #tpu.memory_space<vmem>> -> memref<80xi32, #tpu.memory_space<vmem>>
    %dma_start3A_88 = arith.constant 0 : i32
    %dma_start3A_89 = arith.constant 0 : i32
    %dma_start3A_90 = tpu.memref_slice %arg2[%dma_start3A_88, %dma_start3A_89] : memref<10000x128xf32, #tpu.memory_space<hbm>> -> memref<10000x128xf32, #tpu.memory_space<hbm>>
    tpu.enqueue_indirect_dma source(%dma_start3A_90 : memref<10000x128xf32, #tpu.memory_space<hbm>>) target(%arg13 : memref<80x128xf32, #tpu.memory_space<vmem>>) offsets(%dma_start3A_87 : memref<80xi32, #tpu.memory_space<vmem>>) semaphore(%arg17 : memref<!tpu.dma_semaphore, #tpu.memory_space<semaphore_mem>>)
    %dma_start3A_91 = arith.constant 1 : i32
    %dma_start3A_92 = arith.constant 0 : i32
    %dma_start3A_93 = tpu.memref_slice %arg6[%dma_start3A_91, %dma_start3A_92] : memref<2x80xi32, #tpu.memory_space<vmem>> -> memref<1x80xi32, #tpu.memory_space<vmem>>
    %dma_start3A_94 = tpu.memref_squeeze %dma_start3A_93 : memref<1x80xi32, #tpu.memory_space<vmem>> -> memref<80xi32, #tpu.memory_space<vmem>>
    %dma_start3A_95 = arith.constant 0 : i32
    %dma_start3A_96 = arith.constant 0 : i32
    %dma_start3A_97 = tpu.memref_slice %arg15[%dma_start3A_95, %dma_start3A_96] : memref<10112x128xf32, #tpu.memory_space<vmem_shared>> -> memref<10112x128xf32, #tpu.memory_space<vmem_shared>>
    tpu.enqueue_indirect_dma source(%arg14 : memref<80x128xf32, #tpu.memory_space<vmem>>) target(%dma_start3A_97 : memref<10112x128xf32, #tpu.memory_space<vmem_shared>>) offsets(%dma_start3A_94 : memref<80xi32, #tpu.memory_space<vmem>>) semaphore(%arg20 : memref<!tpu.dma_semaphore, #tpu.memory_space<semaphore_mem>>) {add = true}
    %dma_start3A_98 = arith.constant 2 : i32
    %dma_start3A_99 = arith.constant 0 : i32
    %dma_start3A_100 = arith.constant 0 : i32
    %dma_start3A_101 = tpu.memref_slice %arg3[%add3A, %dma_start3A_98, %dma_start3A_99, %dma_start3A_100] : memref<32x130x2x80xi32, #tpu.memory_space<hbm>> -> memref<1x1x2x80xi32, #tpu.memory_space<hbm>>
    %dma_start3A_102 = tpu.memref_squeeze %dma_start3A_101 : memref<1x1x2x80xi32, #tpu.memory_space<hbm>> -> memref<2x80xi32, #tpu.memory_space<hbm>>
    %dma_start3A_103 = arith.constant 0 : i32
    %dma_start3A_104 = arith.constant 0 : i32
    %dma_start3A_105 = tpu.memref_slice %arg3[%add3A, %dma_start3A_98, %dma_start3A_103, %dma_start3A_104] : memref<32x130x2x80xi32, #tpu.memory_space<hbm>> -> memref<1x1x2x80xi32, #tpu.memory_space<hbm>>
    %dma_start3A_106 = tpu.memref_squeeze %dma_start3A_105 : memref<1x1x2x80xi32, #tpu.memory_space<hbm>> -> memref<2x80xi32, #tpu.memory_space<hbm>>
    tpu.enqueue_dma source(%dma_start3A_106 : memref<2x80xi32, #tpu.memory_space<hbm>>) target(%arg8 : memref<2x80xi32, #tpu.memory_space<vmem>>) target_semaphore(%arg19 : memref<!tpu.dma_semaphore, #tpu.memory_space<semaphore_mem>>)
    %scan3A_107 = arith.constant 0 : i32
    %scan3A_108 = arith.constant 0 : i32
    %scan3A_109 = arith.constant 21 : i32
    %scan3A_110 = arith.addi %scan3A_108, %scan3A_109 : i32
    %scan3A_111 = arith.constant 1 : i32
    scf.for %scan3A_148 = %scan3A_108 to %scan3A_110 step %scan3A_111  : i32 {
      %mul3A_149 = arith.constant 6 : i32
      %mul3A_150 = arith.muli %scan3A_148, %mul3A_149 : i32
      %add3A_151 = arith.constant 0 : i32
      %add3A_152 = arith.addi %mul3A_150, %add3A_151 : i32
      %dma_wait3A_153 = arith.constant 0 : i32
      %dma_wait3A_154 = arith.constant 0 : i32
      %dma_wait3A_155 = arith.constant 0 : i32
      %dma_wait3A_156 = tpu.memref_slice %arg3[%add3A, %dma_wait3A_153, %dma_wait3A_154, %dma_wait3A_155] : memref<32x130x2x80xi32, #tpu.memory_space<hbm>> -> memref<1x1x2x80xi32, #tpu.memory_space<hbm>>
      %dma_wait3A_157 = tpu.memref_squeeze %dma_wait3A_156 : memref<1x1x2x80xi32, #tpu.memory_space<hbm>> -> memref<2x80xi32, #tpu.memory_space<hbm>>
      %dma_wait3A_158 = arith.constant 0 : i32
      %dma_wait3A_159 = arith.constant 0 : i32
      %dma_wait3A_160 = tpu.memref_slice %arg3[%add3A, %dma_wait3A_153, %dma_wait3A_158, %dma_wait3A_159] : memref<32x130x2x80xi32, #tpu.memory_space<hbm>> -> memref<1x1x2x80xi32, #tpu.memory_space<hbm>>
      %dma_wait3A_161 = tpu.memref_squeeze %dma_wait3A_160 : memref<1x1x2x80xi32, #tpu.memory_space<hbm>> -> memref<2x80xi32, #tpu.memory_space<hbm>>
      tpu.wait_dma2 semaphore(%arg19 : memref<!tpu.dma_semaphore, #tpu.memory_space<semaphore_mem>>) src(%dma_wait3A_161 : memref<2x80xi32, #tpu.memory_space<hbm>>) dst(%arg8 : memref<2x80xi32, #tpu.memory_space<vmem>>)
      %dma_wait3A_162 = arith.constant 1 : i32
      %dma_wait3A_163 = arith.constant 0 : i32
      %dma_wait3A_164 = tpu.memref_slice %arg6[%dma_wait3A_162, %dma_wait3A_163] : memref<2x80xi32, #tpu.memory_space<vmem>> -> memref<1x80xi32, #tpu.memory_space<vmem>>
      %dma_wait3A_165 = tpu.memref_squeeze %dma_wait3A_164 : memref<1x80xi32, #tpu.memory_space<vmem>> -> memref<80xi32, #tpu.memory_space<vmem>>
      %dma_wait3A_166 = arith.constant 0 : i32
      %dma_wait3A_167 = arith.constant 0 : i32
      %dma_wait3A_168 = tpu.memref_slice %arg15[%dma_wait3A_166, %dma_wait3A_167] : memref<10112x128xf32, #tpu.memory_space<vmem_shared>> -> memref<10112x128xf32, #tpu.memory_space<vmem_shared>>
      tpu.wait_indirect_dma semaphore(%arg20 : memref<!tpu.dma_semaphore, #tpu.memory_space<semaphore_mem>>) src(%arg14 : memref<80x128xf32, #tpu.memory_space<vmem>>) dst(%dma_wait3A_168 : memref<10112x128xf32, #tpu.memory_space<vmem_shared>>)
      %dma_start3A_169 = arith.constant 0 : i32
      %dma_start3A_170 = arith.constant 0 : i32
      %dma_start3A_171 = tpu.memref_slice %arg8[%dma_start3A_169, %dma_start3A_170] : memref<2x80xi32, #tpu.memory_space<vmem>> -> memref<1x80xi32, #tpu.memory_space<vmem>>
      %dma_start3A_172 = tpu.memref_squeeze %dma_start3A_171 : memref<1x80xi32, #tpu.memory_space<vmem>> -> memref<80xi32, #tpu.memory_space<vmem>>
      %dma_start3A_173 = arith.constant 0 : i32
      %dma_start3A_174 = arith.constant 0 : i32
      %dma_start3A_175 = tpu.memref_slice %arg2[%dma_start3A_173, %dma_start3A_174] : memref<10000x128xf32, #tpu.memory_space<hbm>> -> memref<10000x128xf32, #tpu.memory_space<hbm>>
      tpu.enqueue_indirect_dma source(%dma_start3A_175 : memref<10000x128xf32, #tpu.memory_space<hbm>>) target(%arg14 : memref<80x128xf32, #tpu.memory_space<vmem>>) offsets(%dma_start3A_172 : memref<80xi32, #tpu.memory_space<vmem>>) semaphore(%arg18 : memref<!tpu.dma_semaphore, #tpu.memory_space<semaphore_mem>>)
      %dma_wait3A_176 = arith.constant 0 : i32
      %dma_wait3A_177 = arith.constant 0 : i32
      %dma_wait3A_178 = tpu.memref_slice %arg6[%dma_wait3A_176, %dma_wait3A_177] : memref<2x80xi32, #tpu.memory_space<vmem>> -> memref<1x80xi32, #tpu.memory_space<vmem>>
      %dma_wait3A_179 = tpu.memref_squeeze %dma_wait3A_178 : memref<1x80xi32, #tpu.memory_space<vmem>> -> memref<80xi32, #tpu.memory_space<vmem>>
      %dma_wait3A_180 = arith.constant 0 : i32
      %dma_wait3A_181 = arith.constant 0 : i32
      %dma_wait3A_182 = tpu.memref_slice %arg2[%dma_wait3A_180, %dma_wait3A_181] : memref<10000x128xf32, #tpu.memory_space<hbm>> -> memref<10000x128xf32, #tpu.memory_space<hbm>>
      tpu.wait_indirect_dma semaphore(%arg16 : memref<!tpu.dma_semaphore, #tpu.memory_space<semaphore_mem>>) src(%dma_wait3A_182 : memref<10000x128xf32, #tpu.memory_space<hbm>>) dst(%arg12 : memref<80x128xf32, #tpu.memory_space<vmem>>)
      %dma_start3A_183 = arith.constant 1 : i32
      %dma_start3A_184 = arith.constant 0 : i32
      %dma_start3A_185 = tpu.memref_slice %arg6[%dma_start3A_183, %dma_start3A_184] : memref<2x80xi32, #tpu.memory_space<vmem>> -> memref<1x80xi32, #tpu.memory_space<vmem>>
      %dma_start3A_186 = tpu.memref_squeeze %dma_start3A_185 : memref<1x80xi32, #tpu.memory_space<vmem>> -> memref<80xi32, #tpu.memory_space<vmem>>
      %dma_start3A_187 = arith.constant 0 : i32
      %dma_start3A_188 = arith.constant 0 : i32
      %dma_start3A_189 = tpu.memref_slice %arg15[%dma_start3A_187, %dma_start3A_188] : memref<10112x128xf32, #tpu.memory_space<vmem_shared>> -> memref<10112x128xf32, #tpu.memory_space<vmem_shared>>
      tpu.enqueue_indirect_dma source(%arg12 : memref<80x128xf32, #tpu.memory_space<vmem>>) target(%dma_start3A_189 : memref<10112x128xf32, #tpu.memory_space<vmem_shared>>) offsets(%dma_start3A_186 : memref<80xi32, #tpu.memory_space<vmem>>) semaphore(%arg20 : memref<!tpu.dma_semaphore, #tpu.memory_space<semaphore_mem>>) {add = true}
      %get3A = arith.constant 1 : i32
      %get3A_190 = arith.index_cast %get3A : i32 to index
      %get3A_191 = arith.constant 0 : index
      %get3A_192 = tpu.vector_load %arg6[%get3A_190, %get3A_191] {strides = array<i32>} : memref<2x80xi32, #tpu.memory_space<vmem>>, vector<16xi32>,
      tpu.vector_store_idx %arg21[%get3A_192], %broadcast_in_dim3A_42 {add = true} : memref<10112xf32, #tpu.memory_space<vmem>>[vector<16xi32>], vector<16xf32>,
      %get3A_193 = arith.constant 1 : i32
      %get3A_194 = arith.index_cast %get3A_193 : i32 to index
      %get3A_195 = arith.constant 16 : index
      %get3A_196 = tpu.vector_load %arg6[%get3A_194, %get3A_195] {strides = array<i32>} : memref<2x80xi32, #tpu.memory_space<vmem>>, vector<16xi32>,
      tpu.vector_store_idx %arg21[%get3A_196], %broadcast_in_dim3A_42 {add = true} : memref<10112xf32, #tpu.memory_space<vmem>>[vector<16xi32>], vector<16xf32>,
      %get3A_197 = arith.constant 1 : i32
      %get3A_198 = arith.index_cast %get3A_197 : i32 to index
      %get3A_199 = arith.constant 32 : index
      %get3A_200 = tpu.vector_load %arg6[%get3A_198, %get3A_199] {strides = array<i32>} : memref<2x80xi32, #tpu.memory_space<vmem>>, vector<16xi32>,
      tpu.vector_store_idx %arg21[%get3A_200], %broadcast_in_dim3A_42 {add = true} : memref<10112xf32, #tpu.memory_space<vmem>>[vector<16xi32>], vector<16xf32>,
      %get3A_201 = arith.constant 1 : i32
      %get3A_202 = arith.index_cast %get3A_201 : i32 to index
      %get3A_203 = arith.constant 48 : index
      %get3A_204 = tpu.vector_load %arg6[%get3A_202, %get3A_203] {strides = array<i32>} : memref<2x80xi32, #tpu.memory_space<vmem>>, vector<16xi32>,
      tpu.vector_store_idx %arg21[%get3A_204], %broadcast_in_dim3A_42 {add = true} : memref<10112xf32, #tpu.memory_space<vmem>>[vector<16xi32>], vector<16xf32>,
      %get3A_205 = arith.constant 1 : i32
      %get3A_206 = arith.index_cast %get3A_205 : i32 to index
      %get3A_207 = arith.constant 64 : index
      %get3A_208 = tpu.vector_load %arg6[%get3A_206, %get3A_207] {strides = array<i32>} : memref<2x80xi32, #tpu.memory_space<vmem>>, vector<16xi32>,
      tpu.vector_store_idx %arg21[%get3A_208], %broadcast_in_dim3A_42 {add = true} : memref<10112xf32, #tpu.memory_space<vmem>>[vector<16xi32>], vector<16xf32>,
      %add3A_209 = arith.constant 3 : i32
      %add3A_210 = arith.addi %add3A_152, %add3A_209 : i32
      %dma_start3A_211 = arith.constant 0 : i32
      %dma_start3A_212 = arith.constant 0 : i32
      %dma_start3A_213 = tpu.memref_slice %arg3[%add3A, %add3A_210, %dma_start3A_211, %dma_start3A_212] : memref<32x130x2x80xi32, #tpu.memory_space<hbm>> -> memref<1x1x2x80xi32, #tpu.memory_space<hbm>>
      %dma_start3A_214 = tpu.memref_squeeze %dma_start3A_213 : memref<1x1x2x80xi32, #tpu.memory_space<hbm>> -> memref<2x80xi32, #tpu.memory_space<hbm>>
      %dma_start3A_215 = arith.constant 0 : i32
      %dma_start3A_216 = arith.constant 0 : i32
      %dma_start3A_217 = tpu.memref_slice %arg3[%add3A, %add3A_210, %dma_start3A_215, %dma_start3A_216] : memref<32x130x2x80xi32, #tpu.memory_space<hbm>> -> memref<1x1x2x80xi32, #tpu.memory_space<hbm>>
      %dma_start3A_218 = tpu.memref_squeeze %dma_start3A_217 : memref<1x1x2x80xi32, #tpu.memory_space<hbm>> -> memref<2x80xi32, #tpu.memory_space<hbm>>
      tpu.enqueue_dma source(%dma_start3A_218 : memref<2x80xi32, #tpu.memory_space<hbm>>) target(%arg9 : memref<2x80xi32, #tpu.memory_space<vmem>>) target_semaphore(%arg19 : memref<!tpu.dma_semaphore, #tpu.memory_space<semaphore_mem>>)
      %add3A_219 = arith.constant 1 : i32
      %add3A_220 = arith.addi %mul3A_150, %add3A_219 : i32
      %dma_wait3A_221 = arith.constant 0 : i32
      %dma_wait3A_222 = arith.constant 0 : i32
      %dma_wait3A_223 = arith.constant 0 : i32
      %dma_wait3A_224 = tpu.memref_slice %arg3[%add3A, %dma_wait3A_221, %dma_wait3A_222, %dma_wait3A_223] : memref<32x130x2x80xi32, #tpu.memory_space<hbm>> -> memref<1x1x2x80xi32, #tpu.memory_space<hbm>>
      %dma_wait3A_225 = tpu.memref_squeeze %dma_wait3A_224 : memref<1x1x2x80xi32, #tpu.memory_space<hbm>> -> memref<2x80xi32, #tpu.memory_space<hbm>>
      %dma_wait3A_226 = arith.constant 0 : i32
      %dma_wait3A_227 = arith.constant 0 : i32
      %dma_wait3A_228 = tpu.memref_slice %arg3[%add3A, %dma_wait3A_221, %dma_wait3A_226, %dma_wait3A_227] : memref<32x130x2x80xi32, #tpu.memory_space<hbm>> -> memref<1x1x2x80xi32, #tpu.memory_space<hbm>>
      %dma_wait3A_229 = tpu.memref_squeeze %dma_wait3A_228 : memref<1x1x2x80xi32, #tpu.memory_space<hbm>> -> memref<2x80xi32, #tpu.memory_space<hbm>>
      tpu.wait_dma2 semaphore(%arg19 : memref<!tpu.dma_semaphore, #tpu.memory_space<semaphore_mem>>) src(%dma_wait3A_229 : memref<2x80xi32, #tpu.memory_space<hbm>>) dst(%arg9 : memref<2x80xi32, #tpu.memory_space<vmem>>)
      %dma_wait3A_230 = arith.constant 1 : i32
      %dma_wait3A_231 = arith.constant 0 : i32
      %dma_wait3A_232 = tpu.memref_slice %arg6[%dma_wait3A_230, %dma_wait3A_231] : memref<2x80xi32, #tpu.memory_space<vmem>> -> memref<1x80xi32, #tpu.memory_space<vmem>>
      %dma_wait3A_233 = tpu.memref_squeeze %dma_wait3A_232 : memref<1x80xi32, #tpu.memory_space<vmem>> -> memref<80xi32, #tpu.memory_space<vmem>>
      %dma_wait3A_234 = arith.constant 0 : i32
      %dma_wait3A_235 = arith.constant 0 : i32
      %dma_wait3A_236 = tpu.memref_slice %arg15[%dma_wait3A_234, %dma_wait3A_235] : memref<10112x128xf32, #tpu.memory_space<vmem_shared>> -> memref<10112x128xf32, #tpu.memory_space<vmem_shared>>
      tpu.wait_indirect_dma semaphore(%arg20 : memref<!tpu.dma_semaphore, #tpu.memory_space<semaphore_mem>>) src(%arg12 : memref<80x128xf32, #tpu.memory_space<vmem>>) dst(%dma_wait3A_236 : memref<10112x128xf32, #tpu.memory_space<vmem_shared>>)
      %dma_start3A_237 = arith.constant 0 : i32
      %dma_start3A_238 = arith.constant 0 : i32
      %dma_start3A_239 = tpu.memref_slice %arg9[%dma_start3A_237, %dma_start3A_238] : memref<2x80xi32, #tpu.memory_space<vmem>> -> memref<1x80xi32, #tpu.memory_space<vmem>>
      %dma_start3A_240 = tpu.memref_squeeze %dma_start3A_239 : memref<1x80xi32, #tpu.memory_space<vmem>> -> memref<80xi32, #tpu.memory_space<vmem>>
      %dma_start3A_241 = arith.constant 0 : i32
      %dma_start3A_242 = arith.constant 0 : i32
      %dma_start3A_243 = tpu.memref_slice %arg2[%dma_start3A_241, %dma_start3A_242] : memref<10000x128xf32, #tpu.memory_space<hbm>> -> memref<10000x128xf32, #tpu.memory_space<hbm>>
      tpu.enqueue_indirect_dma source(%dma_start3A_243 : memref<10000x128xf32, #tpu.memory_space<hbm>>) target(%arg12 : memref<80x128xf32, #tpu.memory_space<vmem>>) offsets(%dma_start3A_240 : memref<80xi32, #tpu.memory_space<vmem>>) semaphore(%arg16 : memref<!tpu.dma_semaphore, #tpu.memory_space<semaphore_mem>>)
      %dma_wait3A_244 = arith.constant 0 : i32
      %dma_wait3A_245 = arith.constant 0 : i32
      %dma_wait3A_246 = tpu.memref_slice %arg6[%dma_wait3A_244, %dma_wait3A_245] : memref<2x80xi32, #tpu.memory_space<vmem>> -> memref<1x80xi32, #tpu.memory_space<vmem>>
      %dma_wait3A_247 = tpu.memref_squeeze %dma_wait3A_246 : memref<1x80xi32, #tpu.memory_space<vmem>> -> memref<80xi32, #tpu.memory_space<vmem>>
      %dma_wait3A_248 = arith.constant 0 : i32
      %dma_wait3A_249 = arith.constant 0 : i32
      %dma_wait3A_250 = tpu.memref_slice %arg2[%dma_wait3A_248, %dma_wait3A_249] : memref<10000x128xf32, #tpu.memory_space<hbm>> -> memref<10000x128xf32, #tpu.memory_space<hbm>>
      tpu.wait_indirect_dma semaphore(%arg17 : memref<!tpu.dma_semaphore, #tpu.memory_space<semaphore_mem>>) src(%dma_wait3A_250 : memref<10000x128xf32, #tpu.memory_space<hbm>>) dst(%arg13 : memref<80x128xf32, #tpu.memory_space<vmem>>)
      %dma_start3A_251 = arith.constant 1 : i32
      %dma_start3A_252 = arith.constant 0 : i32
      %dma_start3A_253 = tpu.memref_slice %arg7[%dma_start3A_251, %dma_start3A_252] : memref<2x80xi32, #tpu.memory_space<vmem>> -> memref<1x80xi32, #tpu.memory_space<vmem>>
      %dma_start3A_254 = tpu.memref_squeeze %dma_start3A_253 : memref<1x80xi32, #tpu.memory_space<vmem>> -> memref<80xi32, #tpu.memory_space<vmem>>
      %dma_start3A_255 = arith.constant 0 : i32
      %dma_start3A_256 = arith.constant 0 : i32
      %dma_start3A_257 = tpu.memref_slice %arg15[%dma_start3A_255, %dma_start3A_256] : memref<10112x128xf32, #tpu.memory_space<vmem_shared>> -> memref<10112x128xf32, #tpu.memory_space<vmem_shared>>
      tpu.enqueue_indirect_dma source(%arg13 : memref<80x128xf32, #tpu.memory_space<vmem>>) target(%dma_start3A_257 : memref<10112x128xf32, #tpu.memory_space<vmem_shared>>) offsets(%dma_start3A_254 : memref<80xi32, #tpu.memory_space<vmem>>) semaphore(%arg20 : memref<!tpu.dma_semaphore, #tpu.memory_space<semaphore_mem>>) {add = true}
      %get3A_258 = arith.constant 1 : i32
      %get3A_259 = arith.index_cast %get3A_258 : i32 to index
      %get3A_260 = arith.constant 0 : index
      %get3A_261 = tpu.vector_load %arg7[%get3A_259, %get3A_260] {strides = array<i32>} : memref<2x80xi32, #tpu.memory_space<vmem>>, vector<16xi32>,
      tpu.vector_store_idx %arg21[%get3A_261], %broadcast_in_dim3A_42 {add = true} : memref<10112xf32, #tpu.memory_space<vmem>>[vector<16xi32>], vector<16xf32>,
      %get3A_262 = arith.constant 1 : i32
      %get3A_263 = arith.index_cast %get3A_262 : i32 to index
      %get3A_264 = arith.constant 16 : index
      %get3A_265 = tpu.vector_load %arg7[%get3A_263, %get3A_264] {strides = array<i32>} : memref<2x80xi32, #tpu.memory_space<vmem>>, vector<16xi32>,
      tpu.vector_store_idx %arg21[%get3A_265], %broadcast_in_dim3A_42 {add = true} : memref<10112xf32, #tpu.memory_space<vmem>>[vector<16xi32>], vector<16xf32>,
      %get3A_266 = arith.constant 1 : i32
      %get3A_267 = arith.index_cast %get3A_266 : i32 to index
      %get3A_268 = arith.constant 32 : index
      %get3A_269 = tpu.vector_load %arg7[%get3A_267, %get3A_268] {strides = array<i32>} : memref<2x80xi32, #tpu.memory_space<vmem>>, vector<16xi32>,
      tpu.vector_store_idx %arg21[%get3A_269], %broadcast_in_dim3A_42 {add = true} : memref<10112xf32, #tpu.memory_space<vmem>>[vector<16xi32>], vector<16xf32>,
      %get3A_270 = arith.constant 1 : i32
      %get3A_271 = arith.index_cast %get3A_270 : i32 to index
      %get3A_272 = arith.constant 48 : index
      %get3A_273 = tpu.vector_load %arg7[%get3A_271, %get3A_272] {strides = array<i32>} : memref<2x80xi32, #tpu.memory_space<vmem>>, vector<16xi32>,
      tpu.vector_store_idx %arg21[%get3A_273], %broadcast_in_dim3A_42 {add = true} : memref<10112xf32, #tpu.memory_space<vmem>>[vector<16xi32>], vector<16xf32>,
      %get3A_274 = arith.constant 1 : i32
      %get3A_275 = arith.index_cast %get3A_274 : i32 to index
      %get3A_276 = arith.constant 64 : index
      %get3A_277 = tpu.vector_load %arg7[%get3A_275, %get3A_276] {strides = array<i32>} : memref<2x80xi32, #tpu.memory_space<vmem>>, vector<16xi32>,
      tpu.vector_store_idx %arg21[%get3A_277], %broadcast_in_dim3A_42 {add = true} : memref<10112xf32, #tpu.memory_space<vmem>>[vector<16xi32>], vector<16xf32>,
      %add3A_278 = arith.constant 3 : i32
      %add3A_279 = arith.addi %add3A_220, %add3A_278 : i32
      %dma_start3A_280 = arith.constant 0 : i32
      %dma_start3A_281 = arith.constant 0 : i32
      %dma_start3A_282 = tpu.memref_slice %arg3[%add3A, %add3A_279, %dma_start3A_280, %dma_start3A_281] : memref<32x130x2x80xi32, #tpu.memory_space<hbm>> -> memref<1x1x2x80xi32, #tpu.memory_space<hbm>>
      %dma_start3A_283 = tpu.memref_squeeze %dma_start3A_282 : memref<1x1x2x80xi32, #tpu.memory_space<hbm>> -> memref<2x80xi32, #tpu.memory_space<hbm>>
      %dma_start3A_284 = arith.constant 0 : i32
      %dma_start3A_285 = arith.constant 0 : i32
      %dma_start3A_286 = tpu.memref_slice %arg3[%add3A, %add3A_279, %dma_start3A_284, %dma_start3A_285] : memref<32x130x2x80xi32, #tpu.memory_space<hbm>> -> memref<1x1x2x80xi32, #tpu.memory_space<hbm>>
      %dma_start3A_287 = tpu.memref_squeeze %dma_start3A_286 : memref<1x1x2x80xi32, #tpu.memory_space<hbm>> -> memref<2x80xi32, #tpu.memory_space<hbm>>
      tpu.enqueue_dma source(%dma_start3A_287 : memref<2x80xi32, #tpu.memory_space<hbm>>) target(%arg10 : memref<2x80xi32, #tpu.memory_space<vmem>>) target_semaphore(%arg19 : memref<!tpu.dma_semaphore, #tpu.memory_space<semaphore_mem>>)
      %add3A_288 = arith.constant 2 : i32
      %add3A_289 = arith.addi %mul3A_150, %add3A_288 : i32
      %dma_wait3A_290 = arith.constant 0 : i32
      %dma_wait3A_291 = arith.constant 0 : i32
      %dma_wait3A_292 = arith.constant 0 : i32
      %dma_wait3A_293 = tpu.memref_slice %arg3[%add3A, %dma_wait3A_290, %dma_wait3A_291, %dma_wait3A_292] : memref<32x130x2x80xi32, #tpu.memory_space<hbm>> -> memref<1x1x2x80xi32, #tpu.memory_space<hbm>>
      %dma_wait3A_294 = tpu.memref_squeeze %dma_wait3A_293 : memref<1x1x2x80xi32, #tpu.memory_space<hbm>> -> memref<2x80xi32, #tpu.memory_space<hbm>>
      %dma_wait3A_295 = arith.constant 0 : i32
      %dma_wait3A_296 = arith.constant 0 : i32
      %dma_wait3A_297 = tpu.memref_slice %arg3[%add3A, %dma_wait3A_290, %dma_wait3A_295, %dma_wait3A_296] : memref<32x130x2x80xi32, #tpu.memory_space<hbm>> -> memref<1x1x2x80xi32, #tpu.memory_space<hbm>>
      %dma_wait3A_298 = tpu.memref_squeeze %dma_wait3A_297 : memref<1x1x2x80xi32, #tpu.memory_space<hbm>> -> memref<2x80xi32, #tpu.memory_space<hbm>>
      tpu.wait_dma2 semaphore(%arg19 : memref<!tpu.dma_semaphore, #tpu.memory_space<semaphore_mem>>) src(%dma_wait3A_298 : memref<2x80xi32, #tpu.memory_space<hbm>>) dst(%arg10 : memref<2x80xi32, #tpu.memory_space<vmem>>)
      %dma_wait3A_299 = arith.constant 1 : i32
      %dma_wait3A_300 = arith.constant 0 : i32
      %dma_wait3A_301 = tpu.memref_slice %arg6[%dma_wait3A_299, %dma_wait3A_300] : memref<2x80xi32, #tpu.memory_space<vmem>> -> memref<1x80xi32, #tpu.memory_space<vmem>>
      %dma_wait3A_302 = tpu.memref_squeeze %dma_wait3A_301 : memref<1x80xi32, #tpu.memory_space<vmem>> -> memref<80xi32, #tpu.memory_space<vmem>>
      %dma_wait3A_303 = arith.constant 0 : i32
      %dma_wait3A_304 = arith.constant 0 : i32
      %dma_wait3A_305 = tpu.memref_slice %arg15[%dma_wait3A_303, %dma_wait3A_304] : memref<10112x128xf32, #tpu.memory_space<vmem_shared>> -> memref<10112x128xf32, #tpu.memory_space<vmem_shared>>
      tpu.wait_indirect_dma semaphore(%arg20 : memref<!tpu.dma_semaphore, #tpu.memory_space<semaphore_mem>>) src(%arg13 : memref<80x128xf32, #tpu.memory_space<vmem>>) dst(%dma_wait3A_305 : memref<10112x128xf32, #tpu.memory_space<vmem_shared>>)
      %dma_start3A_306 = arith.constant 0 : i32
      %dma_start3A_307 = arith.constant 0 : i32
      %dma_start3A_308 = tpu.memref_slice %arg10[%dma_start3A_306, %dma_start3A_307] : memref<2x80xi32, #tpu.memory_space<vmem>> -> memref<1x80xi32, #tpu.memory_space<vmem>>
      %dma_start3A_309 = tpu.memref_squeeze %dma_start3A_308 : memref<1x80xi32, #tpu.memory_space<vmem>> -> memref<80xi32, #tpu.memory_space<vmem>>
      %dma_start3A_310 = arith.constant 0 : i32
      %dma_start3A_311 = arith.constant 0 : i32
      %dma_start3A_312 = tpu.memref_slice %arg2[%dma_start3A_310, %dma_start3A_311] : memref<10000x128xf32, #tpu.memory_space<hbm>> -> memref<10000x128xf32, #tpu.memory_space<hbm>>
      tpu.enqueue_indirect_dma source(%dma_start3A_312 : memref<10000x128xf32, #tpu.memory_space<hbm>>) target(%arg13 : memref<80x128xf32, #tpu.memory_space<vmem>>) offsets(%dma_start3A_309 : memref<80xi32, #tpu.memory_space<vmem>>) semaphore(%arg17 : memref<!tpu.dma_semaphore, #tpu.memory_space<semaphore_mem>>)
      %dma_wait3A_313 = arith.constant 0 : i32
      %dma_wait3A_314 = arith.constant 0 : i32
      %dma_wait3A_315 = tpu.memref_slice %arg6[%dma_wait3A_313, %dma_wait3A_314] : memref<2x80xi32, #tpu.memory_space<vmem>> -> memref<1x80xi32, #tpu.memory_space<vmem>>
      %dma_wait3A_316 = tpu.memref_squeeze %dma_wait3A_315 : memref<1x80xi32, #tpu.memory_space<vmem>> -> memref<80xi32, #tpu.memory_space<vmem>>
      %dma_wait3A_317 = arith.constant 0 : i32
      %dma_wait3A_318 = arith.constant 0 : i32
      %dma_wait3A_319 = tpu.memref_slice %arg2[%dma_wait3A_317, %dma_wait3A_318] : memref<10000x128xf32, #tpu.memory_space<hbm>> -> memref<10000x128xf32, #tpu.memory_space<hbm>>
      tpu.wait_indirect_dma semaphore(%arg18 : memref<!tpu.dma_semaphore, #tpu.memory_space<semaphore_mem>>) src(%dma_wait3A_319 : memref<10000x128xf32, #tpu.memory_space<hbm>>) dst(%arg14 : memref<80x128xf32, #tpu.memory_space<vmem>>)
      %dma_start3A_320 = arith.constant 1 : i32
      %dma_start3A_321 = arith.constant 0 : i32
      %dma_start3A_322 = tpu.memref_slice %arg8[%dma_start3A_320, %dma_start3A_321] : memref<2x80xi32, #tpu.memory_space<vmem>> -> memref<1x80xi32, #tpu.memory_space<vmem>>
      %dma_start3A_323 = tpu.memref_squeeze %dma_start3A_322 : memref<1x80xi32, #tpu.memory_space<vmem>> -> memref<80xi32, #tpu.memory_space<vmem>>
      %dma_start3A_324 = arith.constant 0 : i32
      %dma_start3A_325 = arith.constant 0 : i32
      %dma_start3A_326 = tpu.memref_slice %arg15[%dma_start3A_324, %dma_start3A_325] : memref<10112x128xf32, #tpu.memory_space<vmem_shared>> -> memref<10112x128xf32, #tpu.memory_space<vmem_shared>>
      tpu.enqueue_indirect_dma source(%arg14 : memref<80x128xf32, #tpu.memory_space<vmem>>) target(%dma_start3A_326 : memref<10112x128xf32, #tpu.memory_space<vmem_shared>>) offsets(%dma_start3A_323 : memref<80xi32, #tpu.memory_space<vmem>>) semaphore(%arg20 : memref<!tpu.dma_semaphore, #tpu.memory_space<semaphore_mem>>) {add = true}
      %get3A_327 = arith.constant 1 : i32
      %get3A_328 = arith.index_cast %get3A_327 : i32 to index
      %get3A_329 = arith.constant 0 : index
      %get3A_330 = tpu.vector_load %arg8[%get3A_328, %get3A_329] {strides = array<i32>} : memref<2x80xi32, #tpu.memory_space<vmem>>, vector<16xi32>,
      tpu.vector_store_idx %arg21[%get3A_330], %broadcast_in_dim3A_42 {add = true} : memref<10112xf32, #tpu.memory_space<vmem>>[vector<16xi32>], vector<16xf32>,
      %get3A_331 = arith.constant 1 : i32
      %get3A_332 = arith.index_cast %get3A_331 : i32 to index
      %get3A_333 = arith.constant 16 : index
      %get3A_334 = tpu.vector_load %arg8[%get3A_332, %get3A_333] {strides = array<i32>} : memref<2x80xi32, #tpu.memory_space<vmem>>, vector<16xi32>,
      tpu.vector_store_idx %arg21[%get3A_334], %broadcast_in_dim3A_42 {add = true} : memref<10112xf32, #tpu.memory_space<vmem>>[vector<16xi32>], vector<16xf32>,
      %get3A_335 = arith.constant 1 : i32
      %get3A_336 = arith.index_cast %get3A_335 : i32 to index
      %get3A_337 = arith.constant 32 : index
      %get3A_338 = tpu.vector_load %arg8[%get3A_336, %get3A_337] {strides = array<i32>} : memref<2x80xi32, #tpu.memory_space<vmem>>, vector<16xi32>,
      tpu.vector_store_idx %arg21[%get3A_338], %broadcast_in_dim3A_42 {add = true} : memref<10112xf32, #tpu.memory_space<vmem>>[vector<16xi32>], vector<16xf32>,
      %get3A_339 = arith.constant 1 : i32
      %get3A_340 = arith.index_cast %get3A_339 : i32 to index
      %get3A_341 = arith.constant 48 : index
      %get3A_342 = tpu.vector_load %arg8[%get3A_340, %get3A_341] {strides = array<i32>} : memref<2x80xi32, #tpu.memory_space<vmem>>, vector<16xi32>,
      tpu.vector_store_idx %arg21[%get3A_342], %broadcast_in_dim3A_42 {add = true} : memref<10112xf32, #tpu.memory_space<vmem>>[vector<16xi32>], vector<16xf32>,
      %get3A_343 = arith.constant 1 : i32
      %get3A_344 = arith.index_cast %get3A_343 : i32 to index
      %get3A_345 = arith.constant 64 : index
      %get3A_346 = tpu.vector_load %arg8[%get3A_344, %get3A_345] {strides = array<i32>} : memref<2x80xi32, #tpu.memory_space<vmem>>, vector<16xi32>,
      tpu.vector_store_idx %arg21[%get3A_346], %broadcast_in_dim3A_42 {add = true} : memref<10112xf32, #tpu.memory_space<vmem>>[vector<16xi32>], vector<16xf32>,
      %add3A_347 = arith.constant 3 : i32
      %add3A_348 = arith.addi %add3A_289, %add3A_347 : i32
      %dma_start3A_349 = arith.constant 0 : i32
      %dma_start3A_350 = arith.constant 0 : i32
      %dma_start3A_351 = tpu.memref_slice %arg3[%add3A, %add3A_348, %dma_start3A_349, %dma_start3A_350] : memref<32x130x2x80xi32, #tpu.memory_space<hbm>> -> memref<1x1x2x80xi32, #tpu.memory_space<hbm>>
      %dma_start3A_352 = tpu.memref_squeeze %dma_start3A_351 : memref<1x1x2x80xi32, #tpu.memory_space<hbm>> -> memref<2x80xi32, #tpu.memory_space<hbm>>
      %dma_start3A_353 = arith.constant 0 : i32
      %dma_start3A_354 = arith.constant 0 : i32
      %dma_start3A_355 = tpu.memref_slice %arg3[%add3A, %add3A_348, %dma_start3A_353, %dma_start3A_354] : memref<32x130x2x80xi32, #tpu.memory_space<hbm>> -> memref<1x1x2x80xi32, #tpu.memory_space<hbm>>
      %dma_start3A_356 = tpu.memref_squeeze %dma_start3A_355 : memref<1x1x2x80xi32, #tpu.memory_space<hbm>> -> memref<2x80xi32, #tpu.memory_space<hbm>>
      tpu.enqueue_dma source(%dma_start3A_356 : memref<2x80xi32, #tpu.memory_space<hbm>>) target(%arg11 : memref<2x80xi32, #tpu.memory_space<vmem>>) target_semaphore(%arg19 : memref<!tpu.dma_semaphore, #tpu.memory_space<semaphore_mem>>)
      %add3A_357 = arith.constant 3 : i32
      %add3A_358 = arith.addi %mul3A_150, %add3A_357 : i32
      %dma_wait3A_359 = arith.constant 0 : i32
      %dma_wait3A_360 = arith.constant 0 : i32
      %dma_wait3A_361 = arith.constant 0 : i32
      %dma_wait3A_362 = tpu.memref_slice %arg3[%add3A, %dma_wait3A_359, %dma_wait3A_360, %dma_wait3A_361] : memref<32x130x2x80xi32, #tpu.memory_space<hbm>> -> memref<1x1x2x80xi32, #tpu.memory_space<hbm>>
      %dma_wait3A_363 = tpu.memref_squeeze %dma_wait3A_362 : memref<1x1x2x80xi32, #tpu.memory_space<hbm>> -> memref<2x80xi32, #tpu.memory_space<hbm>>
      %dma_wait3A_364 = arith.constant 0 : i32
      %dma_wait3A_365 = arith.constant 0 : i32
      %dma_wait3A_366 = tpu.memref_slice %arg3[%add3A, %dma_wait3A_359, %dma_wait3A_364, %dma_wait3A_365] : memref<32x130x2x80xi32, #tpu.memory_space<hbm>> -> memref<1x1x2x80xi32, #tpu.memory_space<hbm>>
      %dma_wait3A_367 = tpu.memref_squeeze %dma_wait3A_366 : memref<1x1x2x80xi32, #tpu.memory_space<hbm>> -> memref<2x80xi32, #tpu.memory_space<hbm>>
      tpu.wait_dma2 semaphore(%arg19 : memref<!tpu.dma_semaphore, #tpu.memory_space<semaphore_mem>>) src(%dma_wait3A_367 : memref<2x80xi32, #tpu.memory_space<hbm>>) dst(%arg11 : memref<2x80xi32, #tpu.memory_space<vmem>>)
      %dma_wait3A_368 = arith.constant 1 : i32
      %dma_wait3A_369 = arith.constant 0 : i32
      %dma_wait3A_370 = tpu.memref_slice %arg6[%dma_wait3A_368, %dma_wait3A_369] : memref<2x80xi32, #tpu.memory_space<vmem>> -> memref<1x80xi32, #tpu.memory_space<vmem>>
      %dma_wait3A_371 = tpu.memref_squeeze %dma_wait3A_370 : memref<1x80xi32, #tpu.memory_space<vmem>> -> memref<80xi32, #tpu.memory_space<vmem>>
      %dma_wait3A_372 = arith.constant 0 : i32
      %dma_wait3A_373 = arith.constant 0 : i32
      %dma_wait3A_374 = tpu.memref_slice %arg15[%dma_wait3A_372, %dma_wait3A_373] : memref<10112x128xf32, #tpu.memory_space<vmem_shared>> -> memref<10112x128xf32, #tpu.memory_space<vmem_shared>>
      tpu.wait_indirect_dma semaphore(%arg20 : memref<!tpu.dma_semaphore, #tpu.memory_space<semaphore_mem>>) src(%arg14 : memref<80x128xf32, #tpu.memory_space<vmem>>) dst(%dma_wait3A_374 : memref<10112x128xf32, #tpu.memory_space<vmem_shared>>)
      %dma_start3A_375 = arith.constant 0 : i32
      %dma_start3A_376 = arith.constant 0 : i32
      %dma_start3A_377 = tpu.memref_slice %arg11[%dma_start3A_375, %dma_start3A_376] : memref<2x80xi32, #tpu.memory_space<vmem>> -> memref<1x80xi32, #tpu.memory_space<vmem>>
      %dma_start3A_378 = tpu.memref_squeeze %dma_start3A_377 : memref<1x80xi32, #tpu.memory_space<vmem>> -> memref<80xi32, #tpu.memory_space<vmem>>
      %dma_start3A_379 = arith.constant 0 : i32
      %dma_start3A_380 = arith.constant 0 : i32
      %dma_start3A_381 = tpu.memref_slice %arg2[%dma_start3A_379, %dma_start3A_380] : memref<10000x128xf32, #tpu.memory_space<hbm>> -> memref<10000x128xf32, #tpu.memory_space<hbm>>
      tpu.enqueue_indirect_dma source(%dma_start3A_381 : memref<10000x128xf32, #tpu.memory_space<hbm>>) target(%arg14 : memref<80x128xf32, #tpu.memory_space<vmem>>) offsets(%dma_start3A_378 : memref<80xi32, #tpu.memory_space<vmem>>) semaphore(%arg18 : memref<!tpu.dma_semaphore, #tpu.memory_space<semaphore_mem>>)
      %dma_wait3A_382 = arith.constant 0 : i32
      %dma_wait3A_383 = arith.constant 0 : i32
      %dma_wait3A_384 = tpu.memref_slice %arg6[%dma_wait3A_382, %dma_wait3A_383] : memref<2x80xi32, #tpu.memory_space<vmem>> -> memref<1x80xi32, #tpu.memory_space<vmem>>
      %dma_wait3A_385 = tpu.memref_squeeze %dma_wait3A_384 : memref<1x80xi32, #tpu.memory_space<vmem>> -> memref<80xi32, #tpu.memory_space<vmem>>
      %dma_wait3A_386 = arith.constant 0 : i32
      %dma_wait3A_387 = arith.constant 0 : i32
      %dma_wait3A_388 = tpu.memref_slice %arg2[%dma_wait3A_386, %dma_wait3A_387] : memref<10000x128xf32, #tpu.memory_space<hbm>> -> memref<10000x128xf32, #tpu.memory_space<hbm>>
      tpu.wait_indirect_dma semaphore(%arg16 : memref<!tpu.dma_semaphore, #tpu.memory_space<semaphore_mem>>) src(%dma_wait3A_388 : memref<10000x128xf32, #tpu.memory_space<hbm>>) dst(%arg12 : memref<80x128xf32, #tpu.memory_space<vmem>>)
      %dma_start3A_389 = arith.constant 1 : i32
      %dma_start3A_390 = arith.constant 0 : i32
      %dma_start3A_391 = tpu.memref_slice %arg9[%dma_start3A_389, %dma_start3A_390] : memref<2x80xi32, #tpu.memory_space<vmem>> -> memref<1x80xi32, #tpu.memory_space<vmem>>
      %dma_start3A_392 = tpu.memref_squeeze %dma_start3A_391 : memref<1x80xi32, #tpu.memory_space<vmem>> -> memref<80xi32, #tpu.memory_space<vmem>>
      %dma_start3A_393 = arith.constant 0 : i32
      %dma_start3A_394 = arith.constant 0 : i32
      %dma_start3A_395 = tpu.memref_slice %arg15[%dma_start3A_393, %dma_start3A_394] : memref<10112x128xf32, #tpu.memory_space<vmem_shared>> -> memref<10112x128xf32, #tpu.memory_space<vmem_shared>>
      tpu.enqueue_indirect_dma source(%arg12 : memref<80x128xf32, #tpu.memory_space<vmem>>) target(%dma_start3A_395 : memref<10112x128xf32, #tpu.memory_space<vmem_shared>>) offsets(%dma_start3A_392 : memref<80xi32, #tpu.memory_space<vmem>>) semaphore(%arg20 : memref<!tpu.dma_semaphore, #tpu.memory_space<semaphore_mem>>) {add = true}
      %get3A_396 = arith.constant 1 : i32
      %get3A_397 = arith.index_cast %get3A_396 : i32 to index
      %get3A_398 = arith.constant 0 : index
      %get3A_399 = tpu.vector_load %arg9[%get3A_397, %get3A_398] {strides = array<i32>} : memref<2x80xi32, #tpu.memory_space<vmem>>, vector<16xi32>,
      tpu.vector_store_idx %arg21[%get3A_399], %broadcast_in_dim3A_42 {add = true} : memref<10112xf32, #tpu.memory_space<vmem>>[vector<16xi32>], vector<16xf32>,
      %get3A_400 = arith.constant 1 : i32
      %get3A_401 = arith.index_cast %get3A_400 : i32 to index
      %get3A_402 = arith.constant 16 : index
      %get3A_403 = tpu.vector_load %arg9[%get3A_401, %get3A_402] {strides = array<i32>} : memref<2x80xi32, #tpu.memory_space<vmem>>, vector<16xi32>,
      tpu.vector_store_idx %arg21[%get3A_403], %broadcast_in_dim3A_42 {add = true} : memref<10112xf32, #tpu.memory_space<vmem>>[vector<16xi32>], vector<16xf32>,
      %get3A_404 = arith.constant 1 : i32
      %get3A_405 = arith.index_cast %get3A_404 : i32 to index
      %get3A_406 = arith.constant 32 : index
      %get3A_407 = tpu.vector_load %arg9[%get3A_405, %get3A_406] {strides = array<i32>} : memref<2x80xi32, #tpu.memory_space<vmem>>, vector<16xi32>,
      tpu.vector_store_idx %arg21[%get3A_407], %broadcast_in_dim3A_42 {add = true} : memref<10112xf32, #tpu.memory_space<vmem>>[vector<16xi32>], vector<16xf32>,
      %get3A_408 = arith.constant 1 : i32
      %get3A_409 = arith.index_cast %get3A_408 : i32 to index
      %get3A_410 = arith.constant 48 : index
      %get3A_411 = tpu.vector_load %arg9[%get3A_409, %get3A_410] {strides = array<i32>} : memref<2x80xi32, #tpu.memory_space<vmem>>, vector<16xi32>,
      tpu.vector_store_idx %arg21[%get3A_411], %broadcast_in_dim3A_42 {add = true} : memref<10112xf32, #tpu.memory_space<vmem>>[vector<16xi32>], vector<16xf32>,
      %get3A_412 = arith.constant 1 : i32
      %get3A_413 = arith.index_cast %get3A_412 : i32 to index
      %get3A_414 = arith.constant 64 : index
      %get3A_415 = tpu.vector_load %arg9[%get3A_413, %get3A_414] {strides = array<i32>} : memref<2x80xi32, #tpu.memory_space<vmem>>, vector<16xi32>,
      tpu.vector_store_idx %arg21[%get3A_415], %broadcast_in_dim3A_42 {add = true} : memref<10112xf32, #tpu.memory_space<vmem>>[vector<16xi32>], vector<16xf32>,
      %add3A_416 = arith.constant 3 : i32
      %add3A_417 = arith.addi %add3A_358, %add3A_416 : i32
      %dma_start3A_418 = arith.constant 0 : i32
      %dma_start3A_419 = arith.constant 0 : i32
      %dma_start3A_420 = tpu.memref_slice %arg3[%add3A, %add3A_417, %dma_start3A_418, %dma_start3A_419] : memref<32x130x2x80xi32, #tpu.memory_space<hbm>> -> memref<1x1x2x80xi32, #tpu.memory_space<hbm>>
      %dma_start3A_421 = tpu.memref_squeeze %dma_start3A_420 : memref<1x1x2x80xi32, #tpu.memory_space<hbm>> -> memref<2x80xi32, #tpu.memory_space<hbm>>
      %dma_start3A_422 = arith.constant 0 : i32
      %dma_start3A_423 = arith.constant 0 : i32
      %dma_start3A_424 = tpu.memref_slice %arg3[%add3A, %add3A_417, %dma_start3A_422, %dma_start3A_423] : memref<32x130x2x80xi32, #tpu.memory_space<hbm>> -> memref<1x1x2x80xi32, #tpu.memory_space<hbm>>
      %dma_start3A_425 = tpu.memref_squeeze %dma_start3A_424 : memref<1x1x2x80xi32, #tpu.memory_space<hbm>> -> memref<2x80xi32, #tpu.memory_space<hbm>>
      tpu.enqueue_dma source(%dma_start3A_425 : memref<2x80xi32, #tpu.memory_space<hbm>>) target(%arg6 : memref<2x80xi32, #tpu.memory_space<vmem>>) target_semaphore(%arg19 : memref<!tpu.dma_semaphore, #tpu.memory_space<semaphore_mem>>)
      %add3A_426 = arith.constant 4 : i32
      %add3A_427 = arith.addi %mul3A_150, %add3A_426 : i32
      %dma_wait3A_428 = arith.constant 0 : i32
      %dma_wait3A_429 = arith.constant 0 : i32
      %dma_wait3A_430 = arith.constant 0 : i32
      %dma_wait3A_431 = tpu.memref_slice %arg3[%add3A, %dma_wait3A_428, %dma_wait3A_429, %dma_wait3A_430] : memref<32x130x2x80xi32, #tpu.memory_space<hbm>> -> memref<1x1x2x80xi32, #tpu.memory_space<hbm>>
      %dma_wait3A_432 = tpu.memref_squeeze %dma_wait3A_431 : memref<1x1x2x80xi32, #tpu.memory_space<hbm>> -> memref<2x80xi32, #tpu.memory_space<hbm>>
      %dma_wait3A_433 = arith.constant 0 : i32
      %dma_wait3A_434 = arith.constant 0 : i32
      %dma_wait3A_435 = tpu.memref_slice %arg3[%add3A, %dma_wait3A_428, %dma_wait3A_433, %dma_wait3A_434] : memref<32x130x2x80xi32, #tpu.memory_space<hbm>> -> memref<1x1x2x80xi32, #tpu.memory_space<hbm>>
      %dma_wait3A_436 = tpu.memref_squeeze %dma_wait3A_435 : memref<1x1x2x80xi32, #tpu.memory_space<hbm>> -> memref<2x80xi32, #tpu.memory_space<hbm>>
      tpu.wait_dma2 semaphore(%arg19 : memref<!tpu.dma_semaphore, #tpu.memory_space<semaphore_mem>>) src(%dma_wait3A_436 : memref<2x80xi32, #tpu.memory_space<hbm>>) dst(%arg6 : memref<2x80xi32, #tpu.memory_space<vmem>>)
      %dma_wait3A_437 = arith.constant 1 : i32
      %dma_wait3A_438 = arith.constant 0 : i32
      %dma_wait3A_439 = tpu.memref_slice %arg6[%dma_wait3A_437, %dma_wait3A_438] : memref<2x80xi32, #tpu.memory_space<vmem>> -> memref<1x80xi32, #tpu.memory_space<vmem>>
      %dma_wait3A_440 = tpu.memref_squeeze %dma_wait3A_439 : memref<1x80xi32, #tpu.memory_space<vmem>> -> memref<80xi32, #tpu.memory_space<vmem>>
      %dma_wait3A_441 = arith.constant 0 : i32
      %dma_wait3A_442 = arith.constant 0 : i32
      %dma_wait3A_443 = tpu.memref_slice %arg15[%dma_wait3A_441, %dma_wait3A_442] : memref<10112x128xf32, #tpu.memory_space<vmem_shared>> -> memref<10112x128xf32, #tpu.memory_space<vmem_shared>>
      tpu.wait_indirect_dma semaphore(%arg20 : memref<!tpu.dma_semaphore, #tpu.memory_space<semaphore_mem>>) src(%arg12 : memref<80x128xf32, #tpu.memory_space<vmem>>) dst(%dma_wait3A_443 : memref<10112x128xf32, #tpu.memory_space<vmem_shared>>)
      %dma_start3A_444 = arith.constant 0 : i32
      %dma_start3A_445 = arith.constant 0 : i32
      %dma_start3A_446 = tpu.memref_slice %arg6[%dma_start3A_444, %dma_start3A_445] : memref<2x80xi32, #tpu.memory_space<vmem>> -> memref<1x80xi32, #tpu.memory_space<vmem>>
      %dma_start3A_447 = tpu.memref_squeeze %dma_start3A_446 : memref<1x80xi32, #tpu.memory_space<vmem>> -> memref<80xi32, #tpu.memory_space<vmem>>
      %dma_start3A_448 = arith.constant 0 : i32
      %dma_start3A_449 = arith.constant 0 : i32
      %dma_start3A_450 = tpu.memref_slice %arg2[%dma_start3A_448, %dma_start3A_449] : memref<10000x128xf32, #tpu.memory_space<hbm>> -> memref<10000x128xf32, #tpu.memory_space<hbm>>
      tpu.enqueue_indirect_dma source(%dma_start3A_450 : memref<10000x128xf32, #tpu.memory_space<hbm>>) target(%arg12 : memref<80x128xf32, #tpu.memory_space<vmem>>) offsets(%dma_start3A_447 : memref<80xi32, #tpu.memory_space<vmem>>) semaphore(%arg16 : memref<!tpu.dma_semaphore, #tpu.memory_space<semaphore_mem>>)
      %dma_wait3A_451 = arith.constant 0 : i32
      %dma_wait3A_452 = arith.constant 0 : i32
      %dma_wait3A_453 = tpu.memref_slice %arg6[%dma_wait3A_451, %dma_wait3A_452] : memref<2x80xi32, #tpu.memory_space<vmem>> -> memref<1x80xi32, #tpu.memory_space<vmem>>
      %dma_wait3A_454 = tpu.memref_squeeze %dma_wait3A_453 : memref<1x80xi32, #tpu.memory_space<vmem>> -> memref<80xi32, #tpu.memory_space<vmem>>
      %dma_wait3A_455 = arith.constant 0 : i32
      %dma_wait3A_456 = arith.constant 0 : i32
      %dma_wait3A_457 = tpu.memref_slice %arg2[%dma_wait3A_455, %dma_wait3A_456] : memref<10000x128xf32, #tpu.memory_space<hbm>> -> memref<10000x128xf32, #tpu.memory_space<hbm>>
      tpu.wait_indirect_dma semaphore(%arg17 : memref<!tpu.dma_semaphore, #tpu.memory_space<semaphore_mem>>) src(%dma_wait3A_457 : memref<10000x128xf32, #tpu.memory_space<hbm>>) dst(%arg13 : memref<80x128xf32, #tpu.memory_space<vmem>>)
      %dma_start3A_458 = arith.constant 1 : i32
      %dma_start3A_459 = arith.constant 0 : i32
      %dma_start3A_460 = tpu.memref_slice %arg10[%dma_start3A_458, %dma_start3A_459] : memref<2x80xi32, #tpu.memory_space<vmem>> -> memref<1x80xi32, #tpu.memory_space<vmem>>
      %dma_start3A_461 = tpu.memref_squeeze %dma_start3A_460 : memref<1x80xi32, #tpu.memory_space<vmem>> -> memref<80xi32, #tpu.memory_space<vmem>>
      %dma_start3A_462 = arith.constant 0 : i32
      %dma_start3A_463 = arith.constant 0 : i32
      %dma_start3A_464 = tpu.memref_slice %arg15[%dma_start3A_462, %dma_start3A_463] : memref<10112x128xf32, #tpu.memory_space<vmem_shared>> -> memref<10112x128xf32, #tpu.memory_space<vmem_shared>>
      tpu.enqueue_indirect_dma source(%arg13 : memref<80x128xf32, #tpu.memory_space<vmem>>) target(%dma_start3A_464 : memref<10112x128xf32, #tpu.memory_space<vmem_shared>>) offsets(%dma_start3A_461 : memref<80xi32, #tpu.memory_space<vmem>>) semaphore(%arg20 : memref<!tpu.dma_semaphore, #tpu.memory_space<semaphore_mem>>) {add = true}
      %get3A_465 = arith.constant 1 : i32
      %get3A_466 = arith.index_cast %get3A_465 : i32 to index
      %get3A_467 = arith.constant 0 : index
      %get3A_468 = tpu.vector_load %arg10[%get3A_466, %get3A_467] {strides = array<i32>} : memref<2x80xi32, #tpu.memory_space<vmem>>, vector<16xi32>,
      tpu.vector_store_idx %arg21[%get3A_468], %broadcast_in_dim3A_42 {add = true} : memref<10112xf32, #tpu.memory_space<vmem>>[vector<16xi32>], vector<16xf32>,
      %get3A_469 = arith.constant 1 : i32
      %get3A_470 = arith.index_cast %get3A_469 : i32 to index
      %get3A_471 = arith.constant 16 : index
      %get3A_472 = tpu.vector_load %arg10[%get3A_470, %get3A_471] {strides = array<i32>} : memref<2x80xi32, #tpu.memory_space<vmem>>, vector<16xi32>,
      tpu.vector_store_idx %arg21[%get3A_472], %broadcast_in_dim3A_42 {add = true} : memref<10112xf32, #tpu.memory_space<vmem>>[vector<16xi32>], vector<16xf32>,
      %get3A_473 = arith.constant 1 : i32
      %get3A_474 = arith.index_cast %get3A_473 : i32 to index
      %get3A_475 = arith.constant 32 : index
      %get3A_476 = tpu.vector_load %arg10[%get3A_474, %get3A_475] {strides = array<i32>} : memref<2x80xi32, #tpu.memory_space<vmem>>, vector<16xi32>,
      tpu.vector_store_idx %arg21[%get3A_476], %broadcast_in_dim3A_42 {add = true} : memref<10112xf32, #tpu.memory_space<vmem>>[vector<16xi32>], vector<16xf32>,
      %get3A_477 = arith.constant 1 : i32
      %get3A_478 = arith.index_cast %get3A_477 : i32 to index
      %get3A_479 = arith.constant 48 : index
      %get3A_480 = tpu.vector_load %arg10[%get3A_478, %get3A_479] {strides = array<i32>} : memref<2x80xi32, #tpu.memory_space<vmem>>, vector<16xi32>,
      tpu.vector_store_idx %arg21[%get3A_480], %broadcast_in_dim3A_42 {add = true} : memref<10112xf32, #tpu.memory_space<vmem>>[vector<16xi32>], vector<16xf32>,
      %get3A_481 = arith.constant 1 : i32
      %get3A_482 = arith.index_cast %get3A_481 : i32 to index
      %get3A_483 = arith.constant 64 : index
      %get3A_484 = tpu.vector_load %arg10[%get3A_482, %get3A_483] {strides = array<i32>} : memref<2x80xi32, #tpu.memory_space<vmem>>, vector<16xi32>,
      tpu.vector_store_idx %arg21[%get3A_484], %broadcast_in_dim3A_42 {add = true} : memref<10112xf32, #tpu.memory_space<vmem>>[vector<16xi32>], vector<16xf32>,
      %add3A_485 = arith.constant 3 : i32
      %add3A_486 = arith.addi %add3A_427, %add3A_485 : i32
      %dma_start3A_487 = arith.constant 0 : i32
      %dma_start3A_488 = arith.constant 0 : i32
      %dma_start3A_489 = tpu.memref_slice %arg3[%add3A, %add3A_486, %dma_start3A_487, %dma_start3A_488] : memref<32x130x2x80xi32, #tpu.memory_space<hbm>> -> memref<1x1x2x80xi32, #tpu.memory_space<hbm>>
      %dma_start3A_490 = tpu.memref_squeeze %dma_start3A_489 : memref<1x1x2x80xi32, #tpu.memory_space<hbm>> -> memref<2x80xi32, #tpu.memory_space<hbm>>
      %dma_start3A_491 = arith.constant 0 : i32
      %dma_start3A_492 = arith.constant 0 : i32
      %dma_start3A_493 = tpu.memref_slice %arg3[%add3A, %add3A_486, %dma_start3A_491, %dma_start3A_492] : memref<32x130x2x80xi32, #tpu.memory_space<hbm>> -> memref<1x1x2x80xi32, #tpu.memory_space<hbm>>
      %dma_start3A_494 = tpu.memref_squeeze %dma_start3A_493 : memref<1x1x2x80xi32, #tpu.memory_space<hbm>> -> memref<2x80xi32, #tpu.memory_space<hbm>>
      tpu.enqueue_dma source(%dma_start3A_494 : memref<2x80xi32, #tpu.memory_space<hbm>>) target(%arg7 : memref<2x80xi32, #tpu.memory_space<vmem>>) target_semaphore(%arg19 : memref<!tpu.dma_semaphore, #tpu.memory_space<semaphore_mem>>)
      %add3A_495 = arith.constant 5 : i32
      %add3A_496 = arith.addi %mul3A_150, %add3A_495 : i32
      %dma_wait3A_497 = arith.constant 0 : i32
      %dma_wait3A_498 = arith.constant 0 : i32
      %dma_wait3A_499 = arith.constant 0 : i32
      %dma_wait3A_500 = tpu.memref_slice %arg3[%add3A, %dma_wait3A_497, %dma_wait3A_498, %dma_wait3A_499] : memref<32x130x2x80xi32, #tpu.memory_space<hbm>> -> memref<1x1x2x80xi32, #tpu.memory_space<hbm>>
      %dma_wait3A_501 = tpu.memref_squeeze %dma_wait3A_500 : memref<1x1x2x80xi32, #tpu.memory_space<hbm>> -> memref<2x80xi32, #tpu.memory_space<hbm>>
      %dma_wait3A_502 = arith.constant 0 : i32
      %dma_wait3A_503 = arith.constant 0 : i32
      %dma_wait3A_504 = tpu.memref_slice %arg3[%add3A, %dma_wait3A_497, %dma_wait3A_502, %dma_wait3A_503] : memref<32x130x2x80xi32, #tpu.memory_space<hbm>> -> memref<1x1x2x80xi32, #tpu.memory_space<hbm>>
      %dma_wait3A_505 = tpu.memref_squeeze %dma_wait3A_504 : memref<1x1x2x80xi32, #tpu.memory_space<hbm>> -> memref<2x80xi32, #tpu.memory_space<hbm>>
      tpu.wait_dma2 semaphore(%arg19 : memref<!tpu.dma_semaphore, #tpu.memory_space<semaphore_mem>>) src(%dma_wait3A_505 : memref<2x80xi32, #tpu.memory_space<hbm>>) dst(%arg7 : memref<2x80xi32, #tpu.memory_space<vmem>>)
      %dma_wait3A_506 = arith.constant 1 : i32
      %dma_wait3A_507 = arith.constant 0 : i32
      %dma_wait3A_508 = tpu.memref_slice %arg6[%dma_wait3A_506, %dma_wait3A_507] : memref<2x80xi32, #tpu.memory_space<vmem>> -> memref<1x80xi32, #tpu.memory_space<vmem>>
      %dma_wait3A_509 = tpu.memref_squeeze %dma_wait3A_508 : memref<1x80xi32, #tpu.memory_space<vmem>> -> memref<80xi32, #tpu.memory_space<vmem>>
      %dma_wait3A_510 = arith.constant 0 : i32
      %dma_wait3A_511 = arith.constant 0 : i32
      %dma_wait3A_512 = tpu.memref_slice %arg15[%dma_wait3A_510, %dma_wait3A_511] : memref<10112x128xf32, #tpu.memory_space<vmem_shared>> -> memref<10112x128xf32, #tpu.memory_space<vmem_shared>>
      tpu.wait_indirect_dma semaphore(%arg20 : memref<!tpu.dma_semaphore, #tpu.memory_space<semaphore_mem>>) src(%arg13 : memref<80x128xf32, #tpu.memory_space<vmem>>) dst(%dma_wait3A_512 : memref<10112x128xf32, #tpu.memory_space<vmem_shared>>)
      %dma_start3A_513 = arith.constant 0 : i32
      %dma_start3A_514 = arith.constant 0 : i32
      %dma_start3A_515 = tpu.memref_slice %arg7[%dma_start3A_513, %dma_start3A_514] : memref<2x80xi32, #tpu.memory_space<vmem>> -> memref<1x80xi32, #tpu.memory_space<vmem>>
      %dma_start3A_516 = tpu.memref_squeeze %dma_start3A_515 : memref<1x80xi32, #tpu.memory_space<vmem>> -> memref<80xi32, #tpu.memory_space<vmem>>
      %dma_start3A_517 = arith.constant 0 : i32
      %dma_start3A_518 = arith.constant 0 : i32
      %dma_start3A_519 = tpu.memref_slice %arg2[%dma_start3A_517, %dma_start3A_518] : memref<10000x128xf32, #tpu.memory_space<hbm>> -> memref<10000x128xf32, #tpu.memory_space<hbm>>
      tpu.enqueue_indirect_dma source(%dma_start3A_519 : memref<10000x128xf32, #tpu.memory_space<hbm>>) target(%arg13 : memref<80x128xf32, #tpu.memory_space<vmem>>) offsets(%dma_start3A_516 : memref<80xi32, #tpu.memory_space<vmem>>) semaphore(%arg17 : memref<!tpu.dma_semaphore, #tpu.memory_space<semaphore_mem>>)
      %dma_wait3A_520 = arith.constant 0 : i32
      %dma_wait3A_521 = arith.constant 0 : i32
      %dma_wait3A_522 = tpu.memref_slice %arg6[%dma_wait3A_520, %dma_wait3A_521] : memref<2x80xi32, #tpu.memory_space<vmem>> -> memref<1x80xi32, #tpu.memory_space<vmem>>
      %dma_wait3A_523 = tpu.memref_squeeze %dma_wait3A_522 : memref<1x80xi32, #tpu.memory_space<vmem>> -> memref<80xi32, #tpu.memory_space<vmem>>
      %dma_wait3A_524 = arith.constant 0 : i32
      %dma_wait3A_525 = arith.constant 0 : i32
      %dma_wait3A_526 = tpu.memref_slice %arg2[%dma_wait3A_524, %dma_wait3A_525] : memref<10000x128xf32, #tpu.memory_space<hbm>> -> memref<10000x128xf32, #tpu.memory_space<hbm>>
      tpu.wait_indirect_dma semaphore(%arg18 : memref<!tpu.dma_semaphore, #tpu.memory_space<semaphore_mem>>) src(%dma_wait3A_526 : memref<10000x128xf32, #tpu.memory_space<hbm>>) dst(%arg14 : memref<80x128xf32, #tpu.memory_space<vmem>>)
      %dma_start3A_527 = arith.constant 1 : i32
      %dma_start3A_528 = arith.constant 0 : i32
      %dma_start3A_529 = tpu.memref_slice %arg11[%dma_start3A_527, %dma_start3A_528] : memref<2x80xi32, #tpu.memory_space<vmem>> -> memref<1x80xi32, #tpu.memory_space<vmem>>
      %dma_start3A_530 = tpu.memref_squeeze %dma_start3A_529 : memref<1x80xi32, #tpu.memory_space<vmem>> -> memref<80xi32, #tpu.memory_space<vmem>>
      %dma_start3A_531 = arith.constant 0 : i32
      %dma_start3A_532 = arith.constant 0 : i32
      %dma_start3A_533 = tpu.memref_slice %arg15[%dma_start3A_531, %dma_start3A_532] : memref<10112x128xf32, #tpu.memory_space<vmem_shared>> -> memref<10112x128xf32, #tpu.memory_space<vmem_shared>>
      tpu.enqueue_indirect_dma source(%arg14 : memref<80x128xf32, #tpu.memory_space<vmem>>) target(%dma_start3A_533 : memref<10112x128xf32, #tpu.memory_space<vmem_shared>>) offsets(%dma_start3A_530 : memref<80xi32, #tpu.memory_space<vmem>>) semaphore(%arg20 : memref<!tpu.dma_semaphore, #tpu.memory_space<semaphore_mem>>) {add = true}
      %get3A_534 = arith.constant 1 : i32
      %get3A_535 = arith.index_cast %get3A_534 : i32 to index
      %get3A_536 = arith.constant 0 : index
      %get3A_537 = tpu.vector_load %arg11[%get3A_535, %get3A_536] {strides = array<i32>} : memref<2x80xi32, #tpu.memory_space<vmem>>, vector<16xi32>,
      tpu.vector_store_idx %arg21[%get3A_537], %broadcast_in_dim3A_42 {add = true} : memref<10112xf32, #tpu.memory_space<vmem>>[vector<16xi32>], vector<16xf32>,
      %get3A_538 = arith.constant 1 : i32
      %get3A_539 = arith.index_cast %get3A_538 : i32 to index
      %get3A_540 = arith.constant 16 : index
      %get3A_541 = tpu.vector_load %arg11[%get3A_539, %get3A_540] {strides = array<i32>} : memref<2x80xi32, #tpu.memory_space<vmem>>, vector<16xi32>,
      tpu.vector_store_idx %arg21[%get3A_541], %broadcast_in_dim3A_42 {add = true} : memref<10112xf32, #tpu.memory_space<vmem>>[vector<16xi32>], vector<16xf32>,
      %get3A_542 = arith.constant 1 : i32
      %get3A_543 = arith.index_cast %get3A_542 : i32 to index
      %get3A_544 = arith.constant 32 : index
      %get3A_545 = tpu.vector_load %arg11[%get3A_543, %get3A_544] {strides = array<i32>} : memref<2x80xi32, #tpu.memory_space<vmem>>, vector<16xi32>,
      tpu.vector_store_idx %arg21[%get3A_545], %broadcast_in_dim3A_42 {add = true} : memref<10112xf32, #tpu.memory_space<vmem>>[vector<16xi32>], vector<16xf32>,
      %get3A_546 = arith.constant 1 : i32
      %get3A_547 = arith.index_cast %get3A_546 : i32 to index
      %get3A_548 = arith.constant 48 : index
      %get3A_549 = tpu.vector_load %arg11[%get3A_547, %get3A_548] {strides = array<i32>} : memref<2x80xi32, #tpu.memory_space<vmem>>, vector<16xi32>,
      tpu.vector_store_idx %arg21[%get3A_549], %broadcast_in_dim3A_42 {add = true} : memref<10112xf32, #tpu.memory_space<vmem>>[vector<16xi32>], vector<16xf32>,
      %get3A_550 = arith.constant 1 : i32
      %get3A_551 = arith.index_cast %get3A_550 : i32 to index
      %get3A_552 = arith.constant 64 : index
      %get3A_553 = tpu.vector_load %arg11[%get3A_551, %get3A_552] {strides = array<i32>} : memref<2x80xi32, #tpu.memory_space<vmem>>, vector<16xi32>,
      tpu.vector_store_idx %arg21[%get3A_553], %broadcast_in_dim3A_42 {add = true} : memref<10112xf32, #tpu.memory_space<vmem>>[vector<16xi32>], vector<16xf32>,
      %add3A_554 = arith.constant 3 : i32
      %add3A_555 = arith.addi %add3A_496, %add3A_554 : i32
      %dma_start3A_556 = arith.constant 0 : i32
      %dma_start3A_557 = arith.constant 0 : i32
      %dma_start3A_558 = tpu.memref_slice %arg3[%add3A, %add3A_555, %dma_start3A_556, %dma_start3A_557] : memref<32x130x2x80xi32, #tpu.memory_space<hbm>> -> memref<1x1x2x80xi32, #tpu.memory_space<hbm>>
      %dma_start3A_559 = tpu.memref_squeeze %dma_start3A_558 : memref<1x1x2x80xi32, #tpu.memory_space<hbm>> -> memref<2x80xi32, #tpu.memory_space<hbm>>
      %dma_start3A_560 = arith.constant 0 : i32
      %dma_start3A_561 = arith.constant 0 : i32
      %dma_start3A_562 = tpu.memref_slice %arg3[%add3A, %add3A_555, %dma_start3A_560, %dma_start3A_561] : memref<32x130x2x80xi32, #tpu.memory_space<hbm>> -> memref<1x1x2x80xi32, #tpu.memory_space<hbm>>
      %dma_start3A_563 = tpu.memref_squeeze %dma_start3A_562 : memref<1x1x2x80xi32, #tpu.memory_space<hbm>> -> memref<2x80xi32, #tpu.memory_space<hbm>>
      tpu.enqueue_dma source(%dma_start3A_563 : memref<2x80xi32, #tpu.memory_space<hbm>>) target(%arg8 : memref<2x80xi32, #tpu.memory_space<vmem>>) target_semaphore(%arg19 : memref<!tpu.dma_semaphore, #tpu.memory_space<semaphore_mem>>)
    }
    %scan3A_112 = arith.constant 21 : i32
    %dma_wait3A_113 = arith.constant 1 : i32
    %dma_wait3A_114 = arith.constant 0 : i32
    %dma_wait3A_115 = tpu.memref_slice %arg6[%dma_wait3A_113, %dma_wait3A_114] : memref<2x80xi32, #tpu.memory_space<vmem>> -> memref<1x80xi32, #tpu.memory_space<vmem>>
    %dma_wait3A_116 = tpu.memref_squeeze %dma_wait3A_115 : memref<1x80xi32, #tpu.memory_space<vmem>> -> memref<80xi32, #tpu.memory_space<vmem>>
    %dma_wait3A_117 = arith.constant 0 : i32
    %dma_wait3A_118 = arith.constant 0 : i32
    %dma_wait3A_119 = tpu.memref_slice %arg15[%dma_wait3A_117, %dma_wait3A_118] : memref<10112x128xf32, #tpu.memory_space<vmem_shared>> -> memref<10112x128xf32, #tpu.memory_space<vmem_shared>>
    tpu.wait_indirect_dma semaphore(%arg20 : memref<!tpu.dma_semaphore, #tpu.memory_space<semaphore_mem>>) src(%arg12 : memref<80x128xf32, #tpu.memory_space<vmem>>) dst(%dma_wait3A_119 : memref<10112x128xf32, #tpu.memory_space<vmem_shared>>)
    %dma_wait3A_120 = arith.constant 0 : i32
    %dma_wait3A_121 = arith.constant 0 : i32
    %dma_wait3A_122 = tpu.memref_slice %arg6[%dma_wait3A_120, %dma_wait3A_121] : memref<2x80xi32, #tpu.memory_space<vmem>> -> memref<1x80xi32, #tpu.memory_space<vmem>>
    %dma_wait3A_123 = tpu.memref_squeeze %dma_wait3A_122 : memref<1x80xi32, #tpu.memory_space<vmem>> -> memref<80xi32, #tpu.memory_space<vmem>>
    %dma_wait3A_124 = arith.constant 0 : i32
    %dma_wait3A_125 = arith.constant 0 : i32
    %dma_wait3A_126 = tpu.memref_slice %arg2[%dma_wait3A_124, %dma_wait3A_125] : memref<10000x128xf32, #tpu.memory_space<hbm>> -> memref<10000x128xf32, #tpu.memory_space<hbm>>
    tpu.wait_indirect_dma semaphore(%arg16 : memref<!tpu.dma_semaphore, #tpu.memory_space<semaphore_mem>>) src(%dma_wait3A_126 : memref<10000x128xf32, #tpu.memory_space<hbm>>) dst(%arg12 : memref<80x128xf32, #tpu.memory_space<vmem>>)
    %dma_wait3A_127 = arith.constant 0 : i32
    %dma_wait3A_128 = arith.constant 0 : i32
    %dma_wait3A_129 = tpu.memref_slice %arg6[%dma_wait3A_127, %dma_wait3A_128] : memref<2x80xi32, #tpu.memory_space<vmem>> -> memref<1x80xi32, #tpu.memory_space<vmem>>
    %dma_wait3A_130 = tpu.memref_squeeze %dma_wait3A_129 : memref<1x80xi32, #tpu.memory_space<vmem>> -> memref<80xi32, #tpu.memory_space<vmem>>
    %dma_wait3A_131 = arith.constant 0 : i32
    %dma_wait3A_132 = arith.constant 0 : i32
    %dma_wait3A_133 = tpu.memref_slice %arg2[%dma_wait3A_131, %dma_wait3A_132] : memref<10000x128xf32, #tpu.memory_space<hbm>> -> memref<10000x128xf32, #tpu.memory_space<hbm>>
    tpu.wait_indirect_dma semaphore(%arg17 : memref<!tpu.dma_semaphore, #tpu.memory_space<semaphore_mem>>) src(%dma_wait3A_133 : memref<10000x128xf32, #tpu.memory_space<hbm>>) dst(%arg13 : memref<80x128xf32, #tpu.memory_space<vmem>>)
    %dma_wait3A_134 = arith.constant 0 : i32
    %dma_wait3A_135 = arith.constant 0 : i32
    %dma_wait3A_136 = arith.constant 0 : i32
    %dma_wait3A_137 = tpu.memref_slice %arg3[%add3A, %dma_wait3A_134, %dma_wait3A_135, %dma_wait3A_136] : memref<32x130x2x80xi32, #tpu.memory_space<hbm>> -> memref<1x1x2x80xi32, #tpu.memory_space<hbm>>
    %dma_wait3A_138 = tpu.memref_squeeze %dma_wait3A_137 : memref<1x1x2x80xi32, #tpu.memory_space<hbm>> -> memref<2x80xi32, #tpu.memory_space<hbm>>
    %dma_wait3A_139 = arith.constant 0 : i32
    %dma_wait3A_140 = arith.constant 0 : i32
    %dma_wait3A_141 = tpu.memref_slice %arg3[%add3A, %dma_wait3A_134, %dma_wait3A_139, %dma_wait3A_140] : memref<32x130x2x80xi32, #tpu.memory_space<hbm>> -> memref<1x1x2x80xi32, #tpu.memory_space<hbm>>
    %dma_wait3A_142 = tpu.memref_squeeze %dma_wait3A_141 : memref<1x1x2x80xi32, #tpu.memory_space<hbm>> -> memref<2x80xi32, #tpu.memory_space<hbm>>
    tpu.wait_dma2 semaphore(%arg19 : memref<!tpu.dma_semaphore, #tpu.memory_space<semaphore_mem>>) src(%dma_wait3A_142 : memref<2x80xi32, #tpu.memory_space<hbm>>) dst(%arg6 : memref<2x80xi32, #tpu.memory_space<vmem>>)
    %barrier3A_143 = arith.constant 0 : index
    tpu.barrier barrier_id(%barrier3A_143)
    %mul3A_144 = arith.constant 632 : i32
    %mul3A_145 = arith.muli %arg1, %mul3A_144 : i32
    %mul3A_146 = arith.constant 632 : i32
    %mul3A_147 = arith.muli %arg1, %mul3A_146 : i32
    "tpu.region"() ({
      %run_scoped3A = tpu.sem_alloc : memref<!tpu.dma_semaphore, #tpu.memory_space<semaphore_mem>>
      %dma_start3A_148 = arith.constant 0 : i32
      %dma_start3A_149 = tpu.memref_slice %arg4[%arg0, %mul3A_147, %dma_start3A_148] : memref<2x10112x128xf32, #tpu.memory_space<hbm>> -> memref<1x632x128xf32, #tpu.memory_space<hbm>>
      %dma_start3A_150 = tpu.memref_squeeze %dma_start3A_149 : memref<1x632x128xf32, #tpu.memory_space<hbm>> -> memref<632x128xf32, #tpu.memory_space<hbm>>
      %dma_start3A_151 = arith.constant 0 : i32
      %dma_start3A_152 = tpu.memref_slice %arg15[%mul3A_145, %dma_start3A_151] : memref<10112x128xf32, #tpu.memory_space<vmem_shared>> -> memref<632x128xf32, #tpu.memory_space<vmem_shared>>
      tpu.enqueue_dma source(%dma_start3A_152 : memref<632x128xf32, #tpu.memory_space<vmem_shared>>) target(%dma_start3A_150 : memref<632x128xf32, #tpu.memory_space<hbm>>) target_semaphore(%run_scoped3A : memref<!tpu.dma_semaphore, #tpu.memory_space<semaphore_mem>>)
      %dma_wait3A_153 = arith.constant 0 : i32
      %dma_wait3A_154 = tpu.memref_slice %arg4[%arg0, %mul3A_147, %dma_wait3A_153] : memref<2x10112x128xf32, #tpu.memory_space<hbm>> -> memref<1x632x128xf32, #tpu.memory_space<hbm>>
      %dma_wait3A_155 = tpu.memref_squeeze %dma_wait3A_154 : memref<1x632x128xf32, #tpu.memory_space<hbm>> -> memref<632x128xf32, #tpu.memory_space<hbm>>
      %dma_wait3A_156 = arith.constant 0 : i32
      %dma_wait3A_157 = tpu.memref_slice %arg15[%mul3A_145, %dma_wait3A_156] : memref<10112x128xf32, #tpu.memory_space<vmem_shared>> -> memref<632x128xf32, #tpu.memory_space<vmem_shared>>
      tpu.wait_dma2 semaphore(%run_scoped3A : memref<!tpu.dma_semaphore, #tpu.memory_space<semaphore_mem>>) src(%dma_wait3A_157 : memref<632x128xf32, #tpu.memory_space<vmem_shared>>) dst(%dma_wait3A_155 : memref<632x128xf32, #tpu.memory_space<hbm>>)
      tpu.yield
    }) : () -> ()
    "tpu.region"() ({
      %run_scoped3A = tpu.sem_alloc : memref<!tpu.dma_semaphore, #tpu.memory_space<semaphore_mem>>
      %dma_start3A_148 = arith.constant 0 : i32
      %dma_start3A_149 = tpu.memref_slice %arg5[%add3A, %dma_start3A_148] : memref<32x10112xf32, #tpu.memory_space<hbm>> -> memref<1x10112xf32, #tpu.memory_space<hbm>>
      %dma_start3A_150 = tpu.memref_squeeze %dma_start3A_149 : memref<1x10112xf32, #tpu.memory_space<hbm>> -> memref<10112xf32, #tpu.memory_space<hbm>>
      %dma_start3A_151 = arith.constant 0 : i32
      %dma_start3A_152 = tpu.memref_slice %arg5[%add3A, %dma_start3A_151] : memref<32x10112xf32, #tpu.memory_space<hbm>> -> memref<1x10112xf32, #tpu.memory_space<hbm>>
      %dma_start3A_153 = tpu.memref_squeeze %dma_start3A_152 : memref<1x10112xf32, #tpu.memory_space<hbm>> -> memref<10112xf32, #tpu.memory_space<hbm>>
      tpu.enqueue_dma source(%arg21 : memref<10112xf32, #tpu.memory_space<vmem>>) target(%dma_start3A_153 : memref<10112xf32, #tpu.memory_space<hbm>>) target_semaphore(%run_scoped3A : memref<!tpu.dma_semaphore, #tpu.memory_space<semaphore_mem>>)
      %dma_wait3A_154 = arith.constant 0 : i32
      %dma_wait3A_155 = tpu.memref_slice %arg5[%add3A, %dma_wait3A_154] : memref<32x10112xf32, #tpu.memory_space<hbm>> -> memref<1x10112xf32, #tpu.memory_space<hbm>>
      %dma_wait3A_156 = tpu.memref_squeeze %dma_wait3A_155 : memref<1x10112xf32, #tpu.memory_space<hbm>> -> memref<10112xf32, #tpu.memory_space<hbm>>
      %dma_wait3A_157 = arith.constant 0 : i32
      %dma_wait3A_158 = tpu.memref_slice %arg5[%add3A, %dma_wait3A_157] : memref<32x10112xf32, #tpu.memory_space<hbm>> -> memref<1x10112xf32, #tpu.memory_space<hbm>>
      %dma_wait3A_159 = tpu.memref_squeeze %dma_wait3A_158 : memref<1x10112xf32, #tpu.memory_space<hbm>> -> memref<10112xf32, #tpu.memory_space<hbm>>
      tpu.wait_dma2 semaphore(%run_scoped3A : memref<!tpu.dma_semaphore, #tpu.memory_space<semaphore_mem>>) src(%arg21 : memref<10112xf32, #tpu.memory_space<vmem>>) dst(%dma_wait3A_159 : memref<10112xf32, #tpu.memory_space<hbm>>)
      tpu.yield
    }) : () -> ()
    return
  }
}

module attributes {stable_mosaic.version = 14 : i64} {
  func.func @_dense_body(%arg0: i32, %arg1: memref<2x1024x128xf32, #tpu.memory_space<vmem>>, %arg2: memref<32x1024xf32, #tpu.memory_space<vmem>>, %arg3: memref<1024x128xf32, #tpu.memory_space<vmem>>, %arg4: memref<128x128xf32, #tpu.memory_space<vmem>>, %arg5: memref<128x128xf32, #tpu.memory_space<vmem>>, %arg6: memref<1x128xf32, #tpu.memory_space<vmem>>, %arg7: memref<1024x128xf32, #tpu.memory_space<vmem>>) attributes {dimension_semantics = [#tpu.dimension_semantics<arbitrary>], iteration_bounds = array<i64: 10>, scalar_prefetch = 0 : i64, scratch_operands = 0 : i64, tpu.core_type = #tpu.core_type<tc>, window_params = [{transform_indices = @transform_0, window_bounds = array<i64: 2, 1024, 128>}, {transform_indices = @transform_1, window_bounds = array<i64: 32, 1024>}, {transform_indices = @transform_2, window_bounds = array<i64: 1024, 128>}, {pipeline_mode = #tpu.pipeline_mode<synchronous>, transform_indices = @transform_3, window_bounds = array<i64: 128, 128>}, {pipeline_mode = #tpu.pipeline_mode<synchronous>, transform_indices = @transform_4, window_bounds = array<i64: 128, 128>}, {pipeline_mode = #tpu.pipeline_mode<synchronous>, transform_indices = @transform_5, window_bounds = array<i64: 1, 128>}, {transform_indices = @transform_6, window_bounds = array<i64: 1024, 128>}]} {
    %get3A = arith.constant 0 : index
    %get3A_0 = arith.constant 0 : index
    %get3A_1 = arith.constant 0 : index
    %get3A_2 = vector.load %arg1[%get3A, %get3A_0, %get3A_1] : memref<2x1024x128xf32, #tpu.memory_space<vmem>>, vector<1x1024x128xf32>
    %get3A_3 = vector.shape_cast %get3A_2 : vector<1x1024x128xf32> to vector<1024x128xf32>
    %get3A_4 = arith.constant 1 : index
    %get3A_5 = arith.constant 0 : index
    %get3A_6 = arith.constant 0 : index
    %get3A_7 = vector.load %arg1[%get3A_4, %get3A_5, %get3A_6] : memref<2x1024x128xf32, #tpu.memory_space<vmem>>, vector<1x1024x128xf32>
    %get3A_8 = vector.shape_cast %get3A_7 : vector<1x1024x128xf32> to vector<1024x128xf32>
    %add3A = arith.addf %get3A_3, %get3A_8 : vector<1024x128xf32>
    %get3A_9 = arith.constant 0 : index
    %get3A_10 = arith.constant 0 : index
    %get3A_11 = vector.load %arg2[%get3A_9, %get3A_10] : memref<32x1024xf32, #tpu.memory_space<vmem>>, vector<32x1024xf32>
    %broadcast_in_dim3A = arith.constant 1.000000e+00 : f32
    %broadcast_in_dim3A_12 = vector.broadcast %broadcast_in_dim3A : f32 to vector<32x1xf32>
    %dot_general3A = arith.constant dense<0.000000e+00> : vector<1024x1xf32>
    %dot_general3A_13 = tpu.matmul %get3A_11, %broadcast_in_dim3A_12, %dot_general3A {dimension_numbers = #tpu.dot_dimension_numbers<[0], [0], [1], [1], [0, 1, 1, 1], [], []>, transpose_lhs_hint = false} : vector<32x1024xf32>, vector<32x1xf32>, vector<1024x1xf32> -> vector<1024x1xf32>
    %max3A = arith.constant 1.000000e+00 : f32
    %max3A_14 = vector.broadcast %max3A : f32 to vector<1024x1xf32>
    %max3A_15 = arith.maximumf %dot_general3A_13, %max3A_14 : vector<1024x1xf32>
    %div3A = arith.constant 1.000000e+00 : f32
    %div3A_16 = vector.broadcast %div3A : f32 to vector<1024x1xf32>
    %div3A_17 = arith.divf %div3A_16, %max3A_15 : vector<1024x1xf32>
    %mul3A = vector.broadcast %div3A_17 : vector<1024x1xf32> to vector<1024x128xf32>
    %mul3A_18 = arith.mulf %add3A, %mul3A : vector<1024x128xf32>
    %get3A_19 = arith.constant 0 : index
    %get3A_20 = arith.constant 0 : index
    %get3A_21 = vector.load %arg4[%get3A_19, %get3A_20] : memref<128x128xf32, #tpu.memory_space<vmem>>, vector<128x128xf32>
    %dot_general3A_22 = arith.constant dense<0.000000e+00> : vector<1024x128xf32>
    %dot_general3A_23 = tpu.matmul %mul3A_18, %get3A_21, %dot_general3A_22 {dimension_numbers = #tpu.dot_dimension_numbers<[1], [1], [0], [0], [0, 0, 1, 0], [], []>, transpose_lhs_hint = false} : vector<1024x128xf32>, vector<128x128xf32>, vector<1024x128xf32> -> vector<1024x128xf32>
    %get3A_24 = arith.constant 0 : index
    %get3A_25 = arith.constant 0 : index
    %get3A_26 = vector.load %arg3[%get3A_24, %get3A_25] : memref<1024x128xf32, #tpu.memory_space<vmem>>, vector<1024x128xf32>
    %get3A_27 = arith.constant 0 : index
    %get3A_28 = arith.constant 0 : index
    %get3A_29 = vector.load %arg5[%get3A_27, %get3A_28] : memref<128x128xf32, #tpu.memory_space<vmem>>, vector<128x128xf32>
    %dot_general3A_30 = arith.constant dense<0.000000e+00> : vector<1024x128xf32>
    %dot_general3A_31 = tpu.matmul %get3A_26, %get3A_29, %dot_general3A_30 {dimension_numbers = #tpu.dot_dimension_numbers<[1], [1], [0], [0], [0, 0, 1, 0], [], []>, transpose_lhs_hint = false} : vector<1024x128xf32>, vector<128x128xf32>, vector<1024x128xf32> -> vector<1024x128xf32>
    %add3A_32 = arith.addf %dot_general3A_23, %dot_general3A_31 : vector<1024x128xf32>
    %get3A_33 = arith.constant 0 : index
    %get3A_34 = arith.constant 0 : index
    %get3A_35 = vector.load %arg6[%get3A_33, %get3A_34] : memref<1x128xf32, #tpu.memory_space<vmem>>, vector<1x128xf32>
    %add3A_36 = vector.broadcast %get3A_35 : vector<1x128xf32> to vector<1024x128xf32>
    %add3A_37 = arith.addf %add3A_32, %add3A_36 : vector<1024x128xf32>
    %max3A_38 = arith.constant 0.000000e+00 : f32
    %max3A_39 = vector.broadcast %max3A_38 : f32 to vector<1024x128xf32>
    %max3A_40 = arith.maximumf %add3A_37, %max3A_39 : vector<1024x128xf32>
    %swap3A = arith.constant 0 : index
    %swap3A_41 = arith.constant 0 : index
    %swap3A_42 = vector.load %arg7[%swap3A, %swap3A_41] : memref<1024x128xf32, #tpu.memory_space<vmem>>, vector<1024x128xf32>
    tpu.vector_store %arg7[%swap3A, %swap3A_41], %max3A_40 {strides = array<i32>} : memref<1024x128xf32, #tpu.memory_space<vmem>>, vector<1024x128xf32>,
    return
  }
  func.func @transform_0(%arg0: i32) -> (i32, i32, i32) {
    %c0_i32 = arith.constant 0 : i32
    %c0_i32_0 = arith.constant 0 : i32
    %c0_i32_1 = arith.constant 0 : i32
    return %c0_i32, %arg0, %c0_i32_0 : i32, i32, i32
  }
  func.func @transform_1(%arg0: i32) -> (i32, i32) {
    %c0_i32 = arith.constant 0 : i32
    %c0_i32_0 = arith.constant 0 : i32
    return %c0_i32, %arg0 : i32, i32
  }
  func.func @transform_2(%arg0: i32) -> (i32, i32) {
    %c0_i32 = arith.constant 0 : i32
    %c0_i32_0 = arith.constant 0 : i32
    return %arg0, %c0_i32 : i32, i32
  }
  func.func @transform_3(%arg0: i32) -> (i32, i32) {
    %c0_i32 = arith.constant 0 : i32
    %c0_i32_0 = arith.constant 0 : i32
    %c0_i32_1 = arith.constant 0 : i32
    return %c0_i32, %c0_i32_0 : i32, i32
  }
  func.func @transform_4(%arg0: i32) -> (i32, i32) {
    %c0_i32 = arith.constant 0 : i32
    %c0_i32_0 = arith.constant 0 : i32
    %c0_i32_1 = arith.constant 0 : i32
    return %c0_i32, %c0_i32_0 : i32, i32
  }
  func.func @transform_5(%arg0: i32) -> (i32, i32) {
    %c0_i32 = arith.constant 0 : i32
    %c0_i32_0 = arith.constant 0 : i32
    %c0_i32_1 = arith.constant 0 : i32
    return %c0_i32, %c0_i32_0 : i32, i32
  }
  func.func @transform_6(%arg0: i32) -> (i32, i32) {
    %c0_i32 = arith.constant 0 : i32
    %c0_i32_0 = arith.constant 0 : i32
    return %arg0, %c0_i32 : i32, i32
  }
}

module attributes {stable_mosaic.version = 14 : i64} {
  func.func @_dense_body(%arg0: i32, %arg1: memref<2x1024x128xf32, #tpu.memory_space<vmem>>, %arg2: memref<32x1024xf32, #tpu.memory_space<vmem>>, %arg3: memref<1024x128xf32, #tpu.memory_space<vmem>>, %arg4: memref<128x128xf32, #tpu.memory_space<vmem>>, %arg5: memref<128x128xf32, #tpu.memory_space<vmem>>, %arg6: memref<1x128xf32, #tpu.memory_space<vmem>>, %arg7: memref<1024x128xf32, #tpu.memory_space<vmem>>) attributes {dimension_semantics = [#tpu.dimension_semantics<arbitrary>], iteration_bounds = array<i64: 10>, scalar_prefetch = 0 : i64, scratch_operands = 0 : i64, tpu.core_type = #tpu.core_type<tc>, window_params = [{transform_indices = @transform_0, window_bounds = array<i64: 2, 1024, 128>}, {transform_indices = @transform_1, window_bounds = array<i64: 32, 1024>}, {transform_indices = @transform_2, window_bounds = array<i64: 1024, 128>}, {pipeline_mode = #tpu.pipeline_mode<synchronous>, transform_indices = @transform_3, window_bounds = array<i64: 128, 128>}, {pipeline_mode = #tpu.pipeline_mode<synchronous>, transform_indices = @transform_4, window_bounds = array<i64: 128, 128>}, {pipeline_mode = #tpu.pipeline_mode<synchronous>, transform_indices = @transform_5, window_bounds = array<i64: 1, 128>}, {transform_indices = @transform_6, window_bounds = array<i64: 1024, 128>}]} {
    %get3A = arith.constant 0 : index
    %get3A_0 = arith.constant 0 : index
    %get3A_1 = arith.constant 0 : index
    %get3A_2 = vector.load %arg1[%get3A, %get3A_0, %get3A_1] : memref<2x1024x128xf32, #tpu.memory_space<vmem>>, vector<1x1024x128xf32>
    %get3A_3 = vector.shape_cast %get3A_2 : vector<1x1024x128xf32> to vector<1024x128xf32>
    %get3A_4 = arith.constant 1 : index
    %get3A_5 = arith.constant 0 : index
    %get3A_6 = arith.constant 0 : index
    %get3A_7 = vector.load %arg1[%get3A_4, %get3A_5, %get3A_6] : memref<2x1024x128xf32, #tpu.memory_space<vmem>>, vector<1x1024x128xf32>
    %get3A_8 = vector.shape_cast %get3A_7 : vector<1x1024x128xf32> to vector<1024x128xf32>
    %add3A = arith.addf %get3A_3, %get3A_8 : vector<1024x128xf32>
    %get3A_9 = arith.constant 0 : index
    %get3A_10 = arith.constant 0 : index
    %get3A_11 = vector.load %arg2[%get3A_9, %get3A_10] : memref<32x1024xf32, #tpu.memory_space<vmem>>, vector<32x1024xf32>
    %broadcast_in_dim3A = arith.constant 1.000000e+00 : f32
    %broadcast_in_dim3A_12 = vector.broadcast %broadcast_in_dim3A : f32 to vector<32x1xf32>
    %dot_general3A = arith.constant dense<0.000000e+00> : vector<1024x1xf32>
    %dot_general3A_13 = tpu.matmul %get3A_11, %broadcast_in_dim3A_12, %dot_general3A {dimension_numbers = #tpu.dot_dimension_numbers<[0], [0], [1], [1], [0, 1, 1, 1], [], []>, transpose_lhs_hint = false} : vector<32x1024xf32>, vector<32x1xf32>, vector<1024x1xf32> -> vector<1024x1xf32>
    %max3A = arith.constant 1.000000e+00 : f32
    %max3A_14 = vector.broadcast %max3A : f32 to vector<1024x1xf32>
    %max3A_15 = arith.maximumf %dot_general3A_13, %max3A_14 : vector<1024x1xf32>
    %div3A = arith.constant 1.000000e+00 : f32
    %div3A_16 = vector.broadcast %div3A : f32 to vector<1024x1xf32>
    %div3A_17 = arith.divf %div3A_16, %max3A_15 : vector<1024x1xf32>
    %mul3A = vector.broadcast %div3A_17 : vector<1024x1xf32> to vector<1024x128xf32>
    %mul3A_18 = arith.mulf %add3A, %mul3A : vector<1024x128xf32>
    %get3A_19 = arith.constant 0 : index
    %get3A_20 = arith.constant 0 : index
    %get3A_21 = vector.load %arg4[%get3A_19, %get3A_20] : memref<128x128xf32, #tpu.memory_space<vmem>>, vector<128x128xf32>
    %dot_general3A_22 = arith.constant dense<0.000000e+00> : vector<1024x128xf32>
    %dot_general3A_23 = tpu.matmul %mul3A_18, %get3A_21, %dot_general3A_22 {dimension_numbers = #tpu.dot_dimension_numbers<[1], [1], [0], [0], [0, 0, 1, 0], [], []>, transpose_lhs_hint = false} : vector<1024x128xf32>, vector<128x128xf32>, vector<1024x128xf32> -> vector<1024x128xf32>
    %get3A_24 = arith.constant 0 : index
    %get3A_25 = arith.constant 0 : index
    %get3A_26 = vector.load %arg3[%get3A_24, %get3A_25] : memref<1024x128xf32, #tpu.memory_space<vmem>>, vector<1024x128xf32>
    %get3A_27 = arith.constant 0 : index
    %get3A_28 = arith.constant 0 : index
    %get3A_29 = vector.load %arg5[%get3A_27, %get3A_28] : memref<128x128xf32, #tpu.memory_space<vmem>>, vector<128x128xf32>
    %dot_general3A_30 = arith.constant dense<0.000000e+00> : vector<1024x128xf32>
    %dot_general3A_31 = tpu.matmul %get3A_26, %get3A_29, %dot_general3A_30 {dimension_numbers = #tpu.dot_dimension_numbers<[1], [1], [0], [0], [0, 0, 1, 0], [], []>, transpose_lhs_hint = false} : vector<1024x128xf32>, vector<128x128xf32>, vector<1024x128xf32> -> vector<1024x128xf32>
    %add3A_32 = arith.addf %dot_general3A_23, %dot_general3A_31 : vector<1024x128xf32>
    %get3A_33 = arith.constant 0 : index
    %get3A_34 = arith.constant 0 : index
    %get3A_35 = vector.load %arg6[%get3A_33, %get3A_34] : memref<1x128xf32, #tpu.memory_space<vmem>>, vector<1x128xf32>
    %add3A_36 = vector.broadcast %get3A_35 : vector<1x128xf32> to vector<1024x128xf32>
    %add3A_37 = arith.addf %add3A_32, %add3A_36 : vector<1024x128xf32>
    %swap3A = arith.constant 0 : index
    %swap3A_38 = arith.constant 0 : index
    %swap3A_39 = vector.load %arg7[%swap3A, %swap3A_38] : memref<1024x128xf32, #tpu.memory_space<vmem>>, vector<1024x128xf32>
    tpu.vector_store %arg7[%swap3A, %swap3A_38], %add3A_37 {strides = array<i32>} : memref<1024x128xf32, #tpu.memory_space<vmem>>, vector<1024x128xf32>,
    return
  }
  func.func @transform_0(%arg0: i32) -> (i32, i32, i32) {
    %c0_i32 = arith.constant 0 : i32
    %c0_i32_0 = arith.constant 0 : i32
    %c0_i32_1 = arith.constant 0 : i32
    return %c0_i32, %arg0, %c0_i32_0 : i32, i32, i32
  }
  func.func @transform_1(%arg0: i32) -> (i32, i32) {
    %c0_i32 = arith.constant 0 : i32
    %c0_i32_0 = arith.constant 0 : i32
    return %c0_i32, %arg0 : i32, i32
  }
  func.func @transform_2(%arg0: i32) -> (i32, i32) {
    %c0_i32 = arith.constant 0 : i32
    %c0_i32_0 = arith.constant 0 : i32
    return %arg0, %c0_i32 : i32, i32
  }
  func.func @transform_3(%arg0: i32) -> (i32, i32) {
    %c0_i32 = arith.constant 0 : i32
    %c0_i32_0 = arith.constant 0 : i32
    %c0_i32_1 = arith.constant 0 : i32
    return %c0_i32, %c0_i32_0 : i32, i32
  }
  func.func @transform_4(%arg0: i32) -> (i32, i32) {
    %c0_i32 = arith.constant 0 : i32
    %c0_i32_0 = arith.constant 0 : i32
    %c0_i32_1 = arith.constant 0 : i32
    return %c0_i32, %c0_i32_0 : i32, i32
  }
  func.func @transform_5(%arg0: i32) -> (i32, i32) {
    %c0_i32 = arith.constant 0 : i32
    %c0_i32_0 = arith.constant 0 : i32
    %c0_i32_1 = arith.constant 0 : i32
    return %c0_i32, %c0_i32_0 : i32, i32
  }
  func.func @transform_6(%arg0: i32) -> (i32, i32) {
    %c0_i32 = arith.constant 0 : i32
    %c0_i32_0 = arith.constant 0 : i32
    return %arg0, %c0_i32 : i32, i32
  }
}

</mosaic_0001>

<sc_bundles>
// kernel: kernel.6.cloned.1.call-start
scs
__scs_entry_jumppad:
0x0: {  	(pc) =	sbr.rel $0x88, $3  }
0x1: {  	(tag) =	ssettag $0x0;
	lr =	simm.s32 $0x1  }
0x2: {  	[smem:$0x3F99] =	sst lr;
	_ =	strace $0xD0000000  }
0x3: {  	_ = 	snop  }
0x4: {  	_ = 	snop  }
0x5: {  	_ = 	snop  }
0x6: {  	_ = 	snop  }
0x7: {  	_ = 	snop  }
__scs_overlays_trampoline_lowered:
0x8: {  	[smem:$0x3FA8] =	sst s0  }
0x9: {  	[smem:$0x3FA9] =	sst s1  }
0xa: {  	[smem:$0x3FAA] =	sst s2  }
0xb: {  	[smem:$0x3FAB] =	sst s3  }
0xc: {  	[smem:$0x3FAC] =	sst s4  }
0xd: {  	[smem:$0x3FAD] =	sst s5  }
0xe: {  	[smem:$0x3FAE] =	sst s6  }
0xf: {  	[smem:$0x3FAF] =	sst s7  }
0x10: {  	[smem:$0x3FB0] =	sst s8  }
0x11: {  	[smem:$0x3FB1] =	sst s9;
	s0 =	simm.s32 @!p0 $0x0  }
0x12: {  	s1 =	sld [smem:$0x3F97];
	s0 =	simm.s32 @p0 $0x1  }
0x13: {  	[smem:$0x3FB2] =	sst s0;
	s0 =	simm.s32 @!p1 $0x0  }
0x14: {  	s2 =	sld [smem:$0x3F96];
	s0 =	simm.s32 @p1 $0x1  }
0x15: {  	[smem:$0x3FB3] =	sst s0;
	s0 =	simm.s32 @!p2 $0x0  }
0x16: {  	s3 =	sld [smem:$0x3FDB];
	s0 =	simm.s32 @p2 $0x1  }
0x17: {  	s4 =	simm.s32 $0x1BF5;
	[smem:$0x3FB5] =	sst s0  }
0x18: {  	s0 =	sld [smem:$0x3F98];
	_ =	swait.ge [sflag:s4], $0x0  }
0x19: {  	s7 =	sld [smem:$0x3F99]  }
0x1a: {  	s8 =	sadd.s32 $0xFFFFE003, lr  }
0x1b: {  	s9 =	sadd.s32 $0xFFFFFEF7, lr;
	s5 =	simm.s32 $0xFFFFFFFF;
	p2 =	slt.u32 s8, $0xFFFFF086  }
0x1c: {  	p1 =	slt.u32 s9, $0xF7A;
	s5 =	simm.s32 @!p2 $0x0  }
0x1d: {  	s5 =	simm.s32 @p1 $0x1;
	p0 =	seq.s32 s7, s2  }
0x1e: {  	s7 =	smul.u32 @!p0 $0xF7A, s2;
	p2 =	seq.s32 @!p0 s5, $0x0  }
0x1f: {  	s9 =	smul.u32 $0xF7A, s1;
	s8 =	simm.s32 @!p0 $0x1BF5;
	p2 =	por !p2, p0  }
0x20: {  	[sflag:s8] =	ssyncset.s32 @!p0 $0xFFFFF086;
	s6 =	sadd.s32 @!p0 s3, s7;
	s7 =	simm.s32 @!p0 $0x108  }
0x21: {  	s3 =	sadd.s32 s3, s9;
	s6 =	sadd.s32 @!p0 $0x88, s6;
	s7 =	simm.s32 @p2 $0x1082  }
0x22: {  	[simem:s7], [sflag:s8] =	dma.local @!p0 [hbm:s6], $0xF7A  }
0x23: {  	s9 =	sor.u32 $0xD0000000, s2;
	s6 =	simm.s32 $0x108;
	_ =	swait.ge @!p0 [sflag:s8], $0x0  }
0x24: {  	s3 =	sadd.s32 $0x88, s3;
	s6 =	simm.s32 @!p1 $0x1082;
	[sflag:s4] =	ssyncset.s32 $0xFFFFF086  }
0x25: {  	[simem:s6], [sflag:s4] =	dma.local [hbm:s3], $0xF7A  }
0x26: {  	[smem:$0x3F99] =	sst s1;
	(tag) =	ssettag s2;
	_ =	strace s9  }
0x27: {  	s1 =	sld [smem:$0x3FA9]  }
0x28: {  	s2 =	sld [smem:$0x3FAA]  }
0x29: {  	s4 =	sld [smem:$0x3FAC]  }
0x2a: {  	p0 =	seq.s32 s5, $0x0;
	s5 =	sld [smem:$0x3FAD]  }
0x2b: {  	s6 =	sld [smem:$0x3FAE]  }
0x2c: {  	s7 =	sld [smem:$0x3FAF]  }
0x2d: {  	s3 =	simm.s32 $0x108;
	s8 =	sld [smem:$0x3FB0]  }
0x2e: {  	s3 =	simm.s32 @!p0 $0x1082;
	s9 =	sld [smem:$0x3FB1]  }
0x2f: {  	lr =	sadd.s32 s0, s3;
	s0 =	sld [smem:$0x3FA8]  }
0x30: {  	s3 =	sld [smem:$0x3FAB]  }
0x31: {  	[smem:$0x3FB4] =	sst s10  }
0x32: {  	s10 =	sld [smem:$0x3FB2];
	_ =	sdelay $0x3  }
0x33: {  	p0 =	seq.s32 s10, $0x1;
	s10 =	sld [smem:$0x3FB4];
	_ =	sdelay $0x3  }
0x34: {  	[smem:$0x3FB4] =	sst s10  }
0x35: {  	s10 =	sld [smem:$0x3FB3];
	_ =	sdelay $0x3  }
0x36: {  	p1 =	seq.s32 s10, $0x1;
	s10 =	sld [smem:$0x3FB4];
	_ =	sdelay $0x3  }
0x37: {  	[smem:$0x3FB4] =	sst s10  }
0x38: {  	s10 =	sld [smem:$0x3FB5]  }
0x39: {  	_ = 	snop;
	(pc) =	sbr.ind lr, $3  }
0x3a: {  	_ = 	snop  }
0x3b: {  	_ = 	snop  }
0x3c: {  	p2 =	seq.s32 s10, $0x1;
	s10 =	sld [smem:$0x3FB4]  }
0x3d: {  	_ =	shalt  }
0x3e: {  	_ =	shalt  }
0x3f: {  	_ =	shalt  }
0x40: {  	_ =	shalt  }
0x41: {  	_ =	shalt  }
0x42: {  	_ =	shalt  }
0x43: {  	_ =	shalt  }
0x44: {  	_ =	shalt  }
0x45: {  	_ =	shalt  }
0x46: {  	_ =	shalt  }
0x47: {  	_ =	shalt  }
0x48: {  	_ =	shalt  }
0x49: {  	_ =	shalt  }
0x4a: {  	_ =	shalt  }
0x4b: {  	_ =	shalt  }
0x4c: {  	_ =	shalt  }
0x4d: {  	_ =	shalt  }
0x4e: {  	_ =	shalt  }
0x4f: {  	_ =	shalt  }
0x50: {  	_ =	shalt  }
0x51: {  	_ =	shalt  }
0x52: {  	_ =	shalt  }
0x53: {  	_ =	shalt  }
0x54: {  	_ =	shalt  }
0x55: {  	_ =	shalt  }
0x56: {  	_ =	shalt  }
0x57: {  	_ =	shalt  }
0x58: {  	_ =	shalt  }
0x59: {  	_ =	shalt  }
0x5a: {  	_ =	shalt  }
0x5b: {  	_ =	shalt  }
0x5c: {  	_ =	shalt  }
0x5d: {  	_ =	shalt  }
0x5e: {  	_ =	shalt  }
0x5f: {  	_ =	shalt  }
0x60: {  	_ =	shalt  }
0x61: {  	_ =	shalt  }
0x62: {  	_ =	shalt  }
0x63: {  	_ =	shalt  }
0x64: {  	_ =	shalt  }
0x65: {  	_ =	shalt  }
0x66: {  	_ =	shalt  }
0x67: {  	_ =	shalt  }
0x68: {  	_ =	shalt  }
0x69: {  	_ =	shalt  }
0x6a: {  	_ =	shalt  }
0x6b: {  	_ =	shalt  }
0x6c: {  	_ =	shalt  }
0x6d: {  	_ =	shalt  }
0x6e: {  	_ =	shalt  }
0x6f: {  	_ =	shalt  }
0x70: {  	_ =	shalt  }
0x71: {  	_ =	shalt  }
0x72: {  	_ =	shalt  }
0x73: {  	_ =	shalt  }
0x74: {  	_ =	shalt  }
0x75: {  	_ =	shalt  }
0x76: {  	_ =	shalt  }
0x77: {  	_ =	shalt  }
0x78: {  	_ =	shalt  }
0x79: {  	_ =	shalt  }
0x7a: {  	_ =	shalt  }
0x7b: {  	_ =	shalt  }
0x7c: {  	_ =	shalt  }
0x7d: {  	_ =	shalt  }
0x7e: {  	_ =	shalt  }
0x7f: {  	_ =	shalt  }
0x80: {  	_ =	shalt  }
0x81: {  	_ =	shalt  }
0x82: {  	_ =	shalt  }
0x83: {  	_ =	shalt  }
0x84: {  	_ =	shalt  }
0x85: {  	_ =	shalt  }
0x86: {  	_ =	shalt  }
0x87: {  	_ =	shalt  }
.Lfunc_end0:
.L_simem_size_0:
called_computation_lowered:
.L_overlay_start_0:
0x88: {  	s2 =	sld [smem:$0x3FD9]  }
0x89: {  	s3 =	sld [smem:$0x3FFE];
	_ =	sdelay $0x1  }
0x8a: {  	s1 =	srdreg.scid  }
0x8b: {  	s0 =	sand.u32 $0x1, s1  }
0x8c: {  	s17 =	sshll.u32 s0, $0xA;
	s2 =	sadd.s32 s3, s2  }
0x8d: {  	s2 =	sadd.s32 s2, s17  }
0x8e: {  	[smem:$0x3FC0] =	sst s2  }
0x8f: {  	_ = 	snop  }
0x90: {  	s2 =	sld [smem:$0x3FC9];
	(tm) =	ssettm $0x1  }
0x91: {  	s18 =	sld [smem:$0x3FFB];
	_ =	sdelay $0x3  }
0x92: {  	_ =	strace s18  }
0x93: {  	s3 =	sld [smem:$0x3FFC];
	_ =	sdelay $0x3  }
0x94: {  	_ =	strace s3  }
0x95: {  	s3 =	sld [smem:$0x3FFD];
	_ =	sdelay $0x3  }
0x96: {  	_ =	strace s3  }
0x97: {  	_ =	strace $0x8FFFFFFF  }
0x98: {  	s19 =	sld [smem:$0x3FDB];
	_ =	sdelay $0x1  }
0x99: {  	s4 =	simm.s32 $_scs_section_size  }
0x9a: {  	s5 =	simm.s32 $_size__tile_overlayer_lowered;
	s6 =	simm.s32 $_tile_overlayer_lowered  }
0x9b: {  	s22 =	simm.s32 $0x1BFF;
	s21 =	sshll.u32 s6, $0x1;
	s3 =	sadd.s32 s4, s19  }
0x9c: {  	s7 =	simm.s32 $0x0;
	s20 =	sshll.u32 s5, $0x1;
	s5 =	sadd.s32 s21, s3  }
0x9d: {  	[timem:s7], [sflag:s22] =	dma.local [hbm:s5], s20  }
0x9e: {  	_ =	swait.ge [sflag:s22], s20  }
0x9f: {  	s4 =	ssub.s32 $0x0, s20;
	[sflag:s22] =	ssyncset.done $0x0  }
0xa0: {  	[sflag:s22] =	ssyncadd.s32 s4;
	_ =	sdelay $0x1  }
0xa1: {  	s23 =	simm.s32 $0x1B8B  }
0xa2: {  	_ =	swait.ge [sflag:s23], $0x1  }
0xa3: {  	[sflag:s23] =	ssyncset.done $0x0  }
0xa4: {  	s25 =	simm.s32 $0x1B8E;
	s24 =	sld [smem:$0x3FFE];
	[sflag:s23] =	ssyncadd.s32 $0xFFFFFFFF  }
0xa5: {  	s26 =	simm.s32 $execute0_lowered;
	[smem:$0x3FD2] =	sst s25  }
0xa6: {  	s5 =	sshll.u32 s26, $0x1;
	_ =	strace $0x80000046;
	[dreg:$0x1] =	wrdreg $0xFFFFFFFF  }
0xa7: {  	s28 =	simm.s32 $_size_execute0_lowered;
	s3 =	sadd.s32 s3, s5;
	[dreg:$0x0] =	wrdreg $0x0  }
0xa8: {  	s5 =	sshll.u32 s28, $0x1;
	[dreg:$0x2] =	wrdreg s3  }
0xa9: {  	[dreg:$0x3] =	wrdreg s5  }
0xaa: {  	[dreg:$0x4] =	wrdreg $0xC0  }
0xab: {  	_ =	task [dreg:s7], $0x5FFFF  }
0xac: {  	[dreg:$0x1] =	wrdreg $0xFFFFFFFF  }
0xad: {  	[dreg:$0x0] =	wrdreg $0x60  }
0xae: {  	[dreg:$0x2] =	wrdreg s2  }
0xaf: {  	[dreg:$0x3] =	wrdreg s24  }
0xb0: {  	[dreg:$0x4] =	wrdreg $0x7E000  }
0xb1: {  	[dreg:$0x5] =	wrdreg $0x9  }
0xb2: {  	_ =	task.clear_ibuf [dreg:s7], $0x6FFFF;
	_ =	strace $0x90000046  }
0xb3: {  	s29 =	simm.s32 $0x9;
	_ =	strace $0x80000048  }
0xb4: {  	_ =	swait.ge [sflag:s29], $0x1  }
0xb5: {  	[sflag:s29] =	ssyncadd.s32 $0xFFFFFFFF  }
0xb6: {  	_ =	strace $0x90000048  }
0xb7: {  	_ =	sfence  }
0xb8: {  	s30 =	sld [smem:$0x0];
	_ =	sdelay $0x2  }
0xb9: {  	s31 =	sshll.u32 s1, $0xD;
	s1 =	sshrl.u32 s1, $0x2  }
0xba: {  	s3 =	sand.u32 $0x4000, s31;
	s1 =	sadd.s32 s1, s30  }
0xbb: {  	s0 =	sor.u32 s3, s0;
	s1 =	sshll.u32 s1, $0x11  }
0xbc: {  	s0 =	sor.u32 s1, s0  }
0xbd: {  	s0 =	sadd.s32 $0x8F2B, s0  }
0xbe: {  	[sflag:s0] =	ssyncadd.remote.s32 $0x1  }
0xbf: {  	_ =	sfence.sel $0xFFFF  }
0xc0: {  	[dreg:$0x0] =	wrdreg $0xFFFFFFFF;
	(pc) =	sbr.abs _section_cstart, $3  }
0xc1: {  	[dreg:$0x1] =	wrdreg $0xFFFFFFFF  }
0xc2: {  	_ =	task.clear_ibuf [dreg:s7], $0x2FFFF;
	_ =	strace $0x9FFFFFFF  }
0xc3: {  	(tm) =	ssettm $0x7FFFFFFF  }
tec
execute0_lowered:
.L_overlay_start_1:
0x0: {  	(tag) =	ssettag $0x1  }
0x1: {  	s0 =	rddreg [dreg:$0x0];
	s1 =	srdreg.scid  }
0x2: {  	s2 =	rddreg [dreg:$0x1];
	s11 =	stileid.u32  }
0x3: {  	s3 =	rddreg [dreg:$0x2];
	s28 =	simm.s32 $0x80;
	s6 =	smul.u32 $0x13C00, s11  }
0x4: {  	s29 =	simm.s32 $0x5600;
	s30 =	simm.s32 $0x200;
	s14 =	smul.u32 $0x4F000, s11  }
0x5: {  	s1 =	sand.u32 $0x1, s1;
	s9 =	sshll.u32 s11, $0x7;
	s20 =	smul.u32 $0x8200, s11  }
0x6: {  	s4 =	sshll.u32 s1, $0x4;
	s5 =	smul.u32 $0x13C000, s1;
	s12 =	sand.u32 $0x380, s9  }
0x7: {  	s10 =	ssub.s32 $0x2, s1;
	s1 =	smul.u32 $0x82000, s1;
	s7 =	sor.u32 s11, s4  }
0x8: {  	s4 =	simm.s32 $0x0;
	s15 =	sshrl.u32 s14, $0x2;
	s8 =	sshrl.u32 s7, $0x3  }
0x9: {  	[smem:$0x7FF] =	sst s4;
	s5 =	sadd.s32 s6, s5;
	s7 =	smul.u32 $0x8200, s7  }
0xa: {  	s1 =	sadd.s32 s20, s1;
	s8 =	smul.u32 $0x13C00, s8;
	_ =	strace $0x80000047  }
0xb: {  	s13 =	sshrl.u32 s5, $0x3;
	s5 =	sadd.s32 $0x2600, s2;
	s26 =	sadd.s32 $0x800, s1  }
0xc: {  	s9 =	sadd.s32 s13, s2;
	s7 =	sshrl.u32 s7, $0x3;
	s6 =	sor.u32 s12, s8  }
0xd: {  	s13 =	sadd.s32 s5, s7;
	s7 =	sshrl.u32 s26, $0x3;
	s9 =	sadd.s32 $0x22E00, s9  }
0xe: {  	s12 =	sadd.s32 $0x700, s1;
	s26 =	simm.s32 $0x480;
	[dreg:$0x16] =	wrdreg s9  }
0xf: {  	s6 =	sshrl.u32 s6, $0x3;
	s25 =	sadd.s32 $0x20, s13;
	[dreg:$0xc] =	wrdreg s26  }
0x10: {  	s11 =	sadd.s32 $0x40, s13;
	s7 =	sadd.s32 s7, s5;
	[dreg:$0x14] =	wrdreg s25  }
0x11: {  	s14 =	sshrl.u32 s12, $0x3;
	s2 =	sadd.s32 s6, s2;
	[dreg:$0x15] =	wrdreg s11  }
0x12: {  	s6 =	sadd.s32 s15, s3;
	[dreg:$0x4] =	wrdreg s7;
	s15 =	sadd.s32 s14, s5  }
0x13: {  	s31 =	simm.s32 $0x5;
	s25 =	simm.s32 $0x380;
	[dreg:$0x5] =	wrdreg s15  }
0x14: {  	s16 =	sshrl.u32 s10, $0x1;
	s17 =	sadd.s32 $0x2800, s6;
	[dreg:$0xb] =	wrdreg s25  }
0x15: {  	s8 =	ssub.s32 s10, s16;
	s18 =	sadd.s32 $0x5000, s6;
	[dreg:$0xd] =	wrdreg s17  }
0x16: {  	s16 =	sadd.s32 $0x500, s1;
	s19 =	sadd.s32 $0x7800, s6;
	[dreg:$0xe] =	wrdreg s18  }
0x17: {  	s10 =	simm.s32 $0x3;
	s21 =	sadd.s32 $0xA000, s6;
	[dreg:$0xf] =	wrdreg s19  }
0x18: {  	s26 =	simm.s32 $0x2E00;
	s22 =	sadd.s32 $0xC800, s6;
	[dreg:$0x10] =	wrdreg s21  }
0x19: {  	s12 =	simm.s32 $0x580;
	s23 =	sadd.s32 $0xF000, s6;
	[dreg:$0x11] =	wrdreg s22  }
0x1a: {  	s11 =	simm.s32 $0x500;
	s24 =	sadd.s32 $0x11800, s6;
	[dreg:$0x12] =	wrdreg s23  }
0x1b: {  	s14 =	simm.s32 $0x0;
	s25 =	simm.s32 $0x100;
	[dreg:$0x13] =	wrdreg s24  }
0x1c: {  	s17 =	sshrl.u32 s16, $0x3;
	s18 =	sadd.s32 $0x400, s1;
	s19 =	sadd.s32 $0x300, s1  }
0x1d: {  	s23 =	simm.s32 $0x180;
	s16 =	sadd.s32 $0x600, s1;
	s24 =	simm.s32 $0x280  }
0x1e: {  	s1 =	simm.s32 $0x1;
	s7 =	sadd.s32 s17, s5;
	s9 =	sshrl.u32 s18, $0x3  }
0x1f: {  	s21 =	sshrl.u32 s19, $0x3;
	s18 =	sadd.s32 $0x71E00, s2;
	[dreg:$0x9] =	wrdreg s23  }
0x20: {  	s19 =	smax.u32 s8, $0x1;
	[dreg:$0xa] =	wrdreg s24;
	s23 =	simm.s32 $0x4  }
0x21: {  	s24 =	simm.s32 $0x50;
	s2 =	simm.s32 $0x1BA00;
	s8 =	simm.s32 $0x2  }
0x22: {  	[dreg:$0x6] =	wrdreg s7;
	s20 =	sadd.s32 s9, s5;
	s22 =	sadd.s32 s21, s5  }
0x23: {  	s21 =	simm.s32 $0x600;
	s7 =	simm.s32 $0x300;
	[dreg:$0x7] =	wrdreg s20  }
0x24: {  	v0 =	vimm.f32 $0.0e+00;
	v1 =	vimm.f32 $1.000000000e+00;
	s9 =	simm.s32 $0x400;
	[dreg:$0x8] =	wrdreg s22;
	s22 =	simm.s32 $0x6  }
.LBB2_1:
0x25: {  	s15 =	simm.s32 $0x0;
	s20 =	simm.s32 $0x200  }
.LBB2_2:
0x26: {  	p0 =	sne.s32 s20, $0x9E00;
	[tilespmem:s15+$0x670] =	vst v0  }
0x27: {  	[tilespmem:s15+$0x600] =	vst v0  }
0x28: {  	[tilespmem:s15+$0x610] =	vst v0  }
.Ltmp0:
0x29: {  	[tilespmem:s15+$0x620] =	vst v0;
	(pc) =	sbr.rel @p0 .LBB2_2-.Ltmp0, $4  }
0x2a: {  	[tilespmem:s15+$0x630] =	vst v0  }
0x2b: {  	[tilespmem:s15+$0x640] =	vst v0  }
0x2c: {  	[tilespmem:s15+$0x650] =	vst v0  }
0x2d: {  	[tilespmem:s15+$0x660] =	vst v0;
	s15 =	sshra.s32 s20, $0x2;
	s20 =	sadd.s32 $0x200, s20  }
0x2e: {  	[tilespmem:s15+$0x670] =	vst v0  }
0x2f: {  	[tilespmem:s15+$0x600] =	vst v0  }
0x30: {  	[tilespmem:s15+$0x610] =	vst v0  }
0x31: {  	[tilespmem:s15+$0x620] =	vst v0  }
0x32: {  	[tilespmem:s15+$0x630] =	vst v0  }
0x33: {  	[tilespmem:s15+$0x640] =	vst v0  }
0x34: {  	[tilespmem:s15+$0x650] =	vst v0  }
0x35: {  	[tilespmem:s15+$0x660] =	vst v0  }
0x36: {  	[spmem:s6] =	stream.linear.scatter [tilespmem:s21], [sflag:$0x6], $0x2800, $0x38;
	[tilespmem:$0x1E180] =	vst v63  }
0x37: {  	_ =	swait.ge [sflag:s22], $0x2800  }
0x38: {  	[sflag:s22] =	ssyncset.done $0x0  }
0x39: {  	s20 =	rddreg [dreg:$0xd];
	[sflag:s22] =	ssyncadd.s32 $0xFFFFD800  }
0x3a: {  	[spmem:s20] =	stream.linear.scatter [tilespmem:s21], [sflag:$0x6], $0x2800, $0x38;
	[tilespmem:$0x1E180] =	vst v63  }
0x3b: {  	_ =	swait.ge [sflag:s22], $0x2800  }
0x3c: {  	[sflag:s22] =	ssyncset.done $0x0  }
0x3d: {  	s17 =	rddreg [dreg:$0xe];
	[sflag:s22] =	ssyncadd.s32 $0xFFFFD800  }
0x3e: {  	[spmem:s17] =	stream.linear.scatter [tilespmem:s21], [sflag:$0x6], $0x2800, $0x38;
	[tilespmem:$0x1E180] =	vst v63  }
0x3f: {  	_ =	swait.ge [sflag:s22], $0x2800  }
0x40: {  	[sflag:s22] =	ssyncset.done $0x0  }
0x41: {  	s20 =	rddreg [dreg:$0xf];
	[sflag:s22] =	ssyncadd.s32 $0xFFFFD800  }
0x42: {  	[spmem:s20] =	stream.linear.scatter [tilespmem:s21], [sflag:$0x6], $0x2800, $0x38;
	[tilespmem:$0x1E180] =	vst v63  }
0x43: {  	_ =	swait.ge [sflag:s22], $0x2800  }
0x44: {  	[sflag:s22] =	ssyncset.done $0x0  }
0x45: {  	s17 =	rddreg [dreg:$0x10];
	[sflag:s22] =	ssyncadd.s32 $0xFFFFD800  }
0x46: {  	[spmem:s17] =	stream.linear.scatter [tilespmem:s21], [sflag:$0x6], $0x2800, $0x38;
	[tilespmem:$0x1E180] =	vst v63  }
0x47: {  	_ =	swait.ge [sflag:s22], $0x2800  }
0x48: {  	[sflag:s22] =	ssyncset.done $0x0  }
0x49: {  	s20 =	rddreg [dreg:$0x11];
	[sflag:s22] =	ssyncadd.s32 $0xFFFFD800  }
0x4a: {  	[spmem:s20] =	stream.linear.scatter [tilespmem:s21], [sflag:$0x6], $0x2800, $0x38;
	[tilespmem:$0x1E180] =	vst v63  }
0x4b: {  	_ =	swait.ge [sflag:s22], $0x2800  }
0x4c: {  	[sflag:s22] =	ssyncset.done $0x0  }
0x4d: {  	s17 =	rddreg [dreg:$0x12];
	[sflag:s22] =	ssyncadd.s32 $0xFFFFD800  }
0x4e: {  	[spmem:s17] =	stream.linear.scatter [tilespmem:s21], [sflag:$0x6], $0x2800, $0x38;
	[tilespmem:$0x1E180] =	vst v63  }
0x4f: {  	_ =	swait.ge [sflag:s22], $0x2800  }
0x50: {  	[sflag:s22] =	ssyncset.done $0x0  }
0x51: {  	s20 =	rddreg [dreg:$0x13];
	[sflag:s22] =	ssyncadd.s32 $0xFFFFD800  }
0x52: {  	[spmem:s20] =	stream.linear.scatter [tilespmem:s21], [sflag:$0x6], $0x2400, $0x38;
	[tilespmem:$0x1E180] =	vst v63  }
0x53: {  	_ =	swait.ge [sflag:s22], $0x2400  }
0x54: {  	[sflag:s22] =	ssyncset.done $0x0  }
0x55: {  	s15 =	simm.s32 $0x0;
	s20 =	simm.s32 $0x200;
	[sflag:s22] =	ssyncadd.s32 $0xFFFFDC00  }
.LBB2_4:
0x56: {  	p0 =	sne.s32 s20, $0x9E00;
	[tilespmem:s15+$0x5670] =	vst v0  }
0x57: {  	[tilespmem:s15+$0x5600] =	vst v0  }
0x58: {  	[tilespmem:s15+$0x5610] =	vst v0  }
.Ltmp1:
0x59: {  	[tilespmem:s15+$0x5620] =	vst v0;
	(pc) =	sbr.rel @p0 .LBB2_4-.Ltmp1, $4  }
0x5a: {  	[tilespmem:s15+$0x5630] =	vst v0  }
0x5b: {  	[tilespmem:s15+$0x5640] =	vst v0  }
0x5c: {  	[tilespmem:s15+$0x5650] =	vst v0  }
0x5d: {  	[tilespmem:s15+$0x5660] =	vst v0;
	s15 =	sshra.s32 s20, $0x2;
	s20 =	sadd.s32 $0x200, s20  }
0x5e: {  	[tilespmem:s15+$0x5670] =	vst v0  }
0x5f: {  	[tilespmem:s15+$0x5600] =	vst v0  }
0x60: {  	[tilespmem:s15+$0x5610] =	vst v0  }
0x61: {  	[tilespmem:s15+$0x5620] =	vst v0  }
0x62: {  	[tilespmem:s15+$0x5630] =	vst v0  }
0x63: {  	[tilespmem:s15+$0x5640] =	vst v0  }
0x64: {  	[tilespmem:s15+$0x5650] =	vst v0  }
0x65: {  	[tilespmem:s15+$0x5660] =	vst v0;
	s15 =	simm.s32 $0x40;
	s20 =	simm.s32 $0x0  }
.LBB2_6:
0x66: {  	p0 =	sne.s32 s15, $0x9DC0;
	[tilespmem:s20+$0x1BA00] =	vst v0;
	s20 =	smov.u32 s15;
	s15 =	sadd.s32 $0x40, s15  }
.Ltmp2:
0x67: {  	(pc) =	sbr.rel @p0 .LBB2_6-.Ltmp2, $2  }
0x68: {  	_ =	sdelay $0x2  }
0x69: {  	s20 =	sshra.s32 s20, $0x2  }
0x6a: {  	[tilespmem:s20+$0x1BA00] =	vst v0  }
0x6b: {  	s15 =	simm.s32 $0x0;
	[bflag:$0x0] =	sbarrier.arrive $0xFFFF  }
0x6c: {  	[tilespmem:s15], [sflag:$0x4] =	stream.linear.gather [hbm4b:s13+s15], $0x100, $0x38;
	[tilespmem:$0x1E180] =	vst v63  }
0x6d: {  	_ =	swait.ge [sflag:s23], $0x100  }
0x6e: {  	[sflag:s23] =	ssyncset.done $0x0  }
0x6f: {  	[sflag:s23] =	ssyncadd.s32 $0xFFFFFF00  }
0x70: {  	[tilespmem:s21], [sflag:$0x1] =	stream.indirect.gather [hbm4b:s0+s24], $0x80, s15, s24, $0xb8;
	[tilespmem:$0x1E180] =	vst v63  }
0x71: {  	s17 =	rddreg [dreg:$0x14]  }
0x72: {  	[tilespmem:s25], [sflag:$0x4] =	stream.linear.gather [hbm4b:s17+s15], $0x100, $0x38;
	[tilespmem:$0x1E180] =	vst v63  }
0x73: {  	_ =	swait.ge [sflag:s23], $0x100  }
0x74: {  	[sflag:s23] =	ssyncset.done $0x0  }
0x75: {  	[sflag:s23] =	ssyncadd.s32 $0xFFFFFF00  }
0x76: {  	[tilespmem:s26], [sflag:$0x2] =	stream.indirect.gather [hbm4b:s0+s24], $0x80, s25, s24, $0xb8;
	[tilespmem:$0x1E180] =	vst v63  }
0x77: {  	_ = 	snop  }
0x78: {  	[spmem:s3] =	stream.indirect.scatter.add.f32 [tilespmem:s29], [sflag:$0x5], $0x80, s28, s24, $0xb8;
	[tilespmem:$0x1E180] =	vst v63  }
0x79: {  	s20 =	rddreg [dreg:$0x15]  }
0x7a: {  	[tilespmem:s30], [sflag:$0x4] =	stream.linear.gather [hbm4b:s20+s15], $0x100, $0x38;
	[tilespmem:$0x1E180] =	vst v63  }
0x7b: {  	s20 =	smov.u32 s16  }
.LBB2_8:
0x7c: {  	_ =	swait.ge [sflag:s23], $0x100  }
0x7d: {  	[sflag:s23] =	ssyncset.done $0x0  }
0x7e: {  	[sflag:s23] =	ssyncadd.s32 $0xFFFFFF00  }
0x7f: {  	_ =	swait.ge [sflag:s31], $0x2800  }
0x80: {  	[sflag:s31] =	ssyncset.done $0x0  }
0x81: {  	[sflag:s31] =	ssyncadd.s32 $0xFFFFD800  }
0x82: {  	[tilespmem:s29], [sflag:$0x3] =	stream.indirect.gather [hbm4b:s0+s24], $0x80, s30, s24, $0xb8;
	[tilespmem:$0x1E180] =	vst v63  }
0x83: {  	_ =	swait.ge [sflag:s1], $0x2800  }
0x84: {  	[sflag:s1] =	ssyncset.done $0x0  }
0x85: {  	[sflag:s1] =	ssyncadd.s32 $0xFFFFD800  }
0x86: {  	[spmem:s3] =	stream.indirect.scatter.add.f32 [tilespmem:s21], [sflag:$0x5], $0x80, s28, s24, $0xb8;
	[tilespmem:$0x1E180] =	vst v63  }
0x87: {  	v2 =	vld [tilespmem:$0x80];
	_ =	sdelay $0x7  }
0x88: {  	[tilespmem:v2+s2+$0x0] =	vst.idx.add.f32.msk $0xffff, v1  }
0x89: {  	v2 =	vld [tilespmem:$0x90];
	_ =	sdelay $0x7  }
0x8a: {  	[tilespmem:v2+s2+$0x0] =	vst.idx.add.f32.msk $0xffff, v1  }
0x8b: {  	v2 =	vld [tilespmem:$0xA0];
	_ =	sdelay $0x7  }
0x8c: {  	[tilespmem:v2+s2+$0x0] =	vst.idx.add.f32.msk $0xffff, v1  }
0x8d: {  	v2 =	vld [tilespmem:$0xB0];
	_ =	sdelay $0x7  }
0x8e: {  	[tilespmem:v2+s2+$0x0] =	vst.idx.add.f32.msk $0xffff, v1  }
0x8f: {  	v2 =	vld [tilespmem:$0xC0];
	_ =	sdelay $0x6  }
0x90: {  	s17 =	rddreg [dreg:$0x8]  }
0x91: {  	s17 =	sadd.s32 s15, s17;
	[tilespmem:v2+s2+$0x0] =	vst.idx.add.f32.msk $0xffff, v1  }
0x92: {  	[tilespmem:s7], [sflag:$0x4] =	stream.linear.gather [hbm4b:s17+s4], $0x100, $0x38;
	[tilespmem:$0x1E180] =	vst v63  }
0x93: {  	_ =	swait.ge [sflag:s23], $0x100  }
0x94: {  	[sflag:s23] =	ssyncset.done $0x0  }
0x95: {  	[sflag:s23] =	ssyncadd.s32 $0xFFFFFF00  }
0x96: {  	_ =	swait.ge [sflag:s31], $0x2800  }
0x97: {  	[sflag:s31] =	ssyncset.done $0x0  }
0x98: {  	[sflag:s31] =	ssyncadd.s32 $0xFFFFD800  }
0x99: {  	[tilespmem:s21], [sflag:$0x1] =	stream.indirect.gather [hbm4b:s0+s24], $0x80, s7, s24, $0xb8;
	[tilespmem:$0x1E180] =	vst v63  }
0x9a: {  	_ =	swait.ge [sflag:s8], $0x2800  }
0x9b: {  	[sflag:s8] =	ssyncset.done $0x0  }
0x9c: {  	s17 =	rddreg [dreg:$0x9];
	[sflag:s8] =	ssyncadd.s32 $0xFFFFD800  }
0x9d: {  	[spmem:s3] =	stream.indirect.scatter.add.f32 [tilespmem:s26], [sflag:$0x5], $0x80, s17, s24, $0xb8;
	[tilespmem:$0x1E180] =	vst v63  }
0x9e: {  	v2 =	vld [tilespmem:$0x180];
	_ =	sdelay $0x7  }
0x9f: {  	[tilespmem:v2+s2+$0x0] =	vst.idx.add.f32.msk $0xffff, v1  }
0xa0: {  	v2 =	vld [tilespmem:$0x190];
	_ =	sdelay $0x7  }
0xa1: {  	[tilespmem:v2+s2+$0x0] =	vst.idx.add.f32.msk $0xffff, v1  }
0xa2: {  	v2 =	vld [tilespmem:$0x1A0];
	_ =	sdelay $0x7  }
0xa3: {  	[tilespmem:v2+s2+$0x0] =	vst.idx.add.f32.msk $0xffff, v1  }
0xa4: {  	v2 =	vld [tilespmem:$0x1B0];
	_ =	sdelay $0x7  }
0xa5: {  	[tilespmem:v2+s2+$0x0] =	vst.idx.add.f32.msk $0xffff, v1  }
0xa6: {  	v2 =	vld [tilespmem:$0x1C0];
	_ =	sdelay $0x6  }
0xa7: {  	s17 =	rddreg [dreg:$0x7]  }
0xa8: {  	s17 =	sadd.s32 s15, s17;
	[tilespmem:v2+s2+$0x0] =	vst.idx.add.f32.msk $0xffff, v1  }
0xa9: {  	[tilespmem:s9], [sflag:$0x4] =	stream.linear.gather [hbm4b:s17+s4], $0x100, $0x38;
	[tilespmem:$0x1E180] =	vst v63  }
0xaa: {  	_ =	swait.ge [sflag:s23], $0x100  }
0xab: {  	[sflag:s23] =	ssyncset.done $0x0  }
0xac: {  	[sflag:s23] =	ssyncadd.s32 $0xFFFFFF00  }
0xad: {  	_ =	swait.ge [sflag:s31], $0x2800  }
0xae: {  	[sflag:s31] =	ssyncset.done $0x0  }
0xaf: {  	[sflag:s31] =	ssyncadd.s32 $0xFFFFD800  }
0xb0: {  	[tilespmem:s26], [sflag:$0x2] =	stream.indirect.gather [hbm4b:s0+s24], $0x80, s9, s24, $0xb8;
	[tilespmem:$0x1E180] =	vst v63  }
0xb1: {  	_ =	swait.ge [sflag:s10], $0x2800  }
0xb2: {  	[sflag:s10] =	ssyncset.done $0x0  }
0xb3: {  	s17 =	rddreg [dreg:$0xa];
	[sflag:s10] =	ssyncadd.s32 $0xFFFFD800  }
0xb4: {  	[spmem:s3] =	stream.indirect.scatter.add.f32 [tilespmem:s29], [sflag:$0x5], $0x80, s17, s24, $0xb8;
	[tilespmem:$0x1E180] =	vst v63  }
0xb5: {  	v2 =	vld [tilespmem:$0x280];
	_ =	sdelay $0x7  }
0xb6: {  	[tilespmem:v2+s2+$0x0] =	vst.idx.add.f32.msk $0xffff, v1  }
0xb7: {  	v2 =	vld [tilespmem:$0x290];
	_ =	sdelay $0x7  }
0xb8: {  	[tilespmem:v2+s2+$0x0] =	vst.idx.add.f32.msk $0xffff, v1  }
0xb9: {  	v2 =	vld [tilespmem:$0x2A0];
	_ =	sdelay $0x7  }
0xba: {  	[tilespmem:v2+s2+$0x0] =	vst.idx.add.f32.msk $0xffff, v1  }
0xbb: {  	v2 =	vld [tilespmem:$0x2B0];
	_ =	sdelay $0x7  }
0xbc: {  	[tilespmem:v2+s2+$0x0] =	vst.idx.add.f32.msk $0xffff, v1  }
0xbd: {  	v2 =	vld [tilespmem:$0x2C0];
	_ =	sdelay $0x6  }
0xbe: {  	s17 =	rddreg [dreg:$0x6]  }
0xbf: {  	s17 =	sadd.s32 s15, s17;
	[tilespmem:v2+s2+$0x0] =	vst.idx.add.f32.msk $0xffff, v1  }
0xc0: {  	[tilespmem:s11], [sflag:$0x4] =	stream.linear.gather [hbm4b:s17+s4], $0x100, $0x38;
	[tilespmem:$0x1E180] =	vst v63  }
0xc1: {  	_ =	swait.ge [sflag:s23], $0x100  }
0xc2: {  	[sflag:s23] =	ssyncset.done $0x0  }
0xc3: {  	[sflag:s23] =	ssyncadd.s32 $0xFFFFFF00  }
0xc4: {  	_ =	swait.ge [sflag:s31], $0x2800  }
0xc5: {  	[sflag:s31] =	ssyncset.done $0x0  }
0xc6: {  	[sflag:s31] =	ssyncadd.s32 $0xFFFFD800  }
0xc7: {  	[tilespmem:s29], [sflag:$0x3] =	stream.indirect.gather [hbm4b:s0+s24], $0x80, s11, s24, $0xb8;
	[tilespmem:$0x1E180] =	vst v63  }
0xc8: {  	_ =	swait.ge [sflag:s1], $0x2800  }
0xc9: {  	[sflag:s1] =	ssyncset.done $0x0  }
0xca: {  	s17 =	rddreg [dreg:$0xb];
	[sflag:s1] =	ssyncadd.s32 $0xFFFFD800  }
0xcb: {  	[spmem:s3] =	stream.indirect.scatter.add.f32 [tilespmem:s21], [sflag:$0x5], $0x80, s17, s24, $0xb8;
	[tilespmem:$0x1E180] =	vst v63  }
0xcc: {  	v2 =	vld [tilespmem:$0x380];
	_ =	sdelay $0x7  }
0xcd: {  	[tilespmem:v2+s2+$0x0] =	vst.idx.add.f32.msk $0xffff, v1  }
0xce: {  	v2 =	vld [tilespmem:$0x390];
	_ =	sdelay $0x7  }
0xcf: {  	[tilespmem:v2+s2+$0x0] =	vst.idx.add.f32.msk $0xffff, v1  }
0xd0: {  	v2 =	vld [tilespmem:$0x3A0];
	_ =	sdelay $0x7  }
0xd1: {  	[tilespmem:v2+s2+$0x0] =	vst.idx.add.f32.msk $0xffff, v1  }
0xd2: {  	v2 =	vld [tilespmem:$0x3B0];
	_ =	sdelay $0x7  }
0xd3: {  	[tilespmem:v2+s2+$0x0] =	vst.idx.add.f32.msk $0xffff, v1  }
0xd4: {  	v2 =	vld [tilespmem:$0x3C0];
	_ =	sdelay $0x6  }
0xd5: {  	s17 =	sshrl.u32 s20, $0x3  }
0xd6: {  	s17 =	sadd.s32 s5, s17;
	[tilespmem:v2+s2+$0x0] =	vst.idx.add.f32.msk $0xffff, v1  }
0xd7: {  	[tilespmem:s4], [sflag:$0x4] =	stream.linear.gather [hbm4b:s17+s4], $0x100, $0x38;
	[tilespmem:$0x1E180] =	vst v63  }
0xd8: {  	_ =	swait.ge [sflag:s23], $0x100  }
0xd9: {  	[sflag:s23] =	ssyncset.done $0x0  }
0xda: {  	[sflag:s23] =	ssyncadd.s32 $0xFFFFFF00  }
0xdb: {  	_ =	swait.ge [sflag:s31], $0x2800  }
0xdc: {  	[sflag:s31] =	ssyncset.done $0x0  }
0xdd: {  	[sflag:s31] =	ssyncadd.s32 $0xFFFFD800  }
0xde: {  	[tilespmem:s21], [sflag:$0x1] =	stream.indirect.gather [hbm4b:s0+s24], $0x80, s4, s24, $0xb8;
	[tilespmem:$0x1E180] =	vst v63  }
0xdf: {  	_ =	swait.ge [sflag:s8], $0x2800  }
0xe0: {  	[sflag:s8] =	ssyncset.done $0x0  }
0xe1: {  	s17 =	rddreg [dreg:$0xc];
	[sflag:s8] =	ssyncadd.s32 $0xFFFFD800  }
0xe2: {  	[spmem:s3] =	stream.indirect.scatter.add.f32 [tilespmem:s26], [sflag:$0x5], $0x80, s17, s24, $0xb8;
	[tilespmem:$0x1E180] =	vst v63  }
0xe3: {  	v2 =	vld [tilespmem:$0x480];
	_ =	sdelay $0x7  }
0xe4: {  	[tilespmem:v2+s2+$0x0] =	vst.idx.add.f32.msk $0xffff, v1  }
0xe5: {  	v2 =	vld [tilespmem:$0x490];
	_ =	sdelay $0x7  }
0xe6: {  	[tilespmem:v2+s2+$0x0] =	vst.idx.add.f32.msk $0xffff, v1  }
0xe7: {  	v2 =	vld [tilespmem:$0x4A0];
	_ =	sdelay $0x7  }
0xe8: {  	[tilespmem:v2+s2+$0x0] =	vst.idx.add.f32.msk $0xffff, v1  }
0xe9: {  	v2 =	vld [tilespmem:$0x4B0];
	_ =	sdelay $0x7  }
0xea: {  	[tilespmem:v2+s2+$0x0] =	vst.idx.add.f32.msk $0xffff, v1  }
0xeb: {  	v2 =	vld [tilespmem:$0x4C0];
	_ =	sdelay $0x6  }
0xec: {  	s17 =	rddreg [dreg:$0x5]  }
0xed: {  	s17 =	sadd.s32 s15, s17;
	[tilespmem:v2+s2+$0x0] =	vst.idx.add.f32.msk $0xffff, v1  }
0xee: {  	[tilespmem:s25], [sflag:$0x4] =	stream.linear.gather [hbm4b:s17+s4], $0x100, $0x38;
	[tilespmem:$0x1E180] =	vst v63  }
0xef: {  	_ =	swait.ge [sflag:s23], $0x100  }
0xf0: {  	[sflag:s23] =	ssyncset.done $0x0  }
0xf1: {  	[sflag:s23] =	ssyncadd.s32 $0xFFFFFF00  }
0xf2: {  	_ =	swait.ge [sflag:s31], $0x2800  }
0xf3: {  	[sflag:s31] =	ssyncset.done $0x0  }
0xf4: {  	[sflag:s31] =	ssyncadd.s32 $0xFFFFD800  }
0xf5: {  	[tilespmem:s26], [sflag:$0x2] =	stream.indirect.gather [hbm4b:s0+s24], $0x80, s25, s24, $0xb8;
	[tilespmem:$0x1E180] =	vst v63  }
0xf6: {  	_ =	swait.ge [sflag:s10], $0x2800  }
0xf7: {  	[sflag:s10] =	ssyncset.done $0x0  }
0xf8: {  	[sflag:s10] =	ssyncadd.s32 $0xFFFFD800  }
0xf9: {  	[spmem:s3] =	stream.indirect.scatter.add.f32 [tilespmem:s29], [sflag:$0x5], $0x80, s12, s24, $0xb8;
	[tilespmem:$0x1E180] =	vst v63  }
0xfa: {  	v2 =	vld [tilespmem:$0x580];
	_ =	sdelay $0x7  }
0xfb: {  	[tilespmem:v2+s2+$0x0] =	vst.idx.add.f32.msk $0xffff, v1  }
0xfc: {  	v2 =	vld [tilespmem:$0x590];
	_ =	sdelay $0x7  }
0xfd: {  	[tilespmem:v2+s2+$0x0] =	vst.idx.add.f32.msk $0xffff, v1  }
0xfe: {  	v2 =	vld [tilespmem:$0x5A0];
	_ =	sdelay $0x7  }
0xff: {  	[tilespmem:v2+s2+$0x0] =	vst.idx.add.f32.msk $0xffff, v1  }
0x100: {  	v2 =	vld [tilespmem:$0x5B0];
	_ =	sdelay $0x7  }
0x101: {  	[tilespmem:v2+s2+$0x0] =	vst.idx.add.f32.msk $0xffff, v1  }
0x102: {  	v2 =	vld [tilespmem:$0x5C0];
	_ =	sdelay $0x3  }
0x103: {  	p0 =	sne.s32 s15, $0xF00  }
.Ltmp3:
0x104: {  	_ = 	snop;
	(pc) =	sbr.rel @p0 .LBB2_8-.Ltmp3, $4  }
0x105: {  	_ = 	snop  }
0x106: {  	s17 =	rddreg [dreg:$0x4]  }
0x107: {  	s20 =	sadd.s32 $0x600, s20;
	s17 =	sadd.s32 s15, s17;
	s15 =	sadd.s32 $0xC0, s15;
	[tilespmem:v2+s2+$0x0] =	vst.idx.add.f32.msk $0xffff, v1  }
0x108: {  	[tilespmem:s30], [sflag:$0x4] =	stream.linear.gather [hbm4b:s17+s4], $0x100, $0x38;
	[tilespmem:$0x1E180] =	vst v63  }
0x109: {  	_ =	swait.ge [sflag:s31], $0x2800  }
0x10a: {  	[sflag:s31] =	ssyncset.done $0x0  }
0x10b: {  	[sflag:s31] =	ssyncadd.s32 $0xFFFFD800  }
0x10c: {  	_ =	swait.ge [sflag:s1], $0x2800  }
0x10d: {  	[sflag:s1] =	ssyncset.done $0x0  }
0x10e: {  	[sflag:s1] =	ssyncadd.s32 $0xFFFFD800  }
0x10f: {  	_ =	swait.ge [sflag:s8], $0x2800  }
0x110: {  	[sflag:s8] =	ssyncset.done $0x0  }
0x111: {  	[sflag:s8] =	ssyncadd.s32 $0xFFFFD800  }
0x112: {  	_ =	swait.ge [sflag:s23], $0x100  }
0x113: {  	[sflag:s23] =	ssyncset.done $0x0  }
0x114: {  	s15 =	stileid.u32;
	[sflag:s23] =	ssyncadd.s32 $0xFFFFFF00  }
0x115: {  	s15 =	sshll.u32 s15, $0x6;
	[bflag:$0x0] =	sbarrier.arrive $0xFFFF  }
0x116: {  	s17 =	sshrl.u32 s6, $0x3;
	s15 =	sor.u32 $0x1C06, s15;
	s20 =	rddreg [dreg:$0x16]  }
0x117: {  	[hbm:s20], [sflag:s15] =	dma.local [spmem:s17], $0x2780  }
0x118: {  	s14 =	sadd.s32 $0x1, s14;
	_ =	swait.ge [sflag:s22], $0x2780  }
0x119: {  	p0 =	sne.s32 s14, s19;
	[sflag:s22] =	ssyncset.done $0x0  }
.Ltmp4:
0x11a: {  	[sflag:s22] =	ssyncadd.s32 $0xFFFFD880;
	(pc) =	sbr.rel @p0 .LBB2_1-.Ltmp4, $4  }
0x11b: {  	[hbm4b:s18+s28] =	stream.strided.scatter [tilespmem:s2], [sflag:$0x6], $0x2780, s9, s28, $0x38;
	[tilespmem:$0x1E180] =	vst v63  }
0x11c: {  	_ =	swait.ge [sflag:s22], $0x2780  }
0x11d: {  	[sflag:s22] =	ssyncset.done $0x0  }
0x11e: {  	[sflag:s22] =	ssyncadd.s32 $0xFFFFD880  }
0x11f: {  	_ =	sfence.sel $0x180000  }
0x120: {  	[bflag:$0x0] =	sbarrier.arrive $0xFFFF  }
0x121: {  	_ =	strace $0x90000047  }
0x122: {  	s0 =	stileid.u32;
	[bflag:$0x2] =	sbarrier.arrive $0xFFFF  }
0x123: {  	p0 =	sne.s32 s0, $0x0;
	s0 =	rddreg [dreg:$0x3]  }
0x124: {  	s0 =	sadd.s32 @!p0 $0x100000, s0  }
0x125: {  	[sflag:s0] =	ssyncadd.tile.s32 @!p0 $0x1;
	_ =	shalt  }
.Lfunc_end2:
_tile_overlayer_lowered:
.L_overlay_start_2:
0x126: {  	(tag) =	ssettag $0x2  }
0x127: {  	s0 =	rddreg [dreg:$0x0];
	s2 =	stileid.u32  }
0x128: {  	s1 =	rddreg [dreg:$0x1];
	p0 =	sne.s32 s2, $0x0  }
0x129: {  	s3 =	rddreg [dreg:$0x2];
	[bflag:$0x3] =	sbarrier.arrive $0xFFFF;
	s2 =	simm.s32 @!p0 $0x1C06  }
0x12a: {  	[timem:s3], [sflag:s2] =	dma.local @!p0 [hbm:s0], s1  }
0x12b: {  	s0 =	simm.s32 @!p0 $0x6  }
0x12c: {  	_ =	swait.ge @!p0 [sflag:s0], s1  }
0x12d: {  	s1 =	ssub.s32 @!p0 $0x0, s1;
	[sflag:s0] =	ssyncset.done @!p0 $0x0  }
0x12e: {  	[sflag:s0] =	ssyncadd.s32 @!p0 s1  }
0x12f: {  	[bflag:$0x3] =	sbarrier.arrive $0xFFFF  }
0x130: {  	_ =	shalt  }

// kernel: kernel.9.cloned.1.call-start
scs
__scs_entry_jumppad:
0x0: {  	(pc) =	sbr.rel $0x88, $3  }
0x1: {  	(tag) =	ssettag $0x0;
	lr =	simm.s32 $0x1  }
0x2: {  	[smem:$0x3F99] =	sst lr;
	_ =	strace $0xD0000000  }
0x3: {  	_ = 	snop  }
0x4: {  	_ = 	snop  }
0x5: {  	_ = 	snop  }
0x6: {  	_ = 	snop  }
0x7: {  	_ = 	snop  }
__scs_overlays_trampoline_lowered:
0x8: {  	[smem:$0x3FA8] =	sst s0  }
0x9: {  	[smem:$0x3FA9] =	sst s1  }
0xa: {  	[smem:$0x3FAA] =	sst s2  }
0xb: {  	[smem:$0x3FAB] =	sst s3  }
0xc: {  	[smem:$0x3FAC] =	sst s4  }
0xd: {  	[smem:$0x3FAD] =	sst s5  }
0xe: {  	[smem:$0x3FAE] =	sst s6  }
0xf: {  	[smem:$0x3FAF] =	sst s7  }
0x10: {  	[smem:$0x3FB0] =	sst s8  }
0x11: {  	[smem:$0x3FB1] =	sst s9;
	s0 =	simm.s32 @!p0 $0x0  }
0x12: {  	s1 =	sld [smem:$0x3F97];
	s0 =	simm.s32 @p0 $0x1  }
0x13: {  	[smem:$0x3FB2] =	sst s0;
	s0 =	simm.s32 @!p1 $0x0  }
0x14: {  	s2 =	sld [smem:$0x3F96];
	s0 =	simm.s32 @p1 $0x1  }
0x15: {  	[smem:$0x3FB3] =	sst s0;
	s0 =	simm.s32 @!p2 $0x0  }
0x16: {  	s3 =	sld [smem:$0x3FDB];
	s0 =	simm.s32 @p2 $0x1  }
0x17: {  	s4 =	simm.s32 $0x1BF5;
	[smem:$0x3FB5] =	sst s0  }
0x18: {  	s0 =	sld [smem:$0x3F98];
	_ =	swait.ge [sflag:s4], $0x0  }
0x19: {  	s7 =	sld [smem:$0x3F99]  }
0x1a: {  	s8 =	sadd.s32 $0xFFFFE003, lr  }
0x1b: {  	s9 =	sadd.s32 $0xFFFFFEF7, lr;
	s5 =	simm.s32 $0xFFFFFFFF;
	p2 =	slt.u32 s8, $0xFFFFF086  }
0x1c: {  	p1 =	slt.u32 s9, $0xF7A;
	s5 =	simm.s32 @!p2 $0x0  }
0x1d: {  	s5 =	simm.s32 @p1 $0x1;
	p0 =	seq.s32 s7, s2  }
0x1e: {  	s7 =	smul.u32 @!p0 $0xF7A, s2;
	p2 =	seq.s32 @!p0 s5, $0x0  }
0x1f: {  	s9 =	smul.u32 $0xF7A, s1;
	s8 =	simm.s32 @!p0 $0x1BF5;
	p2 =	por !p2, p0  }
0x20: {  	[sflag:s8] =	ssyncset.s32 @!p0 $0xFFFFF086;
	s6 =	sadd.s32 @!p0 s3, s7;
	s7 =	simm.s32 @!p0 $0x108  }
0x21: {  	s3 =	sadd.s32 s3, s9;
	s6 =	sadd.s32 @!p0 $0x88, s6;
	s7 =	simm.s32 @p2 $0x1082  }
0x22: {  	[simem:s7], [sflag:s8] =	dma.local @!p0 [hbm:s6], $0xF7A  }
0x23: {  	s9 =	sor.u32 $0xD0000000, s2;
	s6 =	simm.s32 $0x108;
	_ =	swait.ge @!p0 [sflag:s8], $0x0  }
0x24: {  	s3 =	sadd.s32 $0x88, s3;
	s6 =	simm.s32 @!p1 $0x1082;
	[sflag:s4] =	ssyncset.s32 $0xFFFFF086  }
0x25: {  	[simem:s6], [sflag:s4] =	dma.local [hbm:s3], $0xF7A  }
0x26: {  	[smem:$0x3F99] =	sst s1;
	(tag) =	ssettag s2;
	_ =	strace s9  }
0x27: {  	s1 =	sld [smem:$0x3FA9]  }
0x28: {  	s2 =	sld [smem:$0x3FAA]  }
0x29: {  	s4 =	sld [smem:$0x3FAC]  }
0x2a: {  	p0 =	seq.s32 s5, $0x0;
	s5 =	sld [smem:$0x3FAD]  }
0x2b: {  	s6 =	sld [smem:$0x3FAE]  }
0x2c: {  	s7 =	sld [smem:$0x3FAF]  }
0x2d: {  	s3 =	simm.s32 $0x108;
	s8 =	sld [smem:$0x3FB0]  }
0x2e: {  	s3 =	simm.s32 @!p0 $0x1082;
	s9 =	sld [smem:$0x3FB1]  }
0x2f: {  	lr =	sadd.s32 s0, s3;
	s0 =	sld [smem:$0x3FA8]  }
0x30: {  	s3 =	sld [smem:$0x3FAB]  }
0x31: {  	[smem:$0x3FB4] =	sst s10  }
0x32: {  	s10 =	sld [smem:$0x3FB2];
	_ =	sdelay $0x3  }
0x33: {  	p0 =	seq.s32 s10, $0x1;
	s10 =	sld [smem:$0x3FB4];
	_ =	sdelay $0x3  }
0x34: {  	[smem:$0x3FB4] =	sst s10  }
0x35: {  	s10 =	sld [smem:$0x3FB3];
	_ =	sdelay $0x3  }
0x36: {  	p1 =	seq.s32 s10, $0x1;
	s10 =	sld [smem:$0x3FB4];
	_ =	sdelay $0x3  }
0x37: {  	[smem:$0x3FB4] =	sst s10  }
0x38: {  	s10 =	sld [smem:$0x3FB5]  }
0x39: {  	_ = 	snop;
	(pc) =	sbr.ind lr, $3  }
0x3a: {  	_ = 	snop  }
0x3b: {  	_ = 	snop  }
0x3c: {  	p2 =	seq.s32 s10, $0x1;
	s10 =	sld [smem:$0x3FB4]  }
0x3d: {  	_ =	shalt  }
0x3e: {  	_ =	shalt  }
0x3f: {  	_ =	shalt  }
0x40: {  	_ =	shalt  }
0x41: {  	_ =	shalt  }
0x42: {  	_ =	shalt  }
0x43: {  	_ =	shalt  }
0x44: {  	_ =	shalt  }
0x45: {  	_ =	shalt  }
0x46: {  	_ =	shalt  }
0x47: {  	_ =	shalt  }
0x48: {  	_ =	shalt  }
0x49: {  	_ =	shalt  }
0x4a: {  	_ =	shalt  }
0x4b: {  	_ =	shalt  }
0x4c: {  	_ =	shalt  }
0x4d: {  	_ =	shalt  }
0x4e: {  	_ =	shalt  }
0x4f: {  	_ =	shalt  }
0x50: {  	_ =	shalt  }
0x51: {  	_ =	shalt  }
0x52: {  	_ =	shalt  }
0x53: {  	_ =	shalt  }
0x54: {  	_ =	shalt  }
0x55: {  	_ =	shalt  }
0x56: {  	_ =	shalt  }
0x57: {  	_ =	shalt  }
0x58: {  	_ =	shalt  }
0x59: {  	_ =	shalt  }
0x5a: {  	_ =	shalt  }
0x5b: {  	_ =	shalt  }
0x5c: {  	_ =	shalt  }
0x5d: {  	_ =	shalt  }
0x5e: {  	_ =	shalt  }
0x5f: {  	_ =	shalt  }
0x60: {  	_ =	shalt  }
0x61: {  	_ =	shalt  }
0x62: {  	_ =	shalt  }
0x63: {  	_ =	shalt  }
0x64: {  	_ =	shalt  }
0x65: {  	_ =	shalt  }
0x66: {  	_ =	shalt  }
0x67: {  	_ =	shalt  }
0x68: {  	_ =	shalt  }
0x69: {  	_ =	shalt  }
0x6a: {  	_ =	shalt  }
0x6b: {  	_ =	shalt  }
0x6c: {  	_ =	shalt  }
0x6d: {  	_ =	shalt  }
0x6e: {  	_ =	shalt  }
0x6f: {  	_ =	shalt  }
0x70: {  	_ =	shalt  }
0x71: {  	_ =	shalt  }
0x72: {  	_ =	shalt  }
0x73: {  	_ =	shalt  }
0x74: {  	_ =	shalt  }
0x75: {  	_ =	shalt  }
0x76: {  	_ =	shalt  }
0x77: {  	_ =	shalt  }
0x78: {  	_ =	shalt  }
0x79: {  	_ =	shalt  }
0x7a: {  	_ =	shalt  }
0x7b: {  	_ =	shalt  }
0x7c: {  	_ =	shalt  }
0x7d: {  	_ =	shalt  }
0x7e: {  	_ =	shalt  }
0x7f: {  	_ =	shalt  }
0x80: {  	_ =	shalt  }
0x81: {  	_ =	shalt  }
0x82: {  	_ =	shalt  }
0x83: {  	_ =	shalt  }
0x84: {  	_ =	shalt  }
0x85: {  	_ =	shalt  }
0x86: {  	_ =	shalt  }
0x87: {  	_ =	shalt  }
.Lfunc_end0:
.L_simem_size_0:
called_computation.1_lowered:
.L_overlay_start_0:
0x88: {  	s2 =	sld [smem:$0x3FD9]  }
0x89: {  	s3 =	sld [smem:$0x3FFE];
	_ =	sdelay $0x1  }
0x8a: {  	s1 =	srdreg.scid  }
0x8b: {  	s0 =	sand.u32 $0x1, s1  }
0x8c: {  	s17 =	sshll.u32 s0, $0xA;
	s2 =	sadd.s32 s3, s2  }
0x8d: {  	s2 =	sadd.s32 s2, s17  }
0x8e: {  	[smem:$0x3FC0] =	sst s2  }
0x8f: {  	_ = 	snop  }
0x90: {  	s2 =	sld [smem:$0x3FD0];
	(tm) =	ssettm $0x1  }
0x91: {  	s18 =	sld [smem:$0x3FFB];
	_ =	sdelay $0x3  }
0x92: {  	_ =	strace s18  }
0x93: {  	s3 =	sld [smem:$0x3FFC];
	_ =	sdelay $0x3  }
0x94: {  	_ =	strace s3  }
0x95: {  	s3 =	sld [smem:$0x3FFD];
	_ =	sdelay $0x3  }
0x96: {  	_ =	strace s3  }
0x97: {  	_ =	strace $0x8FFFFFFF  }
0x98: {  	s19 =	sld [smem:$0x3FDB];
	_ =	sdelay $0x1  }
0x99: {  	s4 =	simm.s32 $_scs_section_size  }
0x9a: {  	s5 =	simm.s32 $_size__tile_overlayer_lowered;
	s6 =	simm.s32 $_tile_overlayer_lowered  }
0x9b: {  	s22 =	simm.s32 $0x1BFF;
	s21 =	sshll.u32 s6, $0x1;
	s3 =	sadd.s32 s4, s19  }
0x9c: {  	s7 =	simm.s32 $0x0;
	s20 =	sshll.u32 s5, $0x1;
	s5 =	sadd.s32 s21, s3  }
0x9d: {  	[timem:s7], [sflag:s22] =	dma.local [hbm:s5], s20  }
0x9e: {  	_ =	swait.ge [sflag:s22], s20  }
0x9f: {  	s4 =	ssub.s32 $0x0, s20;
	[sflag:s22] =	ssyncset.done $0x0  }
0xa0: {  	[sflag:s22] =	ssyncadd.s32 s4;
	_ =	sdelay $0x1  }
0xa1: {  	s23 =	simm.s32 $0x1B8B  }
0xa2: {  	_ =	swait.ge [sflag:s23], $0x1  }
0xa3: {  	[sflag:s23] =	ssyncset.done $0x0  }
0xa4: {  	s25 =	simm.s32 $0x1B8E;
	s24 =	sld [smem:$0x3FFE];
	[sflag:s23] =	ssyncadd.s32 $0xFFFFFFFF  }
0xa5: {  	s26 =	simm.s32 $execute0_lowered;
	[smem:$0x3FD2] =	sst s25  }
0xa6: {  	s5 =	sshll.u32 s26, $0x1;
	_ =	strace $0x80000049;
	[dreg:$0x1] =	wrdreg $0xFFFFFFFF  }
0xa7: {  	s28 =	simm.s32 $_size_execute0_lowered;
	s3 =	sadd.s32 s3, s5;
	[dreg:$0x0] =	wrdreg $0x0  }
0xa8: {  	s5 =	sshll.u32 s28, $0x1;
	[dreg:$0x2] =	wrdreg s3  }
0xa9: {  	[dreg:$0x3] =	wrdreg s5  }
0xaa: {  	[dreg:$0x4] =	wrdreg $0xC0  }
0xab: {  	_ =	task [dreg:s7], $0x5FFFF  }
0xac: {  	[dreg:$0x1] =	wrdreg $0xFFFFFFFF  }
0xad: {  	[dreg:$0x0] =	wrdreg $0x60  }
0xae: {  	[dreg:$0x2] =	wrdreg s2  }
0xaf: {  	[dreg:$0x3] =	wrdreg s24  }
0xb0: {  	[dreg:$0x4] =	wrdreg $0x7E000  }
0xb1: {  	[dreg:$0x5] =	wrdreg $0x9  }
0xb2: {  	_ =	task.clear_ibuf [dreg:s7], $0x6FFFF;
	_ =	strace $0x90000049  }
0xb3: {  	s29 =	simm.s32 $0x9;
	_ =	strace $0x8000004B  }
0xb4: {  	_ =	swait.ge [sflag:s29], $0x1  }
0xb5: {  	[sflag:s29] =	ssyncadd.s32 $0xFFFFFFFF  }
0xb6: {  	_ =	strace $0x9000004B  }
0xb7: {  	_ =	sfence  }
0xb8: {  	s30 =	sld [smem:$0x0];
	_ =	sdelay $0x2  }
0xb9: {  	s31 =	sshll.u32 s1, $0xD;
	s1 =	sshrl.u32 s1, $0x2  }
0xba: {  	s3 =	sand.u32 $0x4000, s31;
	s1 =	sadd.s32 s1, s30  }
0xbb: {  	s0 =	sor.u32 s3, s0;
	s1 =	sshll.u32 s1, $0x11  }
0xbc: {  	s0 =	sor.u32 s1, s0  }
0xbd: {  	s0 =	sadd.s32 $0x8F2B, s0  }
0xbe: {  	[sflag:s0] =	ssyncadd.remote.s32 $0x1  }
0xbf: {  	_ =	sfence.sel $0xFFFF  }
0xc0: {  	[dreg:$0x0] =	wrdreg $0xFFFFFFFF;
	(pc) =	sbr.abs _section_cstart, $3  }
0xc1: {  	[dreg:$0x1] =	wrdreg $0xFFFFFFFF  }
0xc2: {  	_ =	task.clear_ibuf [dreg:s7], $0x2FFFF;
	_ =	strace $0x9FFFFFFF  }
0xc3: {  	(tm) =	ssettm $0x7FFFFFFF  }
tec
execute0_lowered:
.L_overlay_start_1:
0x0: {  	(tag) =	ssettag $0x1  }
0x1: {  	s1 =	rddreg [dreg:$0x0];
	s0 =	srdreg.scid  }
0x2: {  	s2 =	rddreg [dreg:$0x1];
	s10 =	stileid.u32  }
0x3: {  	s3 =	rddreg [dreg:$0x2];
	s4 =	simm.s32 $0x0;
	s6 =	smul.u32 $0x13C00, s10  }
0x4: {  	s28 =	simm.s32 $0x5600;
	s29 =	simm.s32 $0x200;
	s7 =	smul.u32 $0x4F000, s10  }
0x5: {  	s30 =	simm.s32 $0x5;
	s0 =	sand.u32 $0x1, s0;
	s23 =	smul.u32 $0x8200, s10  }
0x6: {  	s31 =	simm.s32 $0x1;
	[smem:$0x7FF] =	sst s4;
	s5 =	smul.u32 $0x13C000, s0  }
0x7: {  	_ =	strace $0x8000004A;
	s17 =	sshll.u32 s0, $0x4;
	s8 =	ssub.s32 $0x2, s0  }
0x8: {  	s0 =	smul.u32 $0x82000, s0;
	s9 =	sor.u32 s10, s17;
	s18 =	sshrl.u32 s7, $0x2  }
0x9: {  	s19 =	sshrl.u32 s8, $0x1;
	s5 =	sadd.s32 s6, s5;
	s9 =	smul.u32 $0x8200, s9  }
0xa: {  	s7 =	ssub.s32 s8, s19;
	s0 =	sadd.s32 s23, s0;
	s6 =	sshrl.u32 s5, $0x3  }
0xb: {  	s5 =	sadd.s32 $0x2600, s2;
	s11 =	sadd.s32 $0x800, s0;
	s12 =	sadd.s32 $0x700, s0  }
0xc: {  	s7 =	smax.u32 s7, $0x1;
	s2 =	sadd.s32 s6, s2;
	s6 =	sadd.s32 s18, s3  }
0xd: {  	s17 =	sadd.s32 $0x500, s0;
	[dreg:$0x16] =	wrdreg s7;
	s20 =	sadd.s32 $0x2800, s6  }
0xe: {  	s19 =	sadd.s32 $0x400, s0;
	s21 =	sadd.s32 $0x5000, s6;
	[dreg:$0xc] =	wrdreg s20  }
0xf: {  	s9 =	sshrl.u32 s9, $0x3;
	s22 =	sadd.s32 $0x7800, s6;
	[dreg:$0xd] =	wrdreg s21  }
0x10: {  	s8 =	sshrl.u32 s11, $0x3;
	s24 =	sadd.s32 $0xA000, s6;
	[dreg:$0xe] =	wrdreg s22  }
0x11: {  	s15 =	sshrl.u32 s12, $0x3;
	s25 =	sadd.s32 $0xC800, s6;
	[dreg:$0xf] =	wrdreg s24  }
0x12: {  	s18 =	sshrl.u32 s17, $0x3;
	s26 =	sadd.s32 $0xF000, s6;
	[dreg:$0x10] =	wrdreg s25  }
0x13: {  	s13 =	sadd.s32 s5, s9;
	s9 =	sadd.s32 $0x11800, s6;
	[dreg:$0x11] =	wrdreg s26  }
0x14: {  	s7 =	simm.s32 $0x400;
	s2 =	sadd.s32 $0x22E00, s2;
	[dreg:$0x12] =	wrdreg s9  }
0x15: {  	s11 =	simm.s32 $0x580;
	s14 =	sadd.s32 s8, s5;
	[dreg:$0x15] =	wrdreg s2  }
0x16: {  	s12 =	simm.s32 $0x0;
	s16 =	sadd.s32 s15, s5;
	[dreg:$0x4] =	wrdreg s14  }
0x17: {  	s8 =	sshrl.u32 s19, $0x3;
	s10 =	sadd.s32 $0x20, s13;
	[dreg:$0x5] =	wrdreg s16  }
0x18: {  	s19 =	sadd.s32 $0x600, s0;
	s9 =	sadd.s32 $0x40, s13;
	[dreg:$0x13] =	wrdreg s10  }
0x19: {  	s2 =	sadd.s32 s18, s5;
	s20 =	sadd.s32 $0x300, s0;
	[dreg:$0x14] =	wrdreg s9  }
0x1a: {  	s21 =	sadd.s32 s8, s5;
	s24 =	simm.s32 $0x180;
	[dreg:$0x6] =	wrdreg s2  }
0x1b: {  	s25 =	simm.s32 $0x280;
	s26 =	simm.s32 $0x380;
	[dreg:$0x7] =	wrdreg s21  }
0x1c: {  	s0 =	simm.s32 $0x2;
	s8 =	simm.s32 $0x3;
	[dreg:$0x9] =	wrdreg s24  }
0x1d: {  	s22 =	sshrl.u32 s20, $0x3;
	s20 =	simm.s32 $0x600;
	[dreg:$0xa] =	wrdreg s25  }
0x1e: {  	s21 =	simm.s32 $0x6;
	s24 =	simm.s32 $0x100;
	[dreg:$0xb] =	wrdreg s26  }
0x1f: {  	s25 =	simm.s32 $0x2E00;
	s26 =	simm.s32 $0x80;
	s2 =	simm.s32 $0x300  }
0x20: {  	s9 =	simm.s32 $0x500;
	s10 =	simm.s32 $0x480;
	s23 =	sadd.s32 s22, s5  }
0x21: {  	v0 =	vimm.f32 $0.0e+00;
	s22 =	simm.s32 $0x4;
	[dreg:$0x8] =	wrdreg s23;
	s23 =	simm.s32 $0x50  }
.LBB2_1:
0x22: {  	s14 =	simm.s32 $0x0;
	s15 =	simm.s32 $0x200  }
.LBB2_2:
0x23: {  	p0 =	sne.s32 s15, $0x9E00;
	[tilespmem:s14+$0x670] =	vst v0  }
0x24: {  	[tilespmem:s14+$0x600] =	vst v0  }
0x25: {  	[tilespmem:s14+$0x610] =	vst v0  }
.Ltmp0:
0x26: {  	[tilespmem:s14+$0x620] =	vst v0;
	(pc) =	sbr.rel @p0 .LBB2_2-.Ltmp0, $4  }
0x27: {  	[tilespmem:s14+$0x630] =	vst v0  }
0x28: {  	[tilespmem:s14+$0x640] =	vst v0  }
0x29: {  	[tilespmem:s14+$0x650] =	vst v0  }
0x2a: {  	[tilespmem:s14+$0x660] =	vst v0;
	s14 =	sshra.s32 s15, $0x2;
	s15 =	sadd.s32 $0x200, s15  }
0x2b: {  	[tilespmem:s14+$0x670] =	vst v0  }
0x2c: {  	[tilespmem:s14+$0x600] =	vst v0  }
0x2d: {  	[tilespmem:s14+$0x610] =	vst v0  }
0x2e: {  	[tilespmem:s14+$0x620] =	vst v0  }
0x2f: {  	[tilespmem:s14+$0x630] =	vst v0  }
0x30: {  	[tilespmem:s14+$0x640] =	vst v0  }
0x31: {  	[tilespmem:s14+$0x650] =	vst v0  }
0x32: {  	[tilespmem:s14+$0x660] =	vst v0  }
0x33: {  	[spmem:s6] =	stream.linear.scatter [tilespmem:s20], [sflag:$0x6], $0x2800, $0x38;
	[tilespmem:$0x1BA00] =	vst v63  }
0x34: {  	_ =	swait.ge [sflag:s21], $0x2800  }
0x35: {  	[sflag:s21] =	ssyncset.done $0x0  }
0x36: {  	s16 =	rddreg [dreg:$0xc];
	[sflag:s21] =	ssyncadd.s32 $0xFFFFD800  }
0x37: {  	[spmem:s16] =	stream.linear.scatter [tilespmem:s20], [sflag:$0x6], $0x2800, $0x38;
	[tilespmem:$0x1BA00] =	vst v63  }
0x38: {  	_ =	swait.ge [sflag:s21], $0x2800  }
0x39: {  	[sflag:s21] =	ssyncset.done $0x0  }
0x3a: {  	s17 =	rddreg [dreg:$0xd];
	[sflag:s21] =	ssyncadd.s32 $0xFFFFD800  }
0x3b: {  	[spmem:s17] =	stream.linear.scatter [tilespmem:s20], [sflag:$0x6], $0x2800, $0x38;
	[tilespmem:$0x1BA00] =	vst v63  }
0x3c: {  	_ =	swait.ge [sflag:s21], $0x2800  }
0x3d: {  	[sflag:s21] =	ssyncset.done $0x0  }
0x3e: {  	s18 =	rddreg [dreg:$0xe];
	[sflag:s21] =	ssyncadd.s32 $0xFFFFD800  }
0x3f: {  	[spmem:s18] =	stream.linear.scatter [tilespmem:s20], [sflag:$0x6], $0x2800, $0x38;
	[tilespmem:$0x1BA00] =	vst v63  }
0x40: {  	_ =	swait.ge [sflag:s21], $0x2800  }
0x41: {  	[sflag:s21] =	ssyncset.done $0x0  }
0x42: {  	s15 =	rddreg [dreg:$0xf];
	[sflag:s21] =	ssyncadd.s32 $0xFFFFD800  }
0x43: {  	[spmem:s15] =	stream.linear.scatter [tilespmem:s20], [sflag:$0x6], $0x2800, $0x38;
	[tilespmem:$0x1BA00] =	vst v63  }
0x44: {  	_ =	swait.ge [sflag:s21], $0x2800  }
0x45: {  	[sflag:s21] =	ssyncset.done $0x0  }
0x46: {  	s16 =	rddreg [dreg:$0x10];
	[sflag:s21] =	ssyncadd.s32 $0xFFFFD800  }
0x47: {  	[spmem:s16] =	stream.linear.scatter [tilespmem:s20], [sflag:$0x6], $0x2800, $0x38;
	[tilespmem:$0x1BA00] =	vst v63  }
0x48: {  	_ =	swait.ge [sflag:s21], $0x2800  }
0x49: {  	[sflag:s21] =	ssyncset.done $0x0  }
0x4a: {  	s17 =	rddreg [dreg:$0x11];
	[sflag:s21] =	ssyncadd.s32 $0xFFFFD800  }
0x4b: {  	[spmem:s17] =	stream.linear.scatter [tilespmem:s20], [sflag:$0x6], $0x2800, $0x38;
	[tilespmem:$0x1BA00] =	vst v63  }
0x4c: {  	_ =	swait.ge [sflag:s21], $0x2800  }
0x4d: {  	[sflag:s21] =	ssyncset.done $0x0  }
0x4e: {  	s18 =	rddreg [dreg:$0x12];
	[sflag:s21] =	ssyncadd.s32 $0xFFFFD800  }
0x4f: {  	[spmem:s18] =	stream.linear.scatter [tilespmem:s20], [sflag:$0x6], $0x2400, $0x38;
	[tilespmem:$0x1BA00] =	vst v63  }
0x50: {  	_ =	swait.ge [sflag:s21], $0x2400  }
0x51: {  	[sflag:s21] =	ssyncset.done $0x0  }
0x52: {  	s14 =	simm.s32 $0x0;
	s15 =	simm.s32 $0x200;
	[sflag:s21] =	ssyncadd.s32 $0xFFFFDC00  }
.LBB2_4:
0x53: {  	p0 =	sne.s32 s15, $0x9E00;
	[tilespmem:s14+$0x5670] =	vst v0  }
0x54: {  	[tilespmem:s14+$0x5600] =	vst v0  }
0x55: {  	[tilespmem:s14+$0x5610] =	vst v0  }
.Ltmp1:
0x56: {  	[tilespmem:s14+$0x5620] =	vst v0;
	(pc) =	sbr.rel @p0 .LBB2_4-.Ltmp1, $4  }
0x57: {  	[tilespmem:s14+$0x5630] =	vst v0  }
0x58: {  	[tilespmem:s14+$0x5640] =	vst v0  }
0x59: {  	[tilespmem:s14+$0x5650] =	vst v0  }
0x5a: {  	[tilespmem:s14+$0x5660] =	vst v0;
	s14 =	sshra.s32 s15, $0x2;
	s15 =	sadd.s32 $0x200, s15  }
0x5b: {  	[tilespmem:s14+$0x5670] =	vst v0  }
0x5c: {  	[tilespmem:s14+$0x5600] =	vst v0  }
0x5d: {  	[tilespmem:s14+$0x5610] =	vst v0  }
0x5e: {  	[tilespmem:s14+$0x5620] =	vst v0  }
0x5f: {  	[tilespmem:s14+$0x5630] =	vst v0  }
0x60: {  	[tilespmem:s14+$0x5640] =	vst v0  }
0x61: {  	[tilespmem:s14+$0x5650] =	vst v0  }
0x62: {  	[tilespmem:s14+$0x5660] =	vst v0  }
0x63: {  	s17 =	simm.s32 $0x0;
	[bflag:$0x0] =	sbarrier.arrive $0xFFFF  }
0x64: {  	[tilespmem:s17], [sflag:$0x4] =	stream.linear.gather [hbm4b:s13+s17], $0x100, $0x38;
	[tilespmem:$0x1BA00] =	vst v63  }
0x65: {  	_ =	swait.ge [sflag:s22], $0x100  }
0x66: {  	[sflag:s22] =	ssyncset.done $0x0  }
0x67: {  	[sflag:s22] =	ssyncadd.s32 $0xFFFFFF00  }
0x68: {  	[tilespmem:s20], [sflag:$0x1] =	stream.indirect.gather [hbm4b:s1+s23], $0x80, s17, s23, $0xb8;
	[tilespmem:$0x1BA00] =	vst v63  }
0x69: {  	s15 =	rddreg [dreg:$0x13]  }
0x6a: {  	[tilespmem:s24], [sflag:$0x4] =	stream.linear.gather [hbm4b:s15+s17], $0x100, $0x38;
	[tilespmem:$0x1BA00] =	vst v63  }
0x6b: {  	_ =	swait.ge [sflag:s22], $0x100  }
0x6c: {  	[sflag:s22] =	ssyncset.done $0x0  }
0x6d: {  	[sflag:s22] =	ssyncadd.s32 $0xFFFFFF00  }
0x6e: {  	[tilespmem:s25], [sflag:$0x2] =	stream.indirect.gather [hbm4b:s1+s23], $0x80, s24, s23, $0xb8;
	[tilespmem:$0x1BA00] =	vst v63  }
0x6f: {  	_ = 	snop  }
0x70: {  	[spmem:s3] =	stream.indirect.scatter.add.f32 [tilespmem:s28], [sflag:$0x5], $0x80, s26, s23, $0xb8;
	[tilespmem:$0x1BA00] =	vst v63  }
0x71: {  	s18 =	rddreg [dreg:$0x14]  }
0x72: {  	[tilespmem:s29], [sflag:$0x4] =	stream.linear.gather [hbm4b:s18+s17], $0x100, $0x38;
	[tilespmem:$0x1BA00] =	vst v63  }
0x73: {  	_ =	swait.ge [sflag:s22], $0x100  }
0x74: {  	[sflag:s22] =	ssyncset.done $0x0  }
0x75: {  	[sflag:s22] =	ssyncadd.s32 $0xFFFFFF00  }
0x76: {  	_ =	swait.ge [sflag:s30], $0x2800  }
0x77: {  	[sflag:s30] =	ssyncset.done $0x0  }
0x78: {  	[sflag:s30] =	ssyncadd.s32 $0xFFFFD800  }
0x79: {  	[tilespmem:s28], [sflag:$0x3] =	stream.indirect.gather [hbm4b:s1+s23], $0x80, s29, s23, $0xb8;
	[tilespmem:$0x1BA00] =	vst v63  }
0x7a: {  	_ =	swait.ge [sflag:s31], $0x2800  }
0x7b: {  	[sflag:s31] =	ssyncset.done $0x0  }
0x7c: {  	s16 =	rddreg [dreg:$0x8];
	[sflag:s31] =	ssyncadd.s32 $0xFFFFD800  }
0x7d: {  	[spmem:s3] =	stream.indirect.scatter.add.f32 [tilespmem:s20], [sflag:$0x5], $0x80, s26, s23, $0xb8;
	[tilespmem:$0x1BA00] =	vst v63  }
0x7e: {  	s14 =	sadd.s32 $0x0, s16  }
0x7f: {  	[tilespmem:s2], [sflag:$0x4] =	stream.linear.gather [hbm4b:s14+s4], $0x100, $0x38;
	[tilespmem:$0x1BA00] =	vst v63  }
0x80: {  	_ =	swait.ge [sflag:s22], $0x100  }
0x81: {  	[sflag:s22] =	ssyncset.done $0x0  }
0x82: {  	[sflag:s22] =	ssyncadd.s32 $0xFFFFFF00  }
0x83: {  	_ =	swait.ge [sflag:s30], $0x2800  }
0x84: {  	[sflag:s30] =	ssyncset.done $0x0  }
0x85: {  	[sflag:s30] =	ssyncadd.s32 $0xFFFFD800  }
0x86: {  	[tilespmem:s20], [sflag:$0x1] =	stream.indirect.gather [hbm4b:s1+s23], $0x80, s2, s23, $0xb8;
	[tilespmem:$0x1BA00] =	vst v63  }
0x87: {  	_ =	swait.ge [sflag:s0], $0x2800  }
0x88: {  	s17 =	rddreg [dreg:$0x9];
	[sflag:s0] =	ssyncset.done $0x0  }
0x89: {  	s18 =	rddreg [dreg:$0x7];
	[sflag:s0] =	ssyncadd.s32 $0xFFFFD800  }
0x8a: {  	[spmem:s3] =	stream.indirect.scatter.add.f32 [tilespmem:s25], [sflag:$0x5], $0x80, s17, s23, $0xb8;
	[tilespmem:$0x1BA00] =	vst v63  }
0x8b: {  	s16 =	sadd.s32 $0x0, s18  }
0x8c: {  	[tilespmem:s7], [sflag:$0x4] =	stream.linear.gather [hbm4b:s16+s4], $0x100, $0x38;
	[tilespmem:$0x1BA00] =	vst v63  }
0x8d: {  	_ =	swait.ge [sflag:s22], $0x100  }
0x8e: {  	[sflag:s22] =	ssyncset.done $0x0  }
0x8f: {  	[sflag:s22] =	ssyncadd.s32 $0xFFFFFF00  }
0x90: {  	_ =	swait.ge [sflag:s30], $0x2800  }
0x91: {  	[sflag:s30] =	ssyncset.done $0x0  }
0x92: {  	[sflag:s30] =	ssyncadd.s32 $0xFFFFD800  }
0x93: {  	[tilespmem:s25], [sflag:$0x2] =	stream.indirect.gather [hbm4b:s1+s23], $0x80, s7, s23, $0xb8;
	[tilespmem:$0x1BA00] =	vst v63  }
0x94: {  	_ =	swait.ge [sflag:s8], $0x2800  }
0x95: {  	s17 =	rddreg [dreg:$0xa];
	[sflag:s8] =	ssyncset.done $0x0  }
0x96: {  	s18 =	rddreg [dreg:$0x6];
	[sflag:s8] =	ssyncadd.s32 $0xFFFFD800  }
0x97: {  	[spmem:s3] =	stream.indirect.scatter.add.f32 [tilespmem:s28], [sflag:$0x5], $0x80, s17, s23, $0xb8;
	[tilespmem:$0x1BA00] =	vst v63  }
0x98: {  	s16 =	sadd.s32 $0x0, s18  }
0x99: {  	[tilespmem:s9], [sflag:$0x4] =	stream.linear.gather [hbm4b:s16+s4], $0x100, $0x38;
	[tilespmem:$0x1BA00] =	vst v63  }
0x9a: {  	_ =	swait.ge [sflag:s22], $0x100  }
0x9b: {  	[sflag:s22] =	ssyncset.done $0x0  }
0x9c: {  	[sflag:s22] =	ssyncadd.s32 $0xFFFFFF00  }
0x9d: {  	_ =	swait.ge [sflag:s30], $0x2800  }
0x9e: {  	[sflag:s30] =	ssyncset.done $0x0  }
0x9f: {  	[sflag:s30] =	ssyncadd.s32 $0xFFFFD800  }
0xa0: {  	[tilespmem:s28], [sflag:$0x3] =	stream.indirect.gather [hbm4b:s1+s23], $0x80, s9, s23, $0xb8;
	[tilespmem:$0x1BA00] =	vst v63  }
0xa1: {  	_ =	swait.ge [sflag:s31], $0x2800  }
0xa2: {  	[sflag:s31] =	ssyncset.done $0x0  }
0xa3: {  	s18 =	sshrl.u32 s19, $0x3;
	s17 =	rddreg [dreg:$0xb];
	[sflag:s31] =	ssyncadd.s32 $0xFFFFD800  }
0xa4: {  	[spmem:s3] =	stream.indirect.scatter.add.f32 [tilespmem:s20], [sflag:$0x5], $0x80, s17, s23, $0xb8;
	[tilespmem:$0x1BA00] =	vst v63  }
0xa5: {  	s16 =	sadd.s32 s5, s18  }
0xa6: {  	[tilespmem:s4], [sflag:$0x4] =	stream.linear.gather [hbm4b:s16+s4], $0x100, $0x38;
	[tilespmem:$0x1BA00] =	vst v63  }
0xa7: {  	_ =	swait.ge [sflag:s22], $0x100  }
0xa8: {  	[sflag:s22] =	ssyncset.done $0x0  }
0xa9: {  	[sflag:s22] =	ssyncadd.s32 $0xFFFFFF00  }
0xaa: {  	_ =	swait.ge [sflag:s30], $0x2800  }
0xab: {  	[sflag:s30] =	ssyncset.done $0x0  }
0xac: {  	[sflag:s30] =	ssyncadd.s32 $0xFFFFD800  }
0xad: {  	[tilespmem:s20], [sflag:$0x1] =	stream.indirect.gather [hbm4b:s1+s23], $0x80, s4, s23, $0xb8;
	[tilespmem:$0x1BA00] =	vst v63  }
0xae: {  	_ =	swait.ge [sflag:s0], $0x2800  }
0xaf: {  	[sflag:s0] =	ssyncset.done $0x0  }
0xb0: {  	s17 =	rddreg [dreg:$0x5];
	[sflag:s0] =	ssyncadd.s32 $0xFFFFD800  }
0xb1: {  	[spmem:s3] =	stream.indirect.scatter.add.f32 [tilespmem:s25], [sflag:$0x5], $0x80, s10, s23, $0xb8;
	[tilespmem:$0x1BA00] =	vst v63  }
0xb2: {  	s14 =	sadd.s32 $0x0, s17  }
0xb3: {  	[tilespmem:s24], [sflag:$0x4] =	stream.linear.gather [hbm4b:s14+s4], $0x100, $0x38;
	[tilespmem:$0x1BA00] =	vst v63  }
0xb4: {  	_ =	swait.ge [sflag:s22], $0x100  }
0xb5: {  	[sflag:s22] =	ssyncset.done $0x0  }
0xb6: {  	[sflag:s22] =	ssyncadd.s32 $0xFFFFFF00  }
0xb7: {  	_ =	swait.ge [sflag:s30], $0x2800  }
0xb8: {  	[sflag:s30] =	ssyncset.done $0x0  }
0xb9: {  	[sflag:s30] =	ssyncadd.s32 $0xFFFFD800  }
0xba: {  	[tilespmem:s25], [sflag:$0x2] =	stream.indirect.gather [hbm4b:s1+s23], $0x80, s24, s23, $0xb8;
	[tilespmem:$0x1BA00] =	vst v63  }
0xbb: {  	_ =	swait.ge [sflag:s8], $0x2800  }
0xbc: {  	s15 =	sadd.s32 $0x600, s19;
	[sflag:s8] =	ssyncset.done $0x0;
	s18 =	rddreg [dreg:$0x4]  }
0xbd: {  	s14 =	simm.s32 $0xC0;
	[sflag:s8] =	ssyncadd.s32 $0xFFFFD800;
	s16 =	sadd.s32 $0x0, s18  }
0xbe: {  	[spmem:s3] =	stream.indirect.scatter.add.f32 [tilespmem:s28], [sflag:$0x5], $0x80, s11, s23, $0xb8;
	[tilespmem:$0x1BA00] =	vst v63  }
.LBB2_6:
0xbf: {  	[tilespmem:s29], [sflag:$0x4] =	stream.linear.gather [hbm4b:s16+s4], $0x100, $0x38;
	[tilespmem:$0x1BA00] =	vst v63  }
0xc0: {  	_ =	swait.ge [sflag:s22], $0x100  }
0xc1: {  	[sflag:s22] =	ssyncset.done $0x0  }
0xc2: {  	[sflag:s22] =	ssyncadd.s32 $0xFFFFFF00  }
0xc3: {  	_ =	swait.ge [sflag:s30], $0x2800  }
0xc4: {  	[sflag:s30] =	ssyncset.done $0x0  }
0xc5: {  	[sflag:s30] =	ssyncadd.s32 $0xFFFFD800  }
0xc6: {  	[tilespmem:s28], [sflag:$0x3] =	stream.indirect.gather [hbm4b:s1+s23], $0x80, s29, s23, $0xb8;
	[tilespmem:$0x1BA00] =	vst v63  }
0xc7: {  	_ =	swait.ge [sflag:s31], $0x2800  }
0xc8: {  	[sflag:s31] =	ssyncset.done $0x0  }
0xc9: {  	s16 =	smov.u32 s14;
	s17 =	rddreg [dreg:$0x8];
	[sflag:s31] =	ssyncadd.s32 $0xFFFFD800  }
0xca: {  	[spmem:s3] =	stream.indirect.scatter.add.f32 [tilespmem:s20], [sflag:$0x5], $0x80, s26, s23, $0xb8;
	[tilespmem:$0x1BA00] =	vst v63  }
0xcb: {  	s17 =	sadd.s32 s16, s17  }
0xcc: {  	[tilespmem:s2], [sflag:$0x4] =	stream.linear.gather [hbm4b:s17+s4], $0x100, $0x38;
	[tilespmem:$0x1BA00] =	vst v63  }
0xcd: {  	_ =	swait.ge [sflag:s22], $0x100  }
0xce: {  	[sflag:s22] =	ssyncset.done $0x0  }
0xcf: {  	[sflag:s22] =	ssyncadd.s32 $0xFFFFFF00  }
0xd0: {  	_ =	swait.ge [sflag:s30], $0x2800  }
0xd1: {  	[sflag:s30] =	ssyncset.done $0x0  }
0xd2: {  	[sflag:s30] =	ssyncadd.s32 $0xFFFFD800  }
0xd3: {  	[tilespmem:s20], [sflag:$0x1] =	stream.indirect.gather [hbm4b:s1+s23], $0x80, s2, s23, $0xb8;
	[tilespmem:$0x1BA00] =	vst v63  }
0xd4: {  	_ =	swait.ge [sflag:s0], $0x2800  }
0xd5: {  	s17 =	rddreg [dreg:$0x9];
	[sflag:s0] =	ssyncset.done $0x0  }
0xd6: {  	s18 =	rddreg [dreg:$0x7];
	[sflag:s0] =	ssyncadd.s32 $0xFFFFD800  }
0xd7: {  	[spmem:s3] =	stream.indirect.scatter.add.f32 [tilespmem:s25], [sflag:$0x5], $0x80, s17, s23, $0xb8;
	[tilespmem:$0x1BA00] =	vst v63  }
0xd8: {  	s18 =	sadd.s32 s16, s18  }
0xd9: {  	[tilespmem:s7], [sflag:$0x4] =	stream.linear.gather [hbm4b:s18+s4], $0x100, $0x38;
	[tilespmem:$0x1BA00] =	vst v63  }
0xda: {  	_ =	swait.ge [sflag:s22], $0x100  }
0xdb: {  	[sflag:s22] =	ssyncset.done $0x0  }
0xdc: {  	[sflag:s22] =	ssyncadd.s32 $0xFFFFFF00  }
0xdd: {  	_ =	swait.ge [sflag:s30], $0x2800  }
0xde: {  	[sflag:s30] =	ssyncset.done $0x0  }
0xdf: {  	[sflag:s30] =	ssyncadd.s32 $0xFFFFD800  }
0xe0: {  	[tilespmem:s25], [sflag:$0x2] =	stream.indirect.gather [hbm4b:s1+s23], $0x80, s7, s23, $0xb8;
	[tilespmem:$0x1BA00] =	vst v63  }
0xe1: {  	_ =	swait.ge [sflag:s8], $0x2800  }
0xe2: {  	s17 =	rddreg [dreg:$0xa];
	[sflag:s8] =	ssyncset.done $0x0  }
0xe3: {  	s18 =	rddreg [dreg:$0x6];
	[sflag:s8] =	ssyncadd.s32 $0xFFFFD800  }
0xe4: {  	[spmem:s3] =	stream.indirect.scatter.add.f32 [tilespmem:s28], [sflag:$0x5], $0x80, s17, s23, $0xb8;
	[tilespmem:$0x1BA00] =	vst v63  }
0xe5: {  	s18 =	sadd.s32 s16, s18  }
0xe6: {  	[tilespmem:s9], [sflag:$0x4] =	stream.linear.gather [hbm4b:s18+s4], $0x100, $0x38;
	[tilespmem:$0x1BA00] =	vst v63  }
0xe7: {  	_ =	swait.ge [sflag:s22], $0x100  }
0xe8: {  	[sflag:s22] =	ssyncset.done $0x0  }
0xe9: {  	[sflag:s22] =	ssyncadd.s32 $0xFFFFFF00  }
0xea: {  	_ =	swait.ge [sflag:s30], $0x2800  }
0xeb: {  	[sflag:s30] =	ssyncset.done $0x0  }
0xec: {  	[sflag:s30] =	ssyncadd.s32 $0xFFFFD800  }
0xed: {  	[tilespmem:s28], [sflag:$0x3] =	stream.indirect.gather [hbm4b:s1+s23], $0x80, s9, s23, $0xb8;
	[tilespmem:$0x1BA00] =	vst v63  }
0xee: {  	_ =	swait.ge [sflag:s31], $0x2800  }
0xef: {  	[sflag:s31] =	ssyncset.done $0x0  }
0xf0: {  	s18 =	sshrl.u32 s15, $0x3;
	s17 =	rddreg [dreg:$0xb];
	[sflag:s31] =	ssyncadd.s32 $0xFFFFD800  }
0xf1: {  	[spmem:s3] =	stream.indirect.scatter.add.f32 [tilespmem:s20], [sflag:$0x5], $0x80, s17, s23, $0xb8;
	[tilespmem:$0x1BA00] =	vst v63  }
0xf2: {  	s18 =	sadd.s32 s5, s18  }
0xf3: {  	[tilespmem:s4], [sflag:$0x4] =	stream.linear.gather [hbm4b:s18+s4], $0x100, $0x38;
	[tilespmem:$0x1BA00] =	vst v63  }
0xf4: {  	_ =	swait.ge [sflag:s22], $0x100  }
0xf5: {  	[sflag:s22] =	ssyncset.done $0x0  }
0xf6: {  	[sflag:s22] =	ssyncadd.s32 $0xFFFFFF00  }
0xf7: {  	_ =	swait.ge [sflag:s30], $0x2800  }
0xf8: {  	[sflag:s30] =	ssyncset.done $0x0  }
0xf9: {  	[sflag:s30] =	ssyncadd.s32 $0xFFFFD800  }
0xfa: {  	[tilespmem:s20], [sflag:$0x1] =	stream.indirect.gather [hbm4b:s1+s23], $0x80, s4, s23, $0xb8;
	[tilespmem:$0x1BA00] =	vst v63  }
0xfb: {  	_ =	swait.ge [sflag:s0], $0x2800  }
0xfc: {  	[sflag:s0] =	ssyncset.done $0x0  }
0xfd: {  	s18 =	rddreg [dreg:$0x5];
	[sflag:s0] =	ssyncadd.s32 $0xFFFFD800  }
0xfe: {  	[spmem:s3] =	stream.indirect.scatter.add.f32 [tilespmem:s25], [sflag:$0x5], $0x80, s10, s23, $0xb8;
	[tilespmem:$0x1BA00] =	vst v63  }
0xff: {  	s17 =	sadd.s32 s16, s18  }
0x100: {  	[tilespmem:s24], [sflag:$0x4] =	stream.linear.gather [hbm4b:s17+s4], $0x100, $0x38;
	[tilespmem:$0x1BA00] =	vst v63  }
0x101: {  	_ =	swait.ge [sflag:s22], $0x100  }
0x102: {  	[sflag:s22] =	ssyncset.done $0x0  }
0x103: {  	[sflag:s22] =	ssyncadd.s32 $0xFFFFFF00  }
0x104: {  	_ =	swait.ge [sflag:s30], $0x2800  }
0x105: {  	[sflag:s30] =	ssyncset.done $0x0  }
0x106: {  	p0 =	sne.s32 s14, $0xF00;
	[sflag:s30] =	ssyncadd.s32 $0xFFFFD800  }
0x107: {  	[tilespmem:s25], [sflag:$0x2] =	stream.indirect.gather [hbm4b:s1+s23], $0x80, s24, s23, $0xb8;
	[tilespmem:$0x1BA00] =	vst v63  }
.Ltmp2:
0x108: {  	_ = 	snop;
	(pc) =	sbr.rel @p0 .LBB2_6-.Ltmp2, $4  }
0x109: {  	_ =	swait.ge [sflag:s8], $0x2800  }
0x10a: {  	s14 =	sadd.s32 $0xC0, s14;
	[sflag:s8] =	ssyncset.done $0x0;
	s18 =	rddreg [dreg:$0x4]  }
0x10b: {  	s15 =	sadd.s32 $0x600, s15;
	[sflag:s8] =	ssyncadd.s32 $0xFFFFD800;
	s16 =	sadd.s32 s16, s18  }
0x10c: {  	[spmem:s3] =	stream.indirect.scatter.add.f32 [tilespmem:s28], [sflag:$0x5], $0x80, s11, s23, $0xb8;
	[tilespmem:$0x1BA00] =	vst v63  }
0x10d: {  	[tilespmem:s29], [sflag:$0x4] =	stream.linear.gather [hbm4b:s16+s4], $0x100, $0x38;
	[tilespmem:$0x1BA00] =	vst v63  }
0x10e: {  	_ =	swait.ge [sflag:s30], $0x2800  }
0x10f: {  	[sflag:s30] =	ssyncset.done $0x0  }
0x110: {  	[sflag:s30] =	ssyncadd.s32 $0xFFFFD800  }
0x111: {  	_ =	swait.ge [sflag:s31], $0x2800  }
0x112: {  	[sflag:s31] =	ssyncset.done $0x0  }
0x113: {  	[sflag:s31] =	ssyncadd.s32 $0xFFFFD800  }
0x114: {  	_ =	swait.ge [sflag:s0], $0x2800  }
0x115: {  	[sflag:s0] =	ssyncset.done $0x0  }
0x116: {  	[sflag:s0] =	ssyncadd.s32 $0xFFFFD800  }
0x117: {  	_ =	swait.ge [sflag:s22], $0x100  }
0x118: {  	[sflag:s22] =	ssyncset.done $0x0  }
0x119: {  	s14 =	stileid.u32;
	[sflag:s22] =	ssyncadd.s32 $0xFFFFFF00  }
0x11a: {  	s14 =	sshll.u32 s14, $0x6;
	[bflag:$0x0] =	sbarrier.arrive $0xFFFF  }
0x11b: {  	s15 =	sshrl.u32 s6, $0x3;
	s14 =	sor.u32 $0x1C06, s14;
	s17 =	rddreg [dreg:$0x15]  }
0x11c: {  	[hbm:s17], [sflag:s14] =	dma.local [spmem:s15], $0x2780  }
0x11d: {  	_ =	swait.ge [sflag:s21], $0x2780  }
0x11e: {  	s12 =	sadd.s32 $0x1, s12;
	s18 =	rddreg [dreg:$0x16]  }
0x11f: {  	p0 =	sne.s32 s12, s18  }
.Ltmp3:
0x120: {  	_ = 	snop;
	(pc) =	sbr.rel @p0 .LBB2_1-.Ltmp3, $3  }
0x121: {  	_ =	sdelay $0x1  }
0x122: {  	[sflag:s21] =	ssyncset.done $0x0  }
0x123: {  	[sflag:s21] =	ssyncadd.s32 $0xFFFFD880  }
0x124: {  	_ =	sfence.sel $0x180000  }
0x125: {  	[bflag:$0x0] =	sbarrier.arrive $0xFFFF  }
0x126: {  	_ =	strace $0x9000004A  }
0x127: {  	s0 =	stileid.u32;
	[bflag:$0x2] =	sbarrier.arrive $0xFFFF  }
0x128: {  	p0 =	sne.s32 s0, $0x0;
	s0 =	rddreg [dreg:$0x3]  }
0x129: {  	s0 =	sadd.s32 @!p0 $0x100000, s0  }
0x12a: {  	[sflag:s0] =	ssyncadd.tile.s32 @!p0 $0x1;
	_ =	shalt  }
.Lfunc_end2:
_tile_overlayer_lowered:
.L_overlay_start_2:
0x12b: {  	(tag) =	ssettag $0x2  }
0x12c: {  	s0 =	rddreg [dreg:$0x0];
	s2 =	stileid.u32  }
0x12d: {  	s1 =	rddreg [dreg:$0x1];
	p0 =	sne.s32 s2, $0x0  }
0x12e: {  	s3 =	rddreg [dreg:$0x2];
	[bflag:$0x3] =	sbarrier.arrive $0xFFFF;
	s2 =	simm.s32 @!p0 $0x1C06  }
0x12f: {  	[timem:s3], [sflag:s2] =	dma.local @!p0 [hbm:s0], s1  }
0x130: {  	s0 =	simm.s32 @!p0 $0x6  }
0x131: {  	_ =	swait.ge @!p0 [sflag:s0], s1  }
0x132: {  	s1 =	ssub.s32 @!p0 $0x0, s1;
	[sflag:s0] =	ssyncset.done @!p0 $0x0  }
0x133: {  	[sflag:s0] =	ssyncadd.s32 @!p0 s1  }
0x134: {  	[bflag:$0x3] =	sbarrier.arrive $0xFFFF  }
0x135: {  	_ =	shalt  }

</sc_bundles>
